<compile_context>
chip_gen: v7x
topology: tpu7x:2x2x1
jax: 0.10.2.dev20260603
libtpu: 0.0.44.dev20260713+nightly
codegen_flags: <defaults>
</compile_context>

<pallas_src>
import functools

import jax
import jax.numpy as jnp
from jax import lax
from jax.experimental import pallas as pl
from jax.experimental.pallas import tpu as pltpu
from jax.experimental.pallas import tpu_sc as plsc

NC = 1024
KS = 128
NEG = -3.0e38
L = 16

_SC_CORES = 2
_SC_SUBCORES = 16
_NW = _SC_CORES * _SC_SUBCORES
_ROWS_PER_W = NC // _NW
_NBATCH = _ROWS_PER_W // L


def _iota16():
    return lax.broadcasted_iota(jnp.int32, (L,), 0)


def _splat(x, dtype=jnp.int32):
    return jnp.full((L,), x, dtype=dtype)




def matmul_body(e_ref, w_ref, m_ref):
    m_ref[...] = jnp.dot(e_ref[...], w_ref[...],
                         preferred_element_type=jnp.float32)




def _max4(vals, idxs):
    a, b, c, d = vals
    ia, ib, ic, id_ = idxs
    t1 = b > a
    m1 = jnp.maximum(a, b)
    i1 = jnp.where(t1, ib, ia)
    t2 = d > c
    m2 = jnp.maximum(c, d)
    i2 = jnp.where(t2, id_, ic)
    t3 = m2 > m1
    return jnp.maximum(m1, m2), jnp.where(t3, i2, i1)


def _table_body(m_hbm, idt_hbm, idc_hbm, pos_hbm, *scr):
    wid = lax.axis_index("s") * _SC_CORES + lax.axis_index("c")
    iota = _iota16()
    batches = []
    for b in range(_NBATCH):
        leaf, g0v, g0i, g1v, g1i, g2v, g2i, g3v, g3i, cur, pos = (
            scr[b * 11:(b + 1) * 11])
        lvl = ((leaf, None), (g0v, g0i), (g1v, g1i), (g2v, g2i), (g3v, g3i))
        batches.append((wid * _ROWS_PER_W + b * L, lvl, cur, pos))

    for t0, lvl, cur, pos in batches:
        pltpu.sync_copy(m_hbm.at[pl.ds(t0, L), :], lvl[0][0])
        pltpu.sync_copy(idt_hbm, pos)
        pltpu.sync_copy(idc_hbm, cur)

    for h in range(1, 5):

        def build(n, _, h=h):
            for _, lvl, _, _ in batches:
                srcv, srci = lvl[h - 1]
                dstv, dsti = lvl[h]
                vals, idxs = [], []
                for e in range(4):
                    vals.append(plsc.load_gather(srcv, [iota, _splat(4 * n + e)]))
                    if h == 1:
                        idxs.append(_splat(4 * n + e))
                    else:
                        idxs.append(plsc.load_gather(srci, [iota, _splat(4 * n + e)]))
                nv, ni = _max4(vals, idxs)
                plsc.store_scatter(dstv, [iota, _splat(n)], nv)
                plsc.store_scatter(dsti, [iota, _splat(n)], ni)
            return 0

        lax.fori_loop(0, NC // (4 ** h), build, 0)

    def step(i, _):
        for _, lvl, cur, pos in batches:
            leaf = lvl[0][0]
            g3v, g3i = lvl[4]
            rv = [plsc.load_gather(g3v, [iota, _splat(e)]) for e in range(4)]
            ri = [plsc.load_gather(g3i, [iota, _splat(e)]) for e in range(4)]
            _, s = _max4(rv, ri)

            j = plsc.load_gather(pos, [iota, s])
            a = plsc.load_gather(cur, [iota, _splat(i)])
            plsc.store_scatter(cur, [iota, j], a, mask=j < _splat(KS))
            plsc.store_scatter(pos, [iota, a], j, mask=a != s)
            plsc.store_scatter(pos, [iota, s], _splat(i))

            plsc.store_scatter(leaf, [iota, s], _splat(NEG, jnp.float32))
            for h in range(1, 5):
                srcv, srci = lvl[h - 1]
                dstv, dsti = lvl[h]
                g = lax.shift_right_logical(s, 2 * h)
                base = 4 * g
                vals, idxs = [], []
                for e in range(4):
                    vals.append(plsc.load_gather(srcv, [iota, base + e]))
                    if h == 1:
                        idxs.append(base + e)
                    else:
                        idxs.append(plsc.load_gather(srci, [iota, base + e]))
                nv, ni = _max4(vals, idxs)
                plsc.store_scatter(dstv, [iota, g], nv)
                plsc.store_scatter(dsti, [iota, g], ni)
        return 0

    lax.fori_loop(0, KS, step, 0)

    for t0, lvl, cur, pos in batches:
        pltpu.sync_copy(pos, pos_hbm.at[pl.ds(t0, L), :])



_QPW = 8192 // _NW
_QCH = 64


def _answer_body(posf_hbm, x1_hbm, x2_hbm, y2_hbm,
                 x1v, x2v, idx2, outv, sem):
    wid = lax.axis_index("s") * _SC_CORES + lax.axis_index("c")
    base = wid * _QPW

    pltpu.sync_copy(x1_hbm.at[pl.ds(base, _QPW)], x1v)
    pltpu.sync_copy(x2_hbm.at[pl.ds(base, _QPW)], x2v)

    for k in range(_QPW // L):
        a = x1v[pl.ds(k * L, L)]
        c = x2v[pl.ds(k * L, L)]
        idx2[k * L // _QCH, pl.ds((k * L) % _QCH, L)] = a * NC + c

    for j in range(_QPW // _QCH):
        pltpu.async_copy(posf_hbm.at[idx2.at[j]],
                         outv.at[pl.ds(j * _QCH, _QCH)], sem).wait()

    pltpu.sync_copy(outv, y2_hbm.at[pl.ds(base, _QPW)])




def _run(x1f, x2f, E, W):
    nc = E.shape[0]

    m = pl.pallas_call(
        matmul_body,
        grid=(8,),
        in_specs=[
            pl.BlockSpec((nc // 8, nc), lambda i: (i, 0)),
            pl.BlockSpec((nc, nc), lambda i: (0, 0)),
        ],
        out_specs=pl.BlockSpec((nc // 8, nc), lambda i: (i, 0)),
        out_shape=jax.ShapeDtypeStruct((nc, nc), jnp.float32),
    )(E, W)

    idt = jnp.tile(jnp.arange(nc, dtype=jnp.int32)[None, :], (L, 1))
    idc = jnp.tile(jnp.arange(KS, dtype=jnp.int32)[None, :], (L, 1))

    mesh = plsc.VectorSubcoreMesh(core_axis_name="c", subcore_axis_name="s")

    table = functools.partial(
        pl.kernel,
        out_type=jax.ShapeDtypeStruct((nc, nc), jnp.int32),
        mesh=mesh,
        compiler_params=pltpu.CompilerParams(use_tc_tiling_on_sc=False, needs_layout_passes=False),
        scratch_types=[
            pltpu.VMEM((L, nc), jnp.float32),
            pltpu.VMEM((L, nc // 4), jnp.float32),
            pltpu.VMEM((L, nc // 4), jnp.int32),
            pltpu.VMEM((L, nc // 16), jnp.float32),
            pltpu.VMEM((L, nc // 16), jnp.int32),
            pltpu.VMEM((L, nc // 64), jnp.float32),
            pltpu.VMEM((L, nc // 64), jnp.int32),
            pltpu.VMEM((L, nc // 256), jnp.float32),
            pltpu.VMEM((L, nc // 256), jnp.int32),
            pltpu.VMEM((L, KS), jnp.int32),
            pltpu.VMEM((L, nc), jnp.int32),
        ] * _NBATCH,
    )(_table_body)
    pos_tab = table(m, idt, idc)

    answer = functools.partial(
        pl.kernel,
        out_type=jax.ShapeDtypeStruct((8192,), jnp.int32),
        mesh=mesh,
        compiler_params=pltpu.CompilerParams(use_tc_tiling_on_sc=False, needs_layout_passes=False),
        scratch_types=[
            pltpu.VMEM((_QPW,), jnp.int32),
            pltpu.VMEM((_QPW,), jnp.int32),
            pltpu.VMEM((_QPW // _QCH, _QCH), jnp.int32),
            pltpu.VMEM((_QPW,), jnp.int32),
            pltpu.SemaphoreType.DMA,
        ],
    )(_answer_body)
    return answer(pos_tab.reshape(-1), x1f, x2f)


@jax.jit
def kernel(x, E, W):
    n = x.shape[1]
    split = n - n // 2
    x1 = x[:, :split]
    x2 = x[:, split:]
    y2 = _run(x1.reshape(-1), x2.reshape(-1), E, W)
    return jnp.concatenate([x1, y2.reshape(x2.shape).astype(x1.dtype)],
                           axis=1)

# --- scband reference (transcript-rebuilt; emitter-appended) ---
"""Pipeline reference for scband-coupling-74096775791239 (READ-ONLY COPY).

The authoritative reference and input builder live on the scoring server;
editing this copy changes nothing except your own understanding.
"""

import jax, jax.numpy as jnp
import numpy as np

NUM_CLASSES = 1024
K_SORT = 128
N_CHANNELS = 4096
SPLIT = N_CHANNELS - N_CHANNELS // 2  # 2048
D_MODEL = 1024
BATCH = 4


def setup_inputs(seed: int = 0) -> dict:
    key = jax.random.key(seed)
    k1, k2, k3 = jax.random.split(key, 3)
    x = jax.random.randint(k1, (BATCH, N_CHANNELS), 0, NUM_CLASSES, dtype=jnp.int32)
    # NN parameters: Embedding table E and projection W (NN(x1) = transpose(E[x1] @ W, (0,2,1)))
    E = jax.random.normal(k2, (NUM_CLASSES, D_MODEL), dtype=jnp.float32) * 0.02
    W = jax.random.normal(k3, (D_MODEL, NUM_CLASSES), dtype=jnp.float32) * 0.02
    return {"x": x, "E": E, "W": W}


def reference(x, E, W):
    x1 = x[:, :SPLIT]
    x2 = x[:, SPLIT:]
    # NN(x1): embedding gather + dense projection -> [B, num_classes, S1];
    # module then does .permute((0,2,1)) -> [B, S1, num_classes], which equals logits directly
    h = jnp.take(E, x1, axis=0)          # [B, S1, D]
    p_x2_given_x1 = h @ W                # [B, S1, K] (already in post-permute layout)
    x2_oh = jax.nn.one_hot(x2, NUM_CLASSES, dtype=jnp.float32)  # [B, S2, K]
    # conditional_permutation (reverse=False)
    p = p_x2_given_x1.reshape(-1, NUM_CLASSES)
    x2f = x2_oh.reshape(-1, NUM_CLASSES)
    rows = p.shape[0]
    ridx = jnp.arange(rows)
    perm = jnp.tile(jnp.arange(NUM_CLASSES, dtype=jnp.int32), (rows, 1))
    for i in range(K_SORT):
        max_idx = jnp.argmax(p[:, i:], axis=1) + i          # [rows]
        p = p.at[ridx, max_idx].set(p[:, i])                # scatter overwrite
        p_i = perm[ridx, max_idx]                           # gather
        perm = perm.at[ridx, max_idx].set(perm[:, i])       # scatter overwrite
        perm = perm.at[:, i].set(p_i)
    y2 = jnp.take_along_axis(x2f, perm, axis=1)             # gather along classes
    y2 = jnp.argmax(y2.reshape(x2_oh.shape), axis=-1)       # [B, S2]
    return jnp.concatenate([x1, y2.astype(x1.dtype)], axis=1)

if __name__ == "__main__":
    import jax
    _d = setup_inputs()
    print(jax.jit(kernel)(*tuple(_d.values())))

</pallas_src>

<mosaic_0001>
#map = affine_map<(d0, d1) -> (0)>
module attributes {stable_mosaic.version = 14 : i64} {
  func.func @_answer_body(%arg0: i32, %arg1: i32, %arg2: memref<1048576xi32, #tpu.memory_space<hbm>>, %arg3: memref<8192xi32, #tpu.memory_space<hbm>>, %arg4: memref<8192xi32, #tpu.memory_space<hbm>>, %arg5: memref<8192xi32, #tpu.memory_space<hbm>>, %arg6: memref<256xi32, #tpu.memory_space<vmem>>, %arg7: memref<256xi32, #tpu.memory_space<vmem>>, %arg8: memref<4x64xi32, #tpu.memory_space<vmem>>, %arg9: memref<256xi32, #tpu.memory_space<vmem>>, %arg10: memref<!tpu.dma_semaphore, #tpu.memory_space<semaphore_mem>>) attributes {dimension_semantics = [#tpu.dimension_semantics<core_parallel>, #tpu.dimension_semantics<subcore_parallel>], iteration_bounds = array<i64: 2, 16>, scalar_prefetch = 0 : i64, scratch_operands = 5 : i64, tpu.core_type = #tpu.core_type<sc_vector_subcore>, window_params = [{transform_indices = #map}, {transform_indices = #map}, {transform_indices = #map}, {transform_indices = #map}]} {
    %mul3A = arith.constant 2 : i32
    %mul3A_0 = arith.muli %arg1, %mul3A : i32
    %add3A = arith.addi %mul3A_0, %arg0 : i32
    %mul3A_1 = arith.constant 256 : i32
    %mul3A_2 = arith.muli %add3A, %mul3A_1 : i32
    "tpu.region"() ({
      %run_scoped3A = tpu.sem_alloc : memref<!tpu.dma_semaphore, #tpu.memory_space<semaphore_mem>>
      %dma_start3A_255 = tpu.memref_slice %arg3[%mul3A_2] : memref<8192xi32, #tpu.memory_space<hbm>> -> memref<256xi32, #tpu.memory_space<hbm>>
      %dma_start3A_256 = tpu.memref_slice %arg3[%mul3A_2] : memref<8192xi32, #tpu.memory_space<hbm>> -> memref<256xi32, #tpu.memory_space<hbm>>
      tpu.enqueue_dma source(%dma_start3A_256 : memref<256xi32, #tpu.memory_space<hbm>>) target(%arg6 : memref<256xi32, #tpu.memory_space<vmem>>) target_semaphore(%run_scoped3A : memref<!tpu.dma_semaphore, #tpu.memory_space<semaphore_mem>>)
      %dma_wait3A_257 = tpu.memref_slice %arg3[%mul3A_2] : memref<8192xi32, #tpu.memory_space<hbm>> -> memref<256xi32, #tpu.memory_space<hbm>>
      %dma_wait3A_258 = tpu.memref_slice %arg3[%mul3A_2] : memref<8192xi32, #tpu.memory_space<hbm>> -> memref<256xi32, #tpu.memory_space<hbm>>
      tpu.wait_dma2 semaphore(%run_scoped3A : memref<!tpu.dma_semaphore, #tpu.memory_space<semaphore_mem>>) src(%dma_wait3A_258 : memref<256xi32, #tpu.memory_space<hbm>>) dst(%arg6 : memref<256xi32, #tpu.memory_space<vmem>>)
      tpu.yield
    }) : () -> ()
    "tpu.region"() ({
      %run_scoped3A = tpu.sem_alloc : memref<!tpu.dma_semaphore, #tpu.memory_space<semaphore_mem>>
      %dma_start3A_255 = tpu.memref_slice %arg4[%mul3A_2] : memref<8192xi32, #tpu.memory_space<hbm>> -> memref<256xi32, #tpu.memory_space<hbm>>
      %dma_start3A_256 = tpu.memref_slice %arg4[%mul3A_2] : memref<8192xi32, #tpu.memory_space<hbm>> -> memref<256xi32, #tpu.memory_space<hbm>>
      tpu.enqueue_dma source(%dma_start3A_256 : memref<256xi32, #tpu.memory_space<hbm>>) target(%arg7 : memref<256xi32, #tpu.memory_space<vmem>>) target_semaphore(%run_scoped3A : memref<!tpu.dma_semaphore, #tpu.memory_space<semaphore_mem>>)
      %dma_wait3A_257 = tpu.memref_slice %arg4[%mul3A_2] : memref<8192xi32, #tpu.memory_space<hbm>> -> memref<256xi32, #tpu.memory_space<hbm>>
      %dma_wait3A_258 = tpu.memref_slice %arg4[%mul3A_2] : memref<8192xi32, #tpu.memory_space<hbm>> -> memref<256xi32, #tpu.memory_space<hbm>>
      tpu.wait_dma2 semaphore(%run_scoped3A : memref<!tpu.dma_semaphore, #tpu.memory_space<semaphore_mem>>) src(%dma_wait3A_258 : memref<256xi32, #tpu.memory_space<hbm>>) dst(%arg7 : memref<256xi32, #tpu.memory_space<vmem>>)
      tpu.yield
    }) : () -> ()
    %get3A = arith.constant 0 : index
    %get3A_3 = tpu.vector_load %arg6[%get3A] {strides = array<i32>} : memref<256xi32, #tpu.memory_space<vmem>>, vector<16xi32>,
    %get3A_4 = arith.constant 0 : index
    %get3A_5 = tpu.vector_load %arg7[%get3A_4] {strides = array<i32>} : memref<256xi32, #tpu.memory_space<vmem>>, vector<16xi32>,
    %mul3A_6 = arith.constant 1024 : i32
    %mul3A_7 = vector.broadcast %mul3A_6 : i32 to vector<16xi32>
    %mul3A_8 = arith.muli %get3A_3, %mul3A_7 : vector<16xi32>
    %add3A_9 = arith.addi %mul3A_8, %get3A_5 : vector<16xi32>
    %swap3A = arith.constant 0 : i32
    %swap3A_10 = arith.index_cast %swap3A : i32 to index
    %swap3A_11 = arith.constant 0 : index
    %swap3A_12 = tpu.vector_load %arg8[%swap3A_10, %swap3A_11] {strides = array<i32>} : memref<4x64xi32, #tpu.memory_space<vmem>>, vector<16xi32>,
    tpu.vector_store %arg8[%swap3A_10, %swap3A_11], %add3A_9 {strides = array<i32>} : memref<4x64xi32, #tpu.memory_space<vmem>>, vector<16xi32>,
    %get3A_13 = arith.constant 16 : index
    %get3A_14 = tpu.vector_load %arg6[%get3A_13] {strides = array<i32>} : memref<256xi32, #tpu.memory_space<vmem>>, vector<16xi32>,
    %get3A_15 = arith.constant 16 : index
    %get3A_16 = tpu.vector_load %arg7[%get3A_15] {strides = array<i32>} : memref<256xi32, #tpu.memory_space<vmem>>, vector<16xi32>,
    %mul3A_17 = arith.constant 1024 : i32
    %mul3A_18 = vector.broadcast %mul3A_17 : i32 to vector<16xi32>
    %mul3A_19 = arith.muli %get3A_14, %mul3A_18 : vector<16xi32>
    %add3A_20 = arith.addi %mul3A_19, %get3A_16 : vector<16xi32>
    %swap3A_21 = arith.constant 0 : i32
    %swap3A_22 = arith.index_cast %swap3A_21 : i32 to index
    %swap3A_23 = arith.constant 16 : index
    %swap3A_24 = tpu.vector_load %arg8[%swap3A_22, %swap3A_23] {strides = array<i32>} : memref<4x64xi32, #tpu.memory_space<vmem>>, vector<16xi32>,
    tpu.vector_store %arg8[%swap3A_22, %swap3A_23], %add3A_20 {strides = array<i32>} : memref<4x64xi32, #tpu.memory_space<vmem>>, vector<16xi32>,
    %get3A_25 = arith.constant 32 : index
    %get3A_26 = tpu.vector_load %arg6[%get3A_25] {strides = array<i32>} : memref<256xi32, #tpu.memory_space<vmem>>, vector<16xi32>,
    %get3A_27 = arith.constant 32 : index
    %get3A_28 = tpu.vector_load %arg7[%get3A_27] {strides = array<i32>} : memref<256xi32, #tpu.memory_space<vmem>>, vector<16xi32>,
    %mul3A_29 = arith.constant 1024 : i32
    %mul3A_30 = vector.broadcast %mul3A_29 : i32 to vector<16xi32>
    %mul3A_31 = arith.muli %get3A_26, %mul3A_30 : vector<16xi32>
    %add3A_32 = arith.addi %mul3A_31, %get3A_28 : vector<16xi32>
    %swap3A_33 = arith.constant 0 : i32
    %swap3A_34 = arith.index_cast %swap3A_33 : i32 to index
    %swap3A_35 = arith.constant 32 : index
    %swap3A_36 = tpu.vector_load %arg8[%swap3A_34, %swap3A_35] {strides = array<i32>} : memref<4x64xi32, #tpu.memory_space<vmem>>, vector<16xi32>,
    tpu.vector_store %arg8[%swap3A_34, %swap3A_35], %add3A_32 {strides = array<i32>} : memref<4x64xi32, #tpu.memory_space<vmem>>, vector<16xi32>,
    %get3A_37 = arith.constant 48 : index
    %get3A_38 = tpu.vector_load %arg6[%get3A_37] {strides = array<i32>} : memref<256xi32, #tpu.memory_space<vmem>>, vector<16xi32>,
    %get3A_39 = arith.constant 48 : index
    %get3A_40 = tpu.vector_load %arg7[%get3A_39] {strides = array<i32>} : memref<256xi32, #tpu.memory_space<vmem>>, vector<16xi32>,
    %mul3A_41 = arith.constant 1024 : i32
    %mul3A_42 = vector.broadcast %mul3A_41 : i32 to vector<16xi32>
    %mul3A_43 = arith.muli %get3A_38, %mul3A_42 : vector<16xi32>
    %add3A_44 = arith.addi %mul3A_43, %get3A_40 : vector<16xi32>
    %swap3A_45 = arith.constant 0 : i32
    %swap3A_46 = arith.index_cast %swap3A_45 : i32 to index
    %swap3A_47 = arith.constant 48 : index
    %swap3A_48 = tpu.vector_load %arg8[%swap3A_46, %swap3A_47] {strides = array<i32>} : memref<4x64xi32, #tpu.memory_space<vmem>>, vector<16xi32>,
    tpu.vector_store %arg8[%swap3A_46, %swap3A_47], %add3A_44 {strides = array<i32>} : memref<4x64xi32, #tpu.memory_space<vmem>>, vector<16xi32>,
    %get3A_49 = arith.constant 64 : index
    %get3A_50 = tpu.vector_load %arg6[%get3A_49] {strides = array<i32>} : memref<256xi32, #tpu.memory_space<vmem>>, vector<16xi32>,
    %get3A_51 = arith.constant 64 : index
    %get3A_52 = tpu.vector_load %arg7[%get3A_51] {strides = array<i32>} : memref<256xi32, #tpu.memory_space<vmem>>, vector<16xi32>,
    %mul3A_53 = arith.constant 1024 : i32
    %mul3A_54 = vector.broadcast %mul3A_53 : i32 to vector<16xi32>
    %mul3A_55 = arith.muli %get3A_50, %mul3A_54 : vector<16xi32>
    %add3A_56 = arith.addi %mul3A_55, %get3A_52 : vector<16xi32>
    %swap3A_57 = arith.constant 1 : i32
    %swap3A_58 = arith.index_cast %swap3A_57 : i32 to index
    %swap3A_59 = arith.constant 0 : index
    %swap3A_60 = tpu.vector_load %arg8[%swap3A_58, %swap3A_59] {strides = array<i32>} : memref<4x64xi32, #tpu.memory_space<vmem>>, vector<16xi32>,
    tpu.vector_store %arg8[%swap3A_58, %swap3A_59], %add3A_56 {strides = array<i32>} : memref<4x64xi32, #tpu.memory_space<vmem>>, vector<16xi32>,
    %get3A_61 = arith.constant 80 : index
    %get3A_62 = tpu.vector_load %arg6[%get3A_61] {strides = array<i32>} : memref<256xi32, #tpu.memory_space<vmem>>, vector<16xi32>,
    %get3A_63 = arith.constant 80 : index
    %get3A_64 = tpu.vector_load %arg7[%get3A_63] {strides = array<i32>} : memref<256xi32, #tpu.memory_space<vmem>>, vector<16xi32>,
    %mul3A_65 = arith.constant 1024 : i32
    %mul3A_66 = vector.broadcast %mul3A_65 : i32 to vector<16xi32>
    %mul3A_67 = arith.muli %get3A_62, %mul3A_66 : vector<16xi32>
    %add3A_68 = arith.addi %mul3A_67, %get3A_64 : vector<16xi32>
    %swap3A_69 = arith.constant 1 : i32
    %swap3A_70 = arith.index_cast %swap3A_69 : i32 to index
    %swap3A_71 = arith.constant 16 : index
    %swap3A_72 = tpu.vector_load %arg8[%swap3A_70, %swap3A_71] {strides = array<i32>} : memref<4x64xi32, #tpu.memory_space<vmem>>, vector<16xi32>,
    tpu.vector_store %arg8[%swap3A_70, %swap3A_71], %add3A_68 {strides = array<i32>} : memref<4x64xi32, #tpu.memory_space<vmem>>, vector<16xi32>,
    %get3A_73 = arith.constant 96 : index
    %get3A_74 = tpu.vector_load %arg6[%get3A_73] {strides = array<i32>} : memref<256xi32, #tpu.memory_space<vmem>>, vector<16xi32>,
    %get3A_75 = arith.constant 96 : index
    %get3A_76 = tpu.vector_load %arg7[%get3A_75] {strides = array<i32>} : memref<256xi32, #tpu.memory_space<vmem>>, vector<16xi32>,
    %mul3A_77 = arith.constant 1024 : i32
    %mul3A_78 = vector.broadcast %mul3A_77 : i32 to vector<16xi32>
    %mul3A_79 = arith.muli %get3A_74, %mul3A_78 : vector<16xi32>
    %add3A_80 = arith.addi %mul3A_79, %get3A_76 : vector<16xi32>
    %swap3A_81 = arith.constant 1 : i32
    %swap3A_82 = arith.index_cast %swap3A_81 : i32 to index
    %swap3A_83 = arith.constant 32 : index
    %swap3A_84 = tpu.vector_load %arg8[%swap3A_82, %swap3A_83] {strides = array<i32>} : memref<4x64xi32, #tpu.memory_space<vmem>>, vector<16xi32>,
    tpu.vector_store %arg8[%swap3A_82, %swap3A_83], %add3A_80 {strides = array<i32>} : memref<4x64xi32, #tpu.memory_space<vmem>>, vector<16xi32>,
    %get3A_85 = arith.constant 112 : index
    %get3A_86 = tpu.vector_load %arg6[%get3A_85] {strides = array<i32>} : memref<256xi32, #tpu.memory_space<vmem>>, vector<16xi32>,
    %get3A_87 = arith.constant 112 : index
    %get3A_88 = tpu.vector_load %arg7[%get3A_87] {strides = array<i32>} : memref<256xi32, #tpu.memory_space<vmem>>, vector<16xi32>,
    %mul3A_89 = arith.constant 1024 : i32
    %mul3A_90 = vector.broadcast %mul3A_89 : i32 to vector<16xi32>
    %mul3A_91 = arith.muli %get3A_86, %mul3A_90 : vector<16xi32>
    %add3A_92 = arith.addi %mul3A_91, %get3A_88 : vector<16xi32>
    %swap3A_93 = arith.constant 1 : i32
    %swap3A_94 = arith.index_cast %swap3A_93 : i32 to index
    %swap3A_95 = arith.constant 48 : index
    %swap3A_96 = tpu.vector_load %arg8[%swap3A_94, %swap3A_95] {strides = array<i32>} : memref<4x64xi32, #tpu.memory_space<vmem>>, vector<16xi32>,
    tpu.vector_store %arg8[%swap3A_94, %swap3A_95], %add3A_92 {strides = array<i32>} : memref<4x64xi32, #tpu.memory_space<vmem>>, vector<16xi32>,
    %get3A_97 = arith.constant 128 : index
    %get3A_98 = tpu.vector_load %arg6[%get3A_97] {strides = array<i32>} : memref<256xi32, #tpu.memory_space<vmem>>, vector<16xi32>,
    %get3A_99 = arith.constant 128 : index
    %get3A_100 = tpu.vector_load %arg7[%get3A_99] {strides = array<i32>} : memref<256xi32, #tpu.memory_space<vmem>>, vector<16xi32>,
    %mul3A_101 = arith.constant 1024 : i32
    %mul3A_102 = vector.broadcast %mul3A_101 : i32 to vector<16xi32>
    %mul3A_103 = arith.muli %get3A_98, %mul3A_102 : vector<16xi32>
    %add3A_104 = arith.addi %mul3A_103, %get3A_100 : vector<16xi32>
    %swap3A_105 = arith.constant 2 : i32
    %swap3A_106 = arith.index_cast %swap3A_105 : i32 to index
    %swap3A_107 = arith.constant 0 : index
    %swap3A_108 = tpu.vector_load %arg8[%swap3A_106, %swap3A_107] {strides = array<i32>} : memref<4x64xi32, #tpu.memory_space<vmem>>, vector<16xi32>,
    tpu.vector_store %arg8[%swap3A_106, %swap3A_107], %add3A_104 {strides = array<i32>} : memref<4x64xi32, #tpu.memory_space<vmem>>, vector<16xi32>,
    %get3A_109 = arith.constant 144 : index
    %get3A_110 = tpu.vector_load %arg6[%get3A_109] {strides = array<i32>} : memref<256xi32, #tpu.memory_space<vmem>>, vector<16xi32>,
    %get3A_111 = arith.constant 144 : index
    %get3A_112 = tpu.vector_load %arg7[%get3A_111] {strides = array<i32>} : memref<256xi32, #tpu.memory_space<vmem>>, vector<16xi32>,
    %mul3A_113 = arith.constant 1024 : i32
    %mul3A_114 = vector.broadcast %mul3A_113 : i32 to vector<16xi32>
    %mul3A_115 = arith.muli %get3A_110, %mul3A_114 : vector<16xi32>
    %add3A_116 = arith.addi %mul3A_115, %get3A_112 : vector<16xi32>
    %swap3A_117 = arith.constant 2 : i32
    %swap3A_118 = arith.index_cast %swap3A_117 : i32 to index
    %swap3A_119 = arith.constant 16 : index
    %swap3A_120 = tpu.vector_load %arg8[%swap3A_118, %swap3A_119] {strides = array<i32>} : memref<4x64xi32, #tpu.memory_space<vmem>>, vector<16xi32>,
    tpu.vector_store %arg8[%swap3A_118, %swap3A_119], %add3A_116 {strides = array<i32>} : memref<4x64xi32, #tpu.memory_space<vmem>>, vector<16xi32>,
    %get3A_121 = arith.constant 160 : index
    %get3A_122 = tpu.vector_load %arg6[%get3A_121] {strides = array<i32>} : memref<256xi32, #tpu.memory_space<vmem>>, vector<16xi32>,
    %get3A_123 = arith.constant 160 : index
    %get3A_124 = tpu.vector_load %arg7[%get3A_123] {strides = array<i32>} : memref<256xi32, #tpu.memory_space<vmem>>, vector<16xi32>,
    %mul3A_125 = arith.constant 1024 : i32
    %mul3A_126 = vector.broadcast %mul3A_125 : i32 to vector<16xi32>
    %mul3A_127 = arith.muli %get3A_122, %mul3A_126 : vector<16xi32>
    %add3A_128 = arith.addi %mul3A_127, %get3A_124 : vector<16xi32>
    %swap3A_129 = arith.constant 2 : i32
    %swap3A_130 = arith.index_cast %swap3A_129 : i32 to index
    %swap3A_131 = arith.constant 32 : index
    %swap3A_132 = tpu.vector_load %arg8[%swap3A_130, %swap3A_131] {strides = array<i32>} : memref<4x64xi32, #tpu.memory_space<vmem>>, vector<16xi32>,
    tpu.vector_store %arg8[%swap3A_130, %swap3A_131], %add3A_128 {strides = array<i32>} : memref<4x64xi32, #tpu.memory_space<vmem>>, vector<16xi32>,
    %get3A_133 = arith.constant 176 : index
    %get3A_134 = tpu.vector_load %arg6[%get3A_133] {strides = array<i32>} : memref<256xi32, #tpu.memory_space<vmem>>, vector<16xi32>,
    %get3A_135 = arith.constant 176 : index
    %get3A_136 = tpu.vector_load %arg7[%get3A_135] {strides = array<i32>} : memref<256xi32, #tpu.memory_space<vmem>>, vector<16xi32>,
    %mul3A_137 = arith.constant 1024 : i32
    %mul3A_138 = vector.broadcast %mul3A_137 : i32 to vector<16xi32>
    %mul3A_139 = arith.muli %get3A_134, %mul3A_138 : vector<16xi32>
    %add3A_140 = arith.addi %mul3A_139, %get3A_136 : vector<16xi32>
    %swap3A_141 = arith.constant 2 : i32
    %swap3A_142 = arith.index_cast %swap3A_141 : i32 to index
    %swap3A_143 = arith.constant 48 : index
    %swap3A_144 = tpu.vector_load %arg8[%swap3A_142, %swap3A_143] {strides = array<i32>} : memref<4x64xi32, #tpu.memory_space<vmem>>, vector<16xi32>,
    tpu.vector_store %arg8[%swap3A_142, %swap3A_143], %add3A_140 {strides = array<i32>} : memref<4x64xi32, #tpu.memory_space<vmem>>, vector<16xi32>,
    %get3A_145 = arith.constant 192 : index
    %get3A_146 = tpu.vector_load %arg6[%get3A_145] {strides = array<i32>} : memref<256xi32, #tpu.memory_space<vmem>>, vector<16xi32>,
    %get3A_147 = arith.constant 192 : index
    %get3A_148 = tpu.vector_load %arg7[%get3A_147] {strides = array<i32>} : memref<256xi32, #tpu.memory_space<vmem>>, vector<16xi32>,
    %mul3A_149 = arith.constant 1024 : i32
    %mul3A_150 = vector.broadcast %mul3A_149 : i32 to vector<16xi32>
    %mul3A_151 = arith.muli %get3A_146, %mul3A_150 : vector<16xi32>
    %add3A_152 = arith.addi %mul3A_151, %get3A_148 : vector<16xi32>
    %swap3A_153 = arith.constant 3 : i32
    %swap3A_154 = arith.index_cast %swap3A_153 : i32 to index
    %swap3A_155 = arith.constant 0 : index
    %swap3A_156 = tpu.vector_load %arg8[%swap3A_154, %swap3A_155] {strides = array<i32>} : memref<4x64xi32, #tpu.memory_space<vmem>>, vector<16xi32>,
    tpu.vector_store %arg8[%swap3A_154, %swap3A_155], %add3A_152 {strides = array<i32>} : memref<4x64xi32, #tpu.memory_space<vmem>>, vector<16xi32>,
    %get3A_157 = arith.constant 208 : index
    %get3A_158 = tpu.vector_load %arg6[%get3A_157] {strides = array<i32>} : memref<256xi32, #tpu.memory_space<vmem>>, vector<16xi32>,
    %get3A_159 = arith.constant 208 : index
    %get3A_160 = tpu.vector_load %arg7[%get3A_159] {strides = array<i32>} : memref<256xi32, #tpu.memory_space<vmem>>, vector<16xi32>,
    %mul3A_161 = arith.constant 1024 : i32
    %mul3A_162 = vector.broadcast %mul3A_161 : i32 to vector<16xi32>
    %mul3A_163 = arith.muli %get3A_158, %mul3A_162 : vector<16xi32>
    %add3A_164 = arith.addi %mul3A_163, %get3A_160 : vector<16xi32>
    %swap3A_165 = arith.constant 3 : i32
    %swap3A_166 = arith.index_cast %swap3A_165 : i32 to index
    %swap3A_167 = arith.constant 16 : index
    %swap3A_168 = tpu.vector_load %arg8[%swap3A_166, %swap3A_167] {strides = array<i32>} : memref<4x64xi32, #tpu.memory_space<vmem>>, vector<16xi32>,
    tpu.vector_store %arg8[%swap3A_166, %swap3A_167], %add3A_164 {strides = array<i32>} : memref<4x64xi32, #tpu.memory_space<vmem>>, vector<16xi32>,
    %get3A_169 = arith.constant 224 : index
    %get3A_170 = tpu.vector_load %arg6[%get3A_169] {strides = array<i32>} : memref<256xi32, #tpu.memory_space<vmem>>, vector<16xi32>,
    %get3A_171 = arith.constant 224 : index
    %get3A_172 = tpu.vector_load %arg7[%get3A_171] {strides = array<i32>} : memref<256xi32, #tpu.memory_space<vmem>>, vector<16xi32>,
    %mul3A_173 = arith.constant 1024 : i32
    %mul3A_174 = vector.broadcast %mul3A_173 : i32 to vector<16xi32>
    %mul3A_175 = arith.muli %get3A_170, %mul3A_174 : vector<16xi32>
    %add3A_176 = arith.addi %mul3A_175, %get3A_172 : vector<16xi32>
    %swap3A_177 = arith.constant 3 : i32
    %swap3A_178 = arith.index_cast %swap3A_177 : i32 to index
    %swap3A_179 = arith.constant 32 : index
    %swap3A_180 = tpu.vector_load %arg8[%swap3A_178, %swap3A_179] {strides = array<i32>} : memref<4x64xi32, #tpu.memory_space<vmem>>, vector<16xi32>,
    tpu.vector_store %arg8[%swap3A_178, %swap3A_179], %add3A_176 {strides = array<i32>} : memref<4x64xi32, #tpu.memory_space<vmem>>, vector<16xi32>,
    %get3A_181 = arith.constant 240 : index
    %get3A_182 = tpu.vector_load %arg6[%get3A_181] {strides = array<i32>} : memref<256xi32, #tpu.memory_space<vmem>>, vector<16xi32>,
    %get3A_183 = arith.constant 240 : index
    %get3A_184 = tpu.vector_load %arg7[%get3A_183] {strides = array<i32>} : memref<256xi32, #tpu.memory_space<vmem>>, vector<16xi32>,
    %mul3A_185 = arith.constant 1024 : i32
    %mul3A_186 = vector.broadcast %mul3A_185 : i32 to vector<16xi32>
    %mul3A_187 = arith.muli %get3A_182, %mul3A_186 : vector<16xi32>
    %add3A_188 = arith.addi %mul3A_187, %get3A_184 : vector<16xi32>
    %swap3A_189 = arith.constant 3 : i32
    %swap3A_190 = arith.index_cast %swap3A_189 : i32 to index
    %swap3A_191 = arith.constant 48 : index
    %swap3A_192 = tpu.vector_load %arg8[%swap3A_190, %swap3A_191] {strides = array<i32>} : memref<4x64xi32, #tpu.memory_space<vmem>>, vector<16xi32>,
    tpu.vector_store %arg8[%swap3A_190, %swap3A_191], %add3A_188 {strides = array<i32>} : memref<4x64xi32, #tpu.memory_space<vmem>>, vector<16xi32>,
    %dma_start3A = arith.constant 0 : i32
    %dma_start3A_193 = arith.constant 0 : i32
    %dma_start3A_194 = tpu.memref_slice %arg9[%dma_start3A_193] : memref<256xi32, #tpu.memory_space<vmem>> -> memref<64xi32, #tpu.memory_space<vmem>>
    %dma_start3A_195 = arith.constant 0 : i32
    %dma_start3A_196 = tpu.memref_slice %arg8[%dma_start3A, %dma_start3A_195] : memref<4x64xi32, #tpu.memory_space<vmem>> -> memref<1x64xi32, #tpu.memory_space<vmem>>
    %dma_start3A_197 = tpu.memref_squeeze %dma_start3A_196 : memref<1x64xi32, #tpu.memory_space<vmem>> -> memref<64xi32, #tpu.memory_space<vmem>>
    %dma_start3A_198 = arith.constant 0 : i32
    %dma_start3A_199 = tpu.memref_slice %arg2[%dma_start3A_198] : memref<1048576xi32, #tpu.memory_space<hbm>> -> memref<1048576xi32, #tpu.memory_space<hbm>>
    tpu.enqueue_indirect_dma source(%dma_start3A_199 : memref<1048576xi32, #tpu.memory_space<hbm>>) target(%dma_start3A_194 : memref<64xi32, #tpu.memory_space<vmem>>) offsets(%dma_start3A_197 : memref<64xi32, #tpu.memory_space<vmem>>) semaphore(%arg10 : memref<!tpu.dma_semaphore, #tpu.memory_space<semaphore_mem>>)
    %dma_wait3A = arith.constant 0 : i32
    %dma_wait3A_200 = arith.constant 0 : i32
    %dma_wait3A_201 = tpu.memref_slice %arg9[%dma_wait3A_200] : memref<256xi32, #tpu.memory_space<vmem>> -> memref<64xi32, #tpu.memory_space<vmem>>
    %dma_wait3A_202 = arith.constant 0 : i32
    %dma_wait3A_203 = tpu.memref_slice %arg8[%dma_wait3A, %dma_wait3A_202] : memref<4x64xi32, #tpu.memory_space<vmem>> -> memref<1x64xi32, #tpu.memory_space<vmem>>
    %dma_wait3A_204 = tpu.memref_squeeze %dma_wait3A_203 : memref<1x64xi32, #tpu.memory_space<vmem>> -> memref<64xi32, #tpu.memory_space<vmem>>
    %dma_wait3A_205 = arith.constant 0 : i32
    %dma_wait3A_206 = tpu.memref_slice %arg2[%dma_wait3A_205] : memref<1048576xi32, #tpu.memory_space<hbm>> -> memref<1048576xi32, #tpu.memory_space<hbm>>
    tpu.wait_indirect_dma semaphore(%arg10 : memref<!tpu.dma_semaphore, #tpu.memory_space<semaphore_mem>>) src(%dma_wait3A_206 : memref<1048576xi32, #tpu.memory_space<hbm>>) dst(%dma_wait3A_201 : memref<64xi32, #tpu.memory_space<vmem>>)
    %dma_start3A_207 = arith.constant 1 : i32
    %dma_start3A_208 = arith.constant 64 : i32
    %dma_start3A_209 = tpu.memref_slice %arg9[%dma_start3A_208] : memref<256xi32, #tpu.memory_space<vmem>> -> memref<64xi32, #tpu.memory_space<vmem>>
    %dma_start3A_210 = arith.constant 0 : i32
    %dma_start3A_211 = tpu.memref_slice %arg8[%dma_start3A_207, %dma_start3A_210] : memref<4x64xi32, #tpu.memory_space<vmem>> -> memref<1x64xi32, #tpu.memory_space<vmem>>
    %dma_start3A_212 = tpu.memref_squeeze %dma_start3A_211 : memref<1x64xi32, #tpu.memory_space<vmem>> -> memref<64xi32, #tpu.memory_space<vmem>>
    %dma_start3A_213 = arith.constant 0 : i32
    %dma_start3A_214 = tpu.memref_slice %arg2[%dma_start3A_213] : memref<1048576xi32, #tpu.memory_space<hbm>> -> memref<1048576xi32, #tpu.memory_space<hbm>>
    tpu.enqueue_indirect_dma source(%dma_start3A_214 : memref<1048576xi32, #tpu.memory_space<hbm>>) target(%dma_start3A_209 : memref<64xi32, #tpu.memory_space<vmem>>) offsets(%dma_start3A_212 : memref<64xi32, #tpu.memory_space<vmem>>) semaphore(%arg10 : memref<!tpu.dma_semaphore, #tpu.memory_space<semaphore_mem>>)
    %dma_wait3A_215 = arith.constant 1 : i32
    %dma_wait3A_216 = arith.constant 64 : i32
    %dma_wait3A_217 = tpu.memref_slice %arg9[%dma_wait3A_216] : memref<256xi32, #tpu.memory_space<vmem>> -> memref<64xi32, #tpu.memory_space<vmem>>
    %dma_wait3A_218 = arith.constant 0 : i32
    %dma_wait3A_219 = tpu.memref_slice %arg8[%dma_wait3A_215, %dma_wait3A_218] : memref<4x64xi32, #tpu.memory_space<vmem>> -> memref<1x64xi32, #tpu.memory_space<vmem>>
    %dma_wait3A_220 = tpu.memref_squeeze %dma_wait3A_219 : memref<1x64xi32, #tpu.memory_space<vmem>> -> memref<64xi32, #tpu.memory_space<vmem>>
    %dma_wait3A_221 = arith.constant 0 : i32
    %dma_wait3A_222 = tpu.memref_slice %arg2[%dma_wait3A_221] : memref<1048576xi32, #tpu.memory_space<hbm>> -> memref<1048576xi32, #tpu.memory_space<hbm>>
    tpu.wait_indirect_dma semaphore(%arg10 : memref<!tpu.dma_semaphore, #tpu.memory_space<semaphore_mem>>) src(%dma_wait3A_222 : memref<1048576xi32, #tpu.memory_space<hbm>>) dst(%dma_wait3A_217 : memref<64xi32, #tpu.memory_space<vmem>>)
    %dma_start3A_223 = arith.constant 2 : i32
    %dma_start3A_224 = arith.constant 128 : i32
    %dma_start3A_225 = tpu.memref_slice %arg9[%dma_start3A_224] : memref<256xi32, #tpu.memory_space<vmem>> -> memref<64xi32, #tpu.memory_space<vmem>>
    %dma_start3A_226 = arith.constant 0 : i32
    %dma_start3A_227 = tpu.memref_slice %arg8[%dma_start3A_223, %dma_start3A_226] : memref<4x64xi32, #tpu.memory_space<vmem>> -> memref<1x64xi32, #tpu.memory_space<vmem>>
    %dma_start3A_228 = tpu.memref_squeeze %dma_start3A_227 : memref<1x64xi32, #tpu.memory_space<vmem>> -> memref<64xi32, #tpu.memory_space<vmem>>
    %dma_start3A_229 = arith.constant 0 : i32
    %dma_start3A_230 = tpu.memref_slice %arg2[%dma_start3A_229] : memref<1048576xi32, #tpu.memory_space<hbm>> -> memref<1048576xi32, #tpu.memory_space<hbm>>
    tpu.enqueue_indirect_dma source(%dma_start3A_230 : memref<1048576xi32, #tpu.memory_space<hbm>>) target(%dma_start3A_225 : memref<64xi32, #tpu.memory_space<vmem>>) offsets(%dma_start3A_228 : memref<64xi32, #tpu.memory_space<vmem>>) semaphore(%arg10 : memref<!tpu.dma_semaphore, #tpu.memory_space<semaphore_mem>>)
    %dma_wait3A_231 = arith.constant 2 : i32
    %dma_wait3A_232 = arith.constant 128 : i32
    %dma_wait3A_233 = tpu.memref_slice %arg9[%dma_wait3A_232] : memref<256xi32, #tpu.memory_space<vmem>> -> memref<64xi32, #tpu.memory_space<vmem>>
    %dma_wait3A_234 = arith.constant 0 : i32
    %dma_wait3A_235 = tpu.memref_slice %arg8[%dma_wait3A_231, %dma_wait3A_234] : memref<4x64xi32, #tpu.memory_space<vmem>> -> memref<1x64xi32, #tpu.memory_space<vmem>>
    %dma_wait3A_236 = tpu.memref_squeeze %dma_wait3A_235 : memref<1x64xi32, #tpu.memory_space<vmem>> -> memref<64xi32, #tpu.memory_space<vmem>>
    %dma_wait3A_237 = arith.constant 0 : i32
    %dma_wait3A_238 = tpu.memref_slice %arg2[%dma_wait3A_237] : memref<1048576xi32, #tpu.memory_space<hbm>> -> memref<1048576xi32, #tpu.memory_space<hbm>>
    tpu.wait_indirect_dma semaphore(%arg10 : memref<!tpu.dma_semaphore, #tpu.memory_space<semaphore_mem>>) src(%dma_wait3A_238 : memref<1048576xi32, #tpu.memory_space<hbm>>) dst(%dma_wait3A_233 : memref<64xi32, #tpu.memory_space<vmem>>)
    %dma_start3A_239 = arith.constant 3 : i32
    %dma_start3A_240 = arith.constant 192 : i32
    %dma_start3A_241 = tpu.memref_slice %arg9[%dma_start3A_240] : memref<256xi32, #tpu.memory_space<vmem>> -> memref<64xi32, #tpu.memory_space<vmem>>
    %dma_start3A_242 = arith.constant 0 : i32
    %dma_start3A_243 = tpu.memref_slice %arg8[%dma_start3A_239, %dma_start3A_242] : memref<4x64xi32, #tpu.memory_space<vmem>> -> memref<1x64xi32, #tpu.memory_space<vmem>>
    %dma_start3A_244 = tpu.memref_squeeze %dma_start3A_243 : memref<1x64xi32, #tpu.memory_space<vmem>> -> memref<64xi32, #tpu.memory_space<vmem>>
    %dma_start3A_245 = arith.constant 0 : i32
    %dma_start3A_246 = tpu.memref_slice %arg2[%dma_start3A_245] : memref<1048576xi32, #tpu.memory_space<hbm>> -> memref<1048576xi32, #tpu.memory_space<hbm>>
    tpu.enqueue_indirect_dma source(%dma_start3A_246 : memref<1048576xi32, #tpu.memory_space<hbm>>) target(%dma_start3A_241 : memref<64xi32, #tpu.memory_space<vmem>>) offsets(%dma_start3A_244 : memref<64xi32, #tpu.memory_space<vmem>>) semaphore(%arg10 : memref<!tpu.dma_semaphore, #tpu.memory_space<semaphore_mem>>)
    %dma_wait3A_247 = arith.constant 3 : i32
    %dma_wait3A_248 = arith.constant 192 : i32
    %dma_wait3A_249 = tpu.memref_slice %arg9[%dma_wait3A_248] : memref<256xi32, #tpu.memory_space<vmem>> -> memref<64xi32, #tpu.memory_space<vmem>>
    %dma_wait3A_250 = arith.constant 0 : i32
    %dma_wait3A_251 = tpu.memref_slice %arg8[%dma_wait3A_247, %dma_wait3A_250] : memref<4x64xi32, #tpu.memory_space<vmem>> -> memref<1x64xi32, #tpu.memory_space<vmem>>
    %dma_wait3A_252 = tpu.memref_squeeze %dma_wait3A_251 : memref<1x64xi32, #tpu.memory_space<vmem>> -> memref<64xi32, #tpu.memory_space<vmem>>
    %dma_wait3A_253 = arith.constant 0 : i32
    %dma_wait3A_254 = tpu.memref_slice %arg2[%dma_wait3A_253] : memref<1048576xi32, #tpu.memory_space<hbm>> -> memref<1048576xi32, #tpu.memory_space<hbm>>
    tpu.wait_indirect_dma semaphore(%arg10 : memref<!tpu.dma_semaphore, #tpu.memory_space<semaphore_mem>>) src(%dma_wait3A_254 : memref<1048576xi32, #tpu.memory_space<hbm>>) dst(%dma_wait3A_249 : memref<64xi32, #tpu.memory_space<vmem>>)
    "tpu.region"() ({
      %run_scoped3A = tpu.sem_alloc : memref<!tpu.dma_semaphore, #tpu.memory_space<semaphore_mem>>
      %dma_start3A_255 = tpu.memref_slice %arg5[%mul3A_2] : memref<8192xi32, #tpu.memory_space<hbm>> -> memref<256xi32, #tpu.memory_space<hbm>>
      %dma_start3A_256 = tpu.memref_slice %arg5[%mul3A_2] : memref<8192xi32, #tpu.memory_space<hbm>> -> memref<256xi32, #tpu.memory_space<hbm>>
      tpu.enqueue_dma source(%arg9 : memref<256xi32, #tpu.memory_space<vmem>>) target(%dma_start3A_256 : memref<256xi32, #tpu.memory_space<hbm>>) target_semaphore(%run_scoped3A : memref<!tpu.dma_semaphore, #tpu.memory_space<semaphore_mem>>)
      %dma_wait3A_257 = tpu.memref_slice %arg5[%mul3A_2] : memref<8192xi32, #tpu.memory_space<hbm>> -> memref<256xi32, #tpu.memory_space<hbm>>
      %dma_wait3A_258 = tpu.memref_slice %arg5[%mul3A_2] : memref<8192xi32, #tpu.memory_space<hbm>> -> memref<256xi32, #tpu.memory_space<hbm>>
      tpu.wait_dma2 semaphore(%run_scoped3A : memref<!tpu.dma_semaphore, #tpu.memory_space<semaphore_mem>>) src(%arg9 : memref<256xi32, #tpu.memory_space<vmem>>) dst(%dma_wait3A_258 : memref<256xi32, #tpu.memory_space<hbm>>)
      tpu.yield
    }) : () -> ()
    return
  }
}

#map = affine_map<(d0, d1) -> (0, 0)>
module attributes {stable_mosaic.version = 14 : i64} {
  func.func @_table_body(%arg0: i32, %arg1: i32, %arg2: memref<1024x1024xf32, #tpu.memory_space<hbm>>, %arg3: memref<16x1024xi32, #tpu.memory_space<hbm>>, %arg4: memref<16x128xi32, #tpu.memory_space<hbm>>, %arg5: memref<1024x1024xi32, #tpu.memory_space<hbm>>, %arg6: memref<16x1024xf32, #tpu.memory_space<vmem>>, %arg7: memref<16x256xf32, #tpu.memory_space<vmem>>, %arg8: memref<16x256xi32, #tpu.memory_space<vmem>>, %arg9: memref<16x64xf32, #tpu.memory_space<vmem>>, %arg10: memref<16x64xi32, #tpu.memory_space<vmem>>, %arg11: memref<16x16xf32, #tpu.memory_space<vmem>>, %arg12: memref<16x16xi32, #tpu.memory_space<vmem>>, %arg13: memref<16x4xf32, #tpu.memory_space<vmem>>, %arg14: memref<16x4xi32, #tpu.memory_space<vmem>>, %arg15: memref<16x128xi32, #tpu.memory_space<vmem>>, %arg16: memref<16x1024xi32, #tpu.memory_space<vmem>>, %arg17: memref<16x1024xf32, #tpu.memory_space<vmem>>, %arg18: memref<16x256xf32, #tpu.memory_space<vmem>>, %arg19: memref<16x256xi32, #tpu.memory_space<vmem>>, %arg20: memref<16x64xf32, #tpu.memory_space<vmem>>, %arg21: memref<16x64xi32, #tpu.memory_space<vmem>>, %arg22: memref<16x16xf32, #tpu.memory_space<vmem>>, %arg23: memref<16x16xi32, #tpu.memory_space<vmem>>, %arg24: memref<16x4xf32, #tpu.memory_space<vmem>>, %arg25: memref<16x4xi32, #tpu.memory_space<vmem>>, %arg26: memref<16x128xi32, #tpu.memory_space<vmem>>, %arg27: memref<16x1024xi32, #tpu.memory_space<vmem>>) attributes {dimension_semantics = [#tpu.dimension_semantics<core_parallel>, #tpu.dimension_semantics<subcore_parallel>], iteration_bounds = array<i64: 2, 16>, scalar_prefetch = 0 : i64, scratch_operands = 22 : i64, tpu.core_type = #tpu.core_type<sc_vector_subcore>, window_params = [{transform_indices = #map}, {transform_indices = #map}, {transform_indices = #map}, {transform_indices = #map}]} {
    %mul3A = arith.constant 2 : i32
    %mul3A_0 = arith.muli %arg1, %mul3A : i32
    %add3A = arith.addi %mul3A_0, %arg0 : i32
    %iota3A = tpu.iota {dimensions = array<i32: 0>} : vector<16xi32>
    %mul3A_1 = arith.constant 32 : i32
    %mul3A_2 = arith.muli %add3A, %mul3A_1 : i32
    %add3A_3 = arith.constant 0 : i32
    %add3A_4 = arith.addi %mul3A_2, %add3A_3 : i32
    %mul3A_5 = arith.constant 32 : i32
    %mul3A_6 = arith.muli %add3A, %mul3A_5 : i32
    %add3A_7 = arith.constant 16 : i32
    %add3A_8 = arith.addi %mul3A_6, %add3A_7 : i32
    "tpu.region"() ({
      %run_scoped3A = tpu.sem_alloc : memref<!tpu.dma_semaphore, #tpu.memory_space<semaphore_mem>>
      %dma_start3A = arith.constant 0 : i32
      %dma_start3A_43 = tpu.memref_slice %arg2[%add3A_4, %dma_start3A] : memref<1024x1024xf32, #tpu.memory_space<hbm>> -> memref<16x1024xf32, #tpu.memory_space<hbm>>
      %dma_start3A_44 = arith.constant 0 : i32
      %dma_start3A_45 = tpu.memref_slice %arg2[%add3A_4, %dma_start3A_44] : memref<1024x1024xf32, #tpu.memory_space<hbm>> -> memref<16x1024xf32, #tpu.memory_space<hbm>>
      tpu.enqueue_dma source(%dma_start3A_45 : memref<16x1024xf32, #tpu.memory_space<hbm>>) target(%arg6 : memref<16x1024xf32, #tpu.memory_space<vmem>>) target_semaphore(%run_scoped3A : memref<!tpu.dma_semaphore, #tpu.memory_space<semaphore_mem>>)
      %dma_wait3A = arith.constant 0 : i32
      %dma_wait3A_46 = tpu.memref_slice %arg2[%add3A_4, %dma_wait3A] : memref<1024x1024xf32, #tpu.memory_space<hbm>> -> memref<16x1024xf32, #tpu.memory_space<hbm>>
      %dma_wait3A_47 = arith.constant 0 : i32
      %dma_wait3A_48 = tpu.memref_slice %arg2[%add3A_4, %dma_wait3A_47] : memref<1024x1024xf32, #tpu.memory_space<hbm>> -> memref<16x1024xf32, #tpu.memory_space<hbm>>
      tpu.wait_dma2 semaphore(%run_scoped3A : memref<!tpu.dma_semaphore, #tpu.memory_space<semaphore_mem>>) src(%dma_wait3A_48 : memref<16x1024xf32, #tpu.memory_space<hbm>>) dst(%arg6 : memref<16x1024xf32, #tpu.memory_space<vmem>>)
      tpu.yield
    }) : () -> ()
    "tpu.region"() ({
      %run_scoped3A = tpu.sem_alloc : memref<!tpu.dma_semaphore, #tpu.memory_space<semaphore_mem>>
      tpu.enqueue_dma source(%arg3 : memref<16x1024xi32, #tpu.memory_space<hbm>>) target(%arg16 : memref<16x1024xi32, #tpu.memory_space<vmem>>) target_semaphore(%run_scoped3A : memref<!tpu.dma_semaphore, #tpu.memory_space<semaphore_mem>>)
      tpu.wait_dma2 semaphore(%run_scoped3A : memref<!tpu.dma_semaphore, #tpu.memory_space<semaphore_mem>>) src(%arg3 : memref<16x1024xi32, #tpu.memory_space<hbm>>) dst(%arg16 : memref<16x1024xi32, #tpu.memory_space<vmem>>)
      tpu.yield
    }) : () -> ()
    "tpu.region"() ({
      %run_scoped3A = tpu.sem_alloc : memref<!tpu.dma_semaphore, #tpu.memory_space<semaphore_mem>>
      tpu.enqueue_dma source(%arg4 : memref<16x128xi32, #tpu.memory_space<hbm>>) target(%arg15 : memref<16x128xi32, #tpu.memory_space<vmem>>) target_semaphore(%run_scoped3A : memref<!tpu.dma_semaphore, #tpu.memory_space<semaphore_mem>>)
      tpu.wait_dma2 semaphore(%run_scoped3A : memref<!tpu.dma_semaphore, #tpu.memory_space<semaphore_mem>>) src(%arg4 : memref<16x128xi32, #tpu.memory_space<hbm>>) dst(%arg15 : memref<16x128xi32, #tpu.memory_space<vmem>>)
      tpu.yield
    }) : () -> ()
    "tpu.region"() ({
      %run_scoped3A = tpu.sem_alloc : memref<!tpu.dma_semaphore, #tpu.memory_space<semaphore_mem>>
      %dma_start3A = arith.constant 0 : i32
      %dma_start3A_43 = tpu.memref_slice %arg2[%add3A_8, %dma_start3A] : memref<1024x1024xf32, #tpu.memory_space<hbm>> -> memref<16x1024xf32, #tpu.memory_space<hbm>>
      %dma_start3A_44 = arith.constant 0 : i32
      %dma_start3A_45 = tpu.memref_slice %arg2[%add3A_8, %dma_start3A_44] : memref<1024x1024xf32, #tpu.memory_space<hbm>> -> memref<16x1024xf32, #tpu.memory_space<hbm>>
      tpu.enqueue_dma source(%dma_start3A_45 : memref<16x1024xf32, #tpu.memory_space<hbm>>) target(%arg17 : memref<16x1024xf32, #tpu.memory_space<vmem>>) target_semaphore(%run_scoped3A : memref<!tpu.dma_semaphore, #tpu.memory_space<semaphore_mem>>)
      %dma_wait3A = arith.constant 0 : i32
      %dma_wait3A_46 = tpu.memref_slice %arg2[%add3A_8, %dma_wait3A] : memref<1024x1024xf32, #tpu.memory_space<hbm>> -> memref<16x1024xf32, #tpu.memory_space<hbm>>
      %dma_wait3A_47 = arith.constant 0 : i32
      %dma_wait3A_48 = tpu.memref_slice %arg2[%add3A_8, %dma_wait3A_47] : memref<1024x1024xf32, #tpu.memory_space<hbm>> -> memref<16x1024xf32, #tpu.memory_space<hbm>>
      tpu.wait_dma2 semaphore(%run_scoped3A : memref<!tpu.dma_semaphore, #tpu.memory_space<semaphore_mem>>) src(%dma_wait3A_48 : memref<16x1024xf32, #tpu.memory_space<hbm>>) dst(%arg17 : memref<16x1024xf32, #tpu.memory_space<vmem>>)
      tpu.yield
    }) : () -> ()
    "tpu.region"() ({
      %run_scoped3A = tpu.sem_alloc : memref<!tpu.dma_semaphore, #tpu.memory_space<semaphore_mem>>
      tpu.enqueue_dma source(%arg3 : memref<16x1024xi32, #tpu.memory_space<hbm>>) target(%arg27 : memref<16x1024xi32, #tpu.memory_space<vmem>>) target_semaphore(%run_scoped3A : memref<!tpu.dma_semaphore, #tpu.memory_space<semaphore_mem>>)
      tpu.wait_dma2 semaphore(%run_scoped3A : memref<!tpu.dma_semaphore, #tpu.memory_space<semaphore_mem>>) src(%arg3 : memref<16x1024xi32, #tpu.memory_space<hbm>>) dst(%arg27 : memref<16x1024xi32, #tpu.memory_space<vmem>>)
      tpu.yield
    }) : () -> ()
    "tpu.region"() ({
      %run_scoped3A = tpu.sem_alloc : memref<!tpu.dma_semaphore, #tpu.memory_space<semaphore_mem>>
      tpu.enqueue_dma source(%arg4 : memref<16x128xi32, #tpu.memory_space<hbm>>) target(%arg26 : memref<16x128xi32, #tpu.memory_space<vmem>>) target_semaphore(%run_scoped3A : memref<!tpu.dma_semaphore, #tpu.memory_space<semaphore_mem>>)
      tpu.wait_dma2 semaphore(%run_scoped3A : memref<!tpu.dma_semaphore, #tpu.memory_space<semaphore_mem>>) src(%arg4 : memref<16x128xi32, #tpu.memory_space<hbm>>) dst(%arg26 : memref<16x128xi32, #tpu.memory_space<vmem>>)
      tpu.yield
    }) : () -> ()
    %scan3A = arith.constant 0 : i32
    %scan3A_9 = arith.constant 0 : i32
    %scan3A_10 = arith.constant 256 : i32
    %scan3A_11 = arith.addi %scan3A_9, %scan3A_10 : i32
    %scan3A_12 = arith.constant 1 : i32
    %scan3A_13 = scf.for %scan3A_43 = %scan3A_9 to %scan3A_11 step %scan3A_12 iter_args(%scan3A_44 = %scan3A) -> (i32)  : i32 {
      %mul3A_45 = arith.constant 4 : i32
      %mul3A_46 = arith.muli %mul3A_45, %scan3A_43 : i32
      %add3A_47 = arith.constant 0 : i32
      %add3A_48 = arith.addi %mul3A_46, %add3A_47 : i32
      %broadcast_in_dim3A = vector.broadcast %add3A_48 : i32 to vector<16xi32>
      %gather3A = tpu.vector_load_idx %arg6[%iota3A, %broadcast_in_dim3A] : memref<16x1024xf32, #tpu.memory_space<vmem>>[vector<16xi32>, vector<16xi32>], vector<16xf32>,
      %mul3A_49 = arith.constant 4 : i32
      %mul3A_50 = arith.muli %mul3A_49, %scan3A_43 : i32
      %add3A_51 = arith.constant 0 : i32
      %add3A_52 = arith.addi %mul3A_50, %add3A_51 : i32
      %broadcast_in_dim3A_53 = vector.broadcast %add3A_52 : i32 to vector<16xi32>
      %mul3A_54 = arith.constant 4 : i32
      %mul3A_55 = arith.muli %mul3A_54, %scan3A_43 : i32
      %add3A_56 = arith.constant 1 : i32
      %add3A_57 = arith.addi %mul3A_55, %add3A_56 : i32
      %broadcast_in_dim3A_58 = vector.broadcast %add3A_57 : i32 to vector<16xi32>
      %gather3A_59 = tpu.vector_load_idx %arg6[%iota3A, %broadcast_in_dim3A_58] : memref<16x1024xf32, #tpu.memory_space<vmem>>[vector<16xi32>, vector<16xi32>], vector<16xf32>,
      %mul3A_60 = arith.constant 4 : i32
      %mul3A_61 = arith.muli %mul3A_60, %scan3A_43 : i32
      %add3A_62 = arith.constant 1 : i32
      %add3A_63 = arith.addi %mul3A_61, %add3A_62 : i32
      %broadcast_in_dim3A_64 = vector.broadcast %add3A_63 : i32 to vector<16xi32>
      %mul3A_65 = arith.constant 4 : i32
      %mul3A_66 = arith.muli %mul3A_65, %scan3A_43 : i32
      %add3A_67 = arith.constant 2 : i32
      %add3A_68 = arith.addi %mul3A_66, %add3A_67 : i32
      %broadcast_in_dim3A_69 = vector.broadcast %add3A_68 : i32 to vector<16xi32>
      %gather3A_70 = tpu.vector_load_idx %arg6[%iota3A, %broadcast_in_dim3A_69] : memref<16x1024xf32, #tpu.memory_space<vmem>>[vector<16xi32>, vector<16xi32>], vector<16xf32>,
      %mul3A_71 = arith.constant 4 : i32
      %mul3A_72 = arith.muli %mul3A_71, %scan3A_43 : i32
      %add3A_73 = arith.constant 2 : i32
      %add3A_74 = arith.addi %mul3A_72, %add3A_73 : i32
      %broadcast_in_dim3A_75 = vector.broadcast %add3A_74 : i32 to vector<16xi32>
      %mul3A_76 = arith.constant 4 : i32
      %mul3A_77 = arith.muli %mul3A_76, %scan3A_43 : i32
      %add3A_78 = arith.constant 3 : i32
      %add3A_79 = arith.addi %mul3A_77, %add3A_78 : i32
      %broadcast_in_dim3A_80 = vector.broadcast %add3A_79 : i32 to vector<16xi32>
      %gather3A_81 = tpu.vector_load_idx %arg6[%iota3A, %broadcast_in_dim3A_80] : memref<16x1024xf32, #tpu.memory_space<vmem>>[vector<16xi32>, vector<16xi32>], vector<16xf32>,
      %mul3A_82 = arith.constant 4 : i32
      %mul3A_83 = arith.muli %mul3A_82, %scan3A_43 : i32
      %add3A_84 = arith.constant 3 : i32
      %add3A_85 = arith.addi %mul3A_83, %add3A_84 : i32
      %broadcast_in_dim3A_86 = vector.broadcast %add3A_85 : i32 to vector<16xi32>
      %gt3A = arith.cmpf ogt, %gather3A_59, %gather3A : vector<16xf32>
      %max3A = arith.maximumf %gather3A, %gather3A_59 : vector<16xf32>
      %select_n3A = arith.select %gt3A, %broadcast_in_dim3A_64, %broadcast_in_dim3A_53 : vector<16xi1>, vector<16xi32>
      %gt3A_87 = arith.cmpf ogt, %gather3A_81, %gather3A_70 : vector<16xf32>
      %max3A_88 = arith.maximumf %gather3A_70, %gather3A_81 : vector<16xf32>
      %select_n3A_89 = arith.select %gt3A_87, %broadcast_in_dim3A_86, %broadcast_in_dim3A_75 : vector<16xi1>, vector<16xi32>
      %gt3A_90 = arith.cmpf ogt, %max3A_88, %max3A : vector<16xf32>
      %max3A_91 = arith.maximumf %max3A, %max3A_88 : vector<16xf32>
      %select_n3A_92 = arith.select %gt3A_90, %select_n3A_89, %select_n3A : vector<16xi1>, vector<16xi32>
      %broadcast_in_dim3A_93 = vector.broadcast %scan3A_43 : i32 to vector<16xi32>
      tpu.vector_store_idx %arg7[%iota3A, %broadcast_in_dim3A_93], %max3A_91 : memref<16x256xf32, #tpu.memory_space<vmem>>[vector<16xi32>, vector<16xi32>], vector<16xf32>,
      %broadcast_in_dim3A_94 = vector.broadcast %scan3A_43 : i32 to vector<16xi32>
      tpu.vector_store_idx %arg8[%iota3A, %broadcast_in_dim3A_94], %select_n3A_92 : memref<16x256xi32, #tpu.memory_space<vmem>>[vector<16xi32>, vector<16xi32>], vector<16xi32>,
      %mul3A_95 = arith.constant 4 : i32
      %mul3A_96 = arith.muli %mul3A_95, %scan3A_43 : i32
      %add3A_97 = arith.constant 0 : i32
      %add3A_98 = arith.addi %mul3A_96, %add3A_97 : i32
      %broadcast_in_dim3A_99 = vector.broadcast %add3A_98 : i32 to vector<16xi32>
      %gather3A_100 = tpu.vector_load_idx %arg17[%iota3A, %broadcast_in_dim3A_99] : memref<16x1024xf32, #tpu.memory_space<vmem>>[vector<16xi32>, vector<16xi32>], vector<16xf32>,
      %mul3A_101 = arith.constant 4 : i32
      %mul3A_102 = arith.muli %mul3A_101, %scan3A_43 : i32
      %add3A_103 = arith.constant 0 : i32
      %add3A_104 = arith.addi %mul3A_102, %add3A_103 : i32
      %broadcast_in_dim3A_105 = vector.broadcast %add3A_104 : i32 to vector<16xi32>
      %mul3A_106 = arith.constant 4 : i32
      %mul3A_107 = arith.muli %mul3A_106, %scan3A_43 : i32
      %add3A_108 = arith.constant 1 : i32
      %add3A_109 = arith.addi %mul3A_107, %add3A_108 : i32
      %broadcast_in_dim3A_110 = vector.broadcast %add3A_109 : i32 to vector<16xi32>
      %gather3A_111 = tpu.vector_load_idx %arg17[%iota3A, %broadcast_in_dim3A_110] : memref<16x1024xf32, #tpu.memory_space<vmem>>[vector<16xi32>, vector<16xi32>], vector<16xf32>,
      %mul3A_112 = arith.constant 4 : i32
      %mul3A_113 = arith.muli %mul3A_112, %scan3A_43 : i32
      %add3A_114 = arith.constant 1 : i32
      %add3A_115 = arith.addi %mul3A_113, %add3A_114 : i32
      %broadcast_in_dim3A_116 = vector.broadcast %add3A_115 : i32 to vector<16xi32>
      %mul3A_117 = arith.constant 4 : i32
      %mul3A_118 = arith.muli %mul3A_117, %scan3A_43 : i32
      %add3A_119 = arith.constant 2 : i32
      %add3A_120 = arith.addi %mul3A_118, %add3A_119 : i32
      %broadcast_in_dim3A_121 = vector.broadcast %add3A_120 : i32 to vector<16xi32>
      %gather3A_122 = tpu.vector_load_idx %arg17[%iota3A, %broadcast_in_dim3A_121] : memref<16x1024xf32, #tpu.memory_space<vmem>>[vector<16xi32>, vector<16xi32>], vector<16xf32>,
      %mul3A_123 = arith.constant 4 : i32
      %mul3A_124 = arith.muli %mul3A_123, %scan3A_43 : i32
      %add3A_125 = arith.constant 2 : i32
      %add3A_126 = arith.addi %mul3A_124, %add3A_125 : i32
      %broadcast_in_dim3A_127 = vector.broadcast %add3A_126 : i32 to vector<16xi32>
      %mul3A_128 = arith.constant 4 : i32
      %mul3A_129 = arith.muli %mul3A_128, %scan3A_43 : i32
      %add3A_130 = arith.constant 3 : i32
      %add3A_131 = arith.addi %mul3A_129, %add3A_130 : i32
      %broadcast_in_dim3A_132 = vector.broadcast %add3A_131 : i32 to vector<16xi32>
      %gather3A_133 = tpu.vector_load_idx %arg17[%iota3A, %broadcast_in_dim3A_132] : memref<16x1024xf32, #tpu.memory_space<vmem>>[vector<16xi32>, vector<16xi32>], vector<16xf32>,
      %mul3A_134 = arith.constant 4 : i32
      %mul3A_135 = arith.muli %mul3A_134, %scan3A_43 : i32
      %add3A_136 = arith.constant 3 : i32
      %add3A_137 = arith.addi %mul3A_135, %add3A_136 : i32
      %broadcast_in_dim3A_138 = vector.broadcast %add3A_137 : i32 to vector<16xi32>
      %gt3A_139 = arith.cmpf ogt, %gather3A_111, %gather3A_100 : vector<16xf32>
      %max3A_140 = arith.maximumf %gather3A_100, %gather3A_111 : vector<16xf32>
      %select_n3A_141 = arith.select %gt3A_139, %broadcast_in_dim3A_116, %broadcast_in_dim3A_105 : vector<16xi1>, vector<16xi32>
      %gt3A_142 = arith.cmpf ogt, %gather3A_133, %gather3A_122 : vector<16xf32>
      %max3A_143 = arith.maximumf %gather3A_122, %gather3A_133 : vector<16xf32>
      %select_n3A_144 = arith.select %gt3A_142, %broadcast_in_dim3A_138, %broadcast_in_dim3A_127 : vector<16xi1>, vector<16xi32>
      %gt3A_145 = arith.cmpf ogt, %max3A_143, %max3A_140 : vector<16xf32>
      %max3A_146 = arith.maximumf %max3A_140, %max3A_143 : vector<16xf32>
      %select_n3A_147 = arith.select %gt3A_145, %select_n3A_144, %select_n3A_141 : vector<16xi1>, vector<16xi32>
      %broadcast_in_dim3A_148 = vector.broadcast %scan3A_43 : i32 to vector<16xi32>
      tpu.vector_store_idx %arg18[%iota3A, %broadcast_in_dim3A_148], %max3A_146 : memref<16x256xf32, #tpu.memory_space<vmem>>[vector<16xi32>, vector<16xi32>], vector<16xf32>,
      %broadcast_in_dim3A_149 = vector.broadcast %scan3A_43 : i32 to vector<16xi32>
      tpu.vector_store_idx %arg19[%iota3A, %broadcast_in_dim3A_149], %select_n3A_147 : memref<16x256xi32, #tpu.memory_space<vmem>>[vector<16xi32>, vector<16xi32>], vector<16xi32>,
      %scan3A_150 = arith.constant 0 : i32
      scf.yield %scan3A_150 : i32
    }
    %scan3A_14 = arith.constant 256 : i32
    %scan3A_15 = arith.constant 0 : i32
    %scan3A_16 = arith.constant 0 : i32
    %scan3A_17 = arith.constant 64 : i32
    %scan3A_18 = arith.addi %scan3A_16, %scan3A_17 : i32
    %scan3A_19 = arith.constant 1 : i32
    %scan3A_20 = scf.for %scan3A_43 = %scan3A_16 to %scan3A_18 step %scan3A_19 iter_args(%scan3A_44 = %scan3A_15) -> (i32)  : i32 {
      %mul3A_45 = arith.constant 4 : i32
      %mul3A_46 = arith.muli %mul3A_45, %scan3A_43 : i32
      %add3A_47 = arith.constant 0 : i32
      %add3A_48 = arith.addi %mul3A_46, %add3A_47 : i32
      %broadcast_in_dim3A = vector.broadcast %add3A_48 : i32 to vector<16xi32>
      %gather3A = tpu.vector_load_idx %arg7[%iota3A, %broadcast_in_dim3A] : memref<16x256xf32, #tpu.memory_space<vmem>>[vector<16xi32>, vector<16xi32>], vector<16xf32>,
      %mul3A_49 = arith.constant 4 : i32
      %mul3A_50 = arith.muli %mul3A_49, %scan3A_43 : i32
      %add3A_51 = arith.constant 0 : i32
      %add3A_52 = arith.addi %mul3A_50, %add3A_51 : i32
      %broadcast_in_dim3A_53 = vector.broadcast %add3A_52 : i32 to vector<16xi32>
      %gather3A_54 = tpu.vector_load_idx %arg8[%iota3A, %broadcast_in_dim3A_53] : memref<16x256xi32, #tpu.memory_space<vmem>>[vector<16xi32>, vector<16xi32>], vector<16xi32>,
      %mul3A_55 = arith.constant 4 : i32
      %mul3A_56 = arith.muli %mul3A_55, %scan3A_43 : i32
      %add3A_57 = arith.constant 1 : i32
      %add3A_58 = arith.addi %mul3A_56, %add3A_57 : i32
      %broadcast_in_dim3A_59 = vector.broadcast %add3A_58 : i32 to vector<16xi32>
      %gather3A_60 = tpu.vector_load_idx %arg7[%iota3A, %broadcast_in_dim3A_59] : memref<16x256xf32, #tpu.memory_space<vmem>>[vector<16xi32>, vector<16xi32>], vector<16xf32>,
      %mul3A_61 = arith.constant 4 : i32
      %mul3A_62 = arith.muli %mul3A_61, %scan3A_43 : i32
      %add3A_63 = arith.constant 1 : i32
      %add3A_64 = arith.addi %mul3A_62, %add3A_63 : i32
      %broadcast_in_dim3A_65 = vector.broadcast %add3A_64 : i32 to vector<16xi32>
      %gather3A_66 = tpu.vector_load_idx %arg8[%iota3A, %broadcast_in_dim3A_65] : memref<16x256xi32, #tpu.memory_space<vmem>>[vector<16xi32>, vector<16xi32>], vector<16xi32>,
      %mul3A_67 = arith.constant 4 : i32
      %mul3A_68 = arith.muli %mul3A_67, %scan3A_43 : i32
      %add3A_69 = arith.constant 2 : i32
      %add3A_70 = arith.addi %mul3A_68, %add3A_69 : i32
      %broadcast_in_dim3A_71 = vector.broadcast %add3A_70 : i32 to vector<16xi32>
      %gather3A_72 = tpu.vector_load_idx %arg7[%iota3A, %broadcast_in_dim3A_71] : memref<16x256xf32, #tpu.memory_space<vmem>>[vector<16xi32>, vector<16xi32>], vector<16xf32>,
      %mul3A_73 = arith.constant 4 : i32
      %mul3A_74 = arith.muli %mul3A_73, %scan3A_43 : i32
      %add3A_75 = arith.constant 2 : i32
      %add3A_76 = arith.addi %mul3A_74, %add3A_75 : i32
      %broadcast_in_dim3A_77 = vector.broadcast %add3A_76 : i32 to vector<16xi32>
      %gather3A_78 = tpu.vector_load_idx %arg8[%iota3A, %broadcast_in_dim3A_77] : memref<16x256xi32, #tpu.memory_space<vmem>>[vector<16xi32>, vector<16xi32>], vector<16xi32>,
      %mul3A_79 = arith.constant 4 : i32
      %mul3A_80 = arith.muli %mul3A_79, %scan3A_43 : i32
      %add3A_81 = arith.constant 3 : i32
      %add3A_82 = arith.addi %mul3A_80, %add3A_81 : i32
      %broadcast_in_dim3A_83 = vector.broadcast %add3A_82 : i32 to vector<16xi32>
      %gather3A_84 = tpu.vector_load_idx %arg7[%iota3A, %broadcast_in_dim3A_83] : memref<16x256xf32, #tpu.memory_space<vmem>>[vector<16xi32>, vector<16xi32>], vector<16xf32>,
      %mul3A_85 = arith.constant 4 : i32
      %mul3A_86 = arith.muli %mul3A_85, %scan3A_43 : i32
      %add3A_87 = arith.constant 3 : i32
      %add3A_88 = arith.addi %mul3A_86, %add3A_87 : i32
      %broadcast_in_dim3A_89 = vector.broadcast %add3A_88 : i32 to vector<16xi32>
      %gather3A_90 = tpu.vector_load_idx %arg8[%iota3A, %broadcast_in_dim3A_89] : memref<16x256xi32, #tpu.memory_space<vmem>>[vector<16xi32>, vector<16xi32>], vector<16xi32>,
      %gt3A = arith.cmpf ogt, %gather3A_60, %gather3A : vector<16xf32>
      %max3A = arith.maximumf %gather3A, %gather3A_60 : vector<16xf32>
      %select_n3A = arith.select %gt3A, %gather3A_66, %gather3A_54 : vector<16xi1>, vector<16xi32>
      %gt3A_91 = arith.cmpf ogt, %gather3A_84, %gather3A_72 : vector<16xf32>
      %max3A_92 = arith.maximumf %gather3A_72, %gather3A_84 : vector<16xf32>
      %select_n3A_93 = arith.select %gt3A_91, %gather3A_90, %gather3A_78 : vector<16xi1>, vector<16xi32>
      %gt3A_94 = arith.cmpf ogt, %max3A_92, %max3A : vector<16xf32>
      %max3A_95 = arith.maximumf %max3A, %max3A_92 : vector<16xf32>
      %select_n3A_96 = arith.select %gt3A_94, %select_n3A_93, %select_n3A : vector<16xi1>, vector<16xi32>
      %broadcast_in_dim3A_97 = vector.broadcast %scan3A_43 : i32 to vector<16xi32>
      tpu.vector_store_idx %arg9[%iota3A, %broadcast_in_dim3A_97], %max3A_95 : memref<16x64xf32, #tpu.memory_space<vmem>>[vector<16xi32>, vector<16xi32>], vector<16xf32>,
      %broadcast_in_dim3A_98 = vector.broadcast %scan3A_43 : i32 to vector<16xi32>
      tpu.vector_store_idx %arg10[%iota3A, %broadcast_in_dim3A_98], %select_n3A_96 : memref<16x64xi32, #tpu.memory_space<vmem>>[vector<16xi32>, vector<16xi32>], vector<16xi32>,
      %mul3A_99 = arith.constant 4 : i32
      %mul3A_100 = arith.muli %mul3A_99, %scan3A_43 : i32
      %add3A_101 = arith.constant 0 : i32
      %add3A_102 = arith.addi %mul3A_100, %add3A_101 : i32
      %broadcast_in_dim3A_103 = vector.broadcast %add3A_102 : i32 to vector<16xi32>
      %gather3A_104 = tpu.vector_load_idx %arg18[%iota3A, %broadcast_in_dim3A_103] : memref<16x256xf32, #tpu.memory_space<vmem>>[vector<16xi32>, vector<16xi32>], vector<16xf32>,
      %mul3A_105 = arith.constant 4 : i32
      %mul3A_106 = arith.muli %mul3A_105, %scan3A_43 : i32
      %add3A_107 = arith.constant 0 : i32
      %add3A_108 = arith.addi %mul3A_106, %add3A_107 : i32
      %broadcast_in_dim3A_109 = vector.broadcast %add3A_108 : i32 to vector<16xi32>
      %gather3A_110 = tpu.vector_load_idx %arg19[%iota3A, %broadcast_in_dim3A_109] : memref<16x256xi32, #tpu.memory_space<vmem>>[vector<16xi32>, vector<16xi32>], vector<16xi32>,
      %mul3A_111 = arith.constant 4 : i32
      %mul3A_112 = arith.muli %mul3A_111, %scan3A_43 : i32
      %add3A_113 = arith.constant 1 : i32
      %add3A_114 = arith.addi %mul3A_112, %add3A_113 : i32
      %broadcast_in_dim3A_115 = vector.broadcast %add3A_114 : i32 to vector<16xi32>
      %gather3A_116 = tpu.vector_load_idx %arg18[%iota3A, %broadcast_in_dim3A_115] : memref<16x256xf32, #tpu.memory_space<vmem>>[vector<16xi32>, vector<16xi32>], vector<16xf32>,
      %mul3A_117 = arith.constant 4 : i32
      %mul3A_118 = arith.muli %mul3A_117, %scan3A_43 : i32
      %add3A_119 = arith.constant 1 : i32
      %add3A_120 = arith.addi %mul3A_118, %add3A_119 : i32
      %broadcast_in_dim3A_121 = vector.broadcast %add3A_120 : i32 to vector<16xi32>
      %gather3A_122 = tpu.vector_load_idx %arg19[%iota3A, %broadcast_in_dim3A_121] : memref<16x256xi32, #tpu.memory_space<vmem>>[vector<16xi32>, vector<16xi32>], vector<16xi32>,
      %mul3A_123 = arith.constant 4 : i32
      %mul3A_124 = arith.muli %mul3A_123, %scan3A_43 : i32
      %add3A_125 = arith.constant 2 : i32
      %add3A_126 = arith.addi %mul3A_124, %add3A_125 : i32
      %broadcast_in_dim3A_127 = vector.broadcast %add3A_126 : i32 to vector<16xi32>
      %gather3A_128 = tpu.vector_load_idx %arg18[%iota3A, %broadcast_in_dim3A_127] : memref<16x256xf32, #tpu.memory_space<vmem>>[vector<16xi32>, vector<16xi32>], vector<16xf32>,
      %mul3A_129 = arith.constant 4 : i32
      %mul3A_130 = arith.muli %mul3A_129, %scan3A_43 : i32
      %add3A_131 = arith.constant 2 : i32
      %add3A_132 = arith.addi %mul3A_130, %add3A_131 : i32
      %broadcast_in_dim3A_133 = vector.broadcast %add3A_132 : i32 to vector<16xi32>
      %gather3A_134 = tpu.vector_load_idx %arg19[%iota3A, %broadcast_in_dim3A_133] : memref<16x256xi32, #tpu.memory_space<vmem>>[vector<16xi32>, vector<16xi32>], vector<16xi32>,
      %mul3A_135 = arith.constant 4 : i32
      %mul3A_136 = arith.muli %mul3A_135, %scan3A_43 : i32
      %add3A_137 = arith.constant 3 : i32
      %add3A_138 = arith.addi %mul3A_136, %add3A_137 : i32
      %broadcast_in_dim3A_139 = vector.broadcast %add3A_138 : i32 to vector<16xi32>
      %gather3A_140 = tpu.vector_load_idx %arg18[%iota3A, %broadcast_in_dim3A_139] : memref<16x256xf32, #tpu.memory_space<vmem>>[vector<16xi32>, vector<16xi32>], vector<16xf32>,
      %mul3A_141 = arith.constant 4 : i32
      %mul3A_142 = arith.muli %mul3A_141, %scan3A_43 : i32
      %add3A_143 = arith.constant 3 : i32
      %add3A_144 = arith.addi %mul3A_142, %add3A_143 : i32
      %broadcast_in_dim3A_145 = vector.broadcast %add3A_144 : i32 to vector<16xi32>
      %gather3A_146 = tpu.vector_load_idx %arg19[%iota3A, %broadcast_in_dim3A_145] : memref<16x256xi32, #tpu.memory_space<vmem>>[vector<16xi32>, vector<16xi32>], vector<16xi32>,
      %gt3A_147 = arith.cmpf ogt, %gather3A_116, %gather3A_104 : vector<16xf32>
      %max3A_148 = arith.maximumf %gather3A_104, %gather3A_116 : vector<16xf32>
      %select_n3A_149 = arith.select %gt3A_147, %gather3A_122, %gather3A_110 : vector<16xi1>, vector<16xi32>
      %gt3A_150 = arith.cmpf ogt, %gather3A_140, %gather3A_128 : vector<16xf32>
      %max3A_151 = arith.maximumf %gather3A_128, %gather3A_140 : vector<16xf32>
      %select_n3A_152 = arith.select %gt3A_150, %gather3A_146, %gather3A_134 : vector<16xi1>, vector<16xi32>
      %gt3A_153 = arith.cmpf ogt, %max3A_151, %max3A_148 : vector<16xf32>
      %max3A_154 = arith.maximumf %max3A_148, %max3A_151 : vector<16xf32>
      %select_n3A_155 = arith.select %gt3A_153, %select_n3A_152, %select_n3A_149 : vector<16xi1>, vector<16xi32>
      %broadcast_in_dim3A_156 = vector.broadcast %scan3A_43 : i32 to vector<16xi32>
      tpu.vector_store_idx %arg20[%iota3A, %broadcast_in_dim3A_156], %max3A_154 : memref<16x64xf32, #tpu.memory_space<vmem>>[vector<16xi32>, vector<16xi32>], vector<16xf32>,
      %broadcast_in_dim3A_157 = vector.broadcast %scan3A_43 : i32 to vector<16xi32>
      tpu.vector_store_idx %arg21[%iota3A, %broadcast_in_dim3A_157], %select_n3A_155 : memref<16x64xi32, #tpu.memory_space<vmem>>[vector<16xi32>, vector<16xi32>], vector<16xi32>,
      %scan3A_158 = arith.constant 0 : i32
      scf.yield %scan3A_158 : i32
    }
    %scan3A_21 = arith.constant 64 : i32
    %scan3A_22 = arith.constant 0 : i32
    %scan3A_23 = arith.constant 0 : i32
    %scan3A_24 = arith.constant 16 : i32
    %scan3A_25 = arith.addi %scan3A_23, %scan3A_24 : i32
    %scan3A_26 = arith.constant 1 : i32
    %scan3A_27 = scf.for %scan3A_43 = %scan3A_23 to %scan3A_25 step %scan3A_26 iter_args(%scan3A_44 = %scan3A_22) -> (i32)  : i32 {
      %mul3A_45 = arith.constant 4 : i32
      %mul3A_46 = arith.muli %mul3A_45, %scan3A_43 : i32
      %add3A_47 = arith.constant 0 : i32
      %add3A_48 = arith.addi %mul3A_46, %add3A_47 : i32
      %broadcast_in_dim3A = vector.broadcast %add3A_48 : i32 to vector<16xi32>
      %gather3A = tpu.vector_load_idx %arg9[%iota3A, %broadcast_in_dim3A] : memref<16x64xf32, #tpu.memory_space<vmem>>[vector<16xi32>, vector<16xi32>], vector<16xf32>,
      %mul3A_49 = arith.constant 4 : i32
      %mul3A_50 = arith.muli %mul3A_49, %scan3A_43 : i32
      %add3A_51 = arith.constant 0 : i32
      %add3A_52 = arith.addi %mul3A_50, %add3A_51 : i32
      %broadcast_in_dim3A_53 = vector.broadcast %add3A_52 : i32 to vector<16xi32>
      %gather3A_54 = tpu.vector_load_idx %arg10[%iota3A, %broadcast_in_dim3A_53] : memref<16x64xi32, #tpu.memory_space<vmem>>[vector<16xi32>, vector<16xi32>], vector<16xi32>,
      %mul3A_55 = arith.constant 4 : i32
      %mul3A_56 = arith.muli %mul3A_55, %scan3A_43 : i32
      %add3A_57 = arith.constant 1 : i32
      %add3A_58 = arith.addi %mul3A_56, %add3A_57 : i32
      %broadcast_in_dim3A_59 = vector.broadcast %add3A_58 : i32 to vector<16xi32>
      %gather3A_60 = tpu.vector_load_idx %arg9[%iota3A, %broadcast_in_dim3A_59] : memref<16x64xf32, #tpu.memory_space<vmem>>[vector<16xi32>, vector<16xi32>], vector<16xf32>,
      %mul3A_61 = arith.constant 4 : i32
      %mul3A_62 = arith.muli %mul3A_61, %scan3A_43 : i32
      %add3A_63 = arith.constant 1 : i32
      %add3A_64 = arith.addi %mul3A_62, %add3A_63 : i32
      %broadcast_in_dim3A_65 = vector.broadcast %add3A_64 : i32 to vector<16xi32>
      %gather3A_66 = tpu.vector_load_idx %arg10[%iota3A, %broadcast_in_dim3A_65] : memref<16x64xi32, #tpu.memory_space<vmem>>[vector<16xi32>, vector<16xi32>], vector<16xi32>,
      %mul3A_67 = arith.constant 4 : i32
      %mul3A_68 = arith.muli %mul3A_67, %scan3A_43 : i32
      %add3A_69 = arith.constant 2 : i32
      %add3A_70 = arith.addi %mul3A_68, %add3A_69 : i32
      %broadcast_in_dim3A_71 = vector.broadcast %add3A_70 : i32 to vector<16xi32>
      %gather3A_72 = tpu.vector_load_idx %arg9[%iota3A, %broadcast_in_dim3A_71] : memref<16x64xf32, #tpu.memory_space<vmem>>[vector<16xi32>, vector<16xi32>], vector<16xf32>,
      %mul3A_73 = arith.constant 4 : i32
      %mul3A_74 = arith.muli %mul3A_73, %scan3A_43 : i32
      %add3A_75 = arith.constant 2 : i32
      %add3A_76 = arith.addi %mul3A_74, %add3A_75 : i32
      %broadcast_in_dim3A_77 = vector.broadcast %add3A_76 : i32 to vector<16xi32>
      %gather3A_78 = tpu.vector_load_idx %arg10[%iota3A, %broadcast_in_dim3A_77] : memref<16x64xi32, #tpu.memory_space<vmem>>[vector<16xi32>, vector<16xi32>], vector<16xi32>,
      %mul3A_79 = arith.constant 4 : i32
      %mul3A_80 = arith.muli %mul3A_79, %scan3A_43 : i32
      %add3A_81 = arith.constant 3 : i32
      %add3A_82 = arith.addi %mul3A_80, %add3A_81 : i32
      %broadcast_in_dim3A_83 = vector.broadcast %add3A_82 : i32 to vector<16xi32>
      %gather3A_84 = tpu.vector_load_idx %arg9[%iota3A, %broadcast_in_dim3A_83] : memref<16x64xf32, #tpu.memory_space<vmem>>[vector<16xi32>, vector<16xi32>], vector<16xf32>,
      %mul3A_85 = arith.constant 4 : i32
      %mul3A_86 = arith.muli %mul3A_85, %scan3A_43 : i32
      %add3A_87 = arith.constant 3 : i32
      %add3A_88 = arith.addi %mul3A_86, %add3A_87 : i32
      %broadcast_in_dim3A_89 = vector.broadcast %add3A_88 : i32 to vector<16xi32>
      %gather3A_90 = tpu.vector_load_idx %arg10[%iota3A, %broadcast_in_dim3A_89] : memref<16x64xi32, #tpu.memory_space<vmem>>[vector<16xi32>, vector<16xi32>], vector<16xi32>,
      %gt3A = arith.cmpf ogt, %gather3A_60, %gather3A : vector<16xf32>
      %max3A = arith.maximumf %gather3A, %gather3A_60 : vector<16xf32>
      %select_n3A = arith.select %gt3A, %gather3A_66, %gather3A_54 : vector<16xi1>, vector<16xi32>
      %gt3A_91 = arith.cmpf ogt, %gather3A_84, %gather3A_72 : vector<16xf32>
      %max3A_92 = arith.maximumf %gather3A_72, %gather3A_84 : vector<16xf32>
      %select_n3A_93 = arith.select %gt3A_91, %gather3A_90, %gather3A_78 : vector<16xi1>, vector<16xi32>
      %gt3A_94 = arith.cmpf ogt, %max3A_92, %max3A : vector<16xf32>
      %max3A_95 = arith.maximumf %max3A, %max3A_92 : vector<16xf32>
      %select_n3A_96 = arith.select %gt3A_94, %select_n3A_93, %select_n3A : vector<16xi1>, vector<16xi32>
      %broadcast_in_dim3A_97 = vector.broadcast %scan3A_43 : i32 to vector<16xi32>
      tpu.vector_store_idx %arg11[%iota3A, %broadcast_in_dim3A_97], %max3A_95 : memref<16x16xf32, #tpu.memory_space<vmem>>[vector<16xi32>, vector<16xi32>], vector<16xf32>,
      %broadcast_in_dim3A_98 = vector.broadcast %scan3A_43 : i32 to vector<16xi32>
      tpu.vector_store_idx %arg12[%iota3A, %broadcast_in_dim3A_98], %select_n3A_96 : memref<16x16xi32, #tpu.memory_space<vmem>>[vector<16xi32>, vector<16xi32>], vector<16xi32>,
      %mul3A_99 = arith.constant 4 : i32
      %mul3A_100 = arith.muli %mul3A_99, %scan3A_43 : i32
      %add3A_101 = arith.constant 0 : i32
      %add3A_102 = arith.addi %mul3A_100, %add3A_101 : i32
      %broadcast_in_dim3A_103 = vector.broadcast %add3A_102 : i32 to vector<16xi32>
      %gather3A_104 = tpu.vector_load_idx %arg20[%iota3A, %broadcast_in_dim3A_103] : memref<16x64xf32, #tpu.memory_space<vmem>>[vector<16xi32>, vector<16xi32>], vector<16xf32>,
      %mul3A_105 = arith.constant 4 : i32
      %mul3A_106 = arith.muli %mul3A_105, %scan3A_43 : i32
      %add3A_107 = arith.constant 0 : i32
      %add3A_108 = arith.addi %mul3A_106, %add3A_107 : i32
      %broadcast_in_dim3A_109 = vector.broadcast %add3A_108 : i32 to vector<16xi32>
      %gather3A_110 = tpu.vector_load_idx %arg21[%iota3A, %broadcast_in_dim3A_109] : memref<16x64xi32, #tpu.memory_space<vmem>>[vector<16xi32>, vector<16xi32>], vector<16xi32>,
      %mul3A_111 = arith.constant 4 : i32
      %mul3A_112 = arith.muli %mul3A_111, %scan3A_43 : i32
      %add3A_113 = arith.constant 1 : i32
      %add3A_114 = arith.addi %mul3A_112, %add3A_113 : i32
      %broadcast_in_dim3A_115 = vector.broadcast %add3A_114 : i32 to vector<16xi32>
      %gather3A_116 = tpu.vector_load_idx %arg20[%iota3A, %broadcast_in_dim3A_115] : memref<16x64xf32, #tpu.memory_space<vmem>>[vector<16xi32>, vector<16xi32>], vector<16xf32>,
      %mul3A_117 = arith.constant 4 : i32
      %mul3A_118 = arith.muli %mul3A_117, %scan3A_43 : i32
      %add3A_119 = arith.constant 1 : i32
      %add3A_120 = arith.addi %mul3A_118, %add3A_119 : i32
      %broadcast_in_dim3A_121 = vector.broadcast %add3A_120 : i32 to vector<16xi32>
      %gather3A_122 = tpu.vector_load_idx %arg21[%iota3A, %broadcast_in_dim3A_121] : memref<16x64xi32, #tpu.memory_space<vmem>>[vector<16xi32>, vector<16xi32>], vector<16xi32>,
      %mul3A_123 = arith.constant 4 : i32
      %mul3A_124 = arith.muli %mul3A_123, %scan3A_43 : i32
      %add3A_125 = arith.constant 2 : i32
      %add3A_126 = arith.addi %mul3A_124, %add3A_125 : i32
      %broadcast_in_dim3A_127 = vector.broadcast %add3A_126 : i32 to vector<16xi32>
      %gather3A_128 = tpu.vector_load_idx %arg20[%iota3A, %broadcast_in_dim3A_127] : memref<16x64xf32, #tpu.memory_space<vmem>>[vector<16xi32>, vector<16xi32>], vector<16xf32>,
      %mul3A_129 = arith.constant 4 : i32
      %mul3A_130 = arith.muli %mul3A_129, %scan3A_43 : i32
      %add3A_131 = arith.constant 2 : i32
      %add3A_132 = arith.addi %mul3A_130, %add3A_131 : i32
      %broadcast_in_dim3A_133 = vector.broadcast %add3A_132 : i32 to vector<16xi32>
      %gather3A_134 = tpu.vector_load_idx %arg21[%iota3A, %broadcast_in_dim3A_133] : memref<16x64xi32, #tpu.memory_space<vmem>>[vector<16xi32>, vector<16xi32>], vector<16xi32>,
      %mul3A_135 = arith.constant 4 : i32
      %mul3A_136 = arith.muli %mul3A_135, %scan3A_43 : i32
      %add3A_137 = arith.constant 3 : i32
      %add3A_138 = arith.addi %mul3A_136, %add3A_137 : i32
      %broadcast_in_dim3A_139 = vector.broadcast %add3A_138 : i32 to vector<16xi32>
      %gather3A_140 = tpu.vector_load_idx %arg20[%iota3A, %broadcast_in_dim3A_139] : memref<16x64xf32, #tpu.memory_space<vmem>>[vector<16xi32>, vector<16xi32>], vector<16xf32>,
      %mul3A_141 = arith.constant 4 : i32
      %mul3A_142 = arith.muli %mul3A_141, %scan3A_43 : i32
      %add3A_143 = arith.constant 3 : i32
      %add3A_144 = arith.addi %mul3A_142, %add3A_143 : i32
      %broadcast_in_dim3A_145 = vector.broadcast %add3A_144 : i32 to vector<16xi32>
      %gather3A_146 = tpu.vector_load_idx %arg21[%iota3A, %broadcast_in_dim3A_145] : memref<16x64xi32, #tpu.memory_space<vmem>>[vector<16xi32>, vector<16xi32>], vector<16xi32>,
      %gt3A_147 = arith.cmpf ogt, %gather3A_116, %gather3A_104 : vector<16xf32>
      %max3A_148 = arith.maximumf %gather3A_104, %gather3A_116 : vector<16xf32>
      %select_n3A_149 = arith.select %gt3A_147, %gather3A_122, %gather3A_110 : vector<16xi1>, vector<16xi32>
      %gt3A_150 = arith.cmpf ogt, %gather3A_140, %gather3A_128 : vector<16xf32>
      %max3A_151 = arith.maximumf %gather3A_128, %gather3A_140 : vector<16xf32>
      %select_n3A_152 = arith.select %gt3A_150, %gather3A_146, %gather3A_134 : vector<16xi1>, vector<16xi32>
      %gt3A_153 = arith.cmpf ogt, %max3A_151, %max3A_148 : vector<16xf32>
      %max3A_154 = arith.maximumf %max3A_148, %max3A_151 : vector<16xf32>
      %select_n3A_155 = arith.select %gt3A_153, %select_n3A_152, %select_n3A_149 : vector<16xi1>, vector<16xi32>
      %broadcast_in_dim3A_156 = vector.broadcast %scan3A_43 : i32 to vector<16xi32>
      tpu.vector_store_idx %arg22[%iota3A, %broadcast_in_dim3A_156], %max3A_154 : memref<16x16xf32, #tpu.memory_space<vmem>>[vector<16xi32>, vector<16xi32>], vector<16xf32>,
      %broadcast_in_dim3A_157 = vector.broadcast %scan3A_43 : i32 to vector<16xi32>
      tpu.vector_store_idx %arg23[%iota3A, %broadcast_in_dim3A_157], %select_n3A_155 : memref<16x16xi32, #tpu.memory_space<vmem>>[vector<16xi32>, vector<16xi32>], vector<16xi32>,
      %scan3A_158 = arith.constant 0 : i32
      scf.yield %scan3A_158 : i32
    }
    %scan3A_28 = arith.constant 16 : i32
    %scan3A_29 = arith.constant 0 : i32
    %scan3A_30 = arith.constant 0 : i32
    %scan3A_31 = arith.constant 4 : i32
    %scan3A_32 = arith.addi %scan3A_30, %scan3A_31 : i32
    %scan3A_33 = arith.constant 1 : i32
    %scan3A_34 = scf.for %scan3A_43 = %scan3A_30 to %scan3A_32 step %scan3A_33 iter_args(%scan3A_44 = %scan3A_29) -> (i32)  : i32 {
      %mul3A_45 = arith.constant 4 : i32
      %mul3A_46 = arith.muli %mul3A_45, %scan3A_43 : i32
      %add3A_47 = arith.constant 0 : i32
      %add3A_48 = arith.addi %mul3A_46, %add3A_47 : i32
      %broadcast_in_dim3A = vector.broadcast %add3A_48 : i32 to vector<16xi32>
      %gather3A = tpu.vector_load_idx %arg11[%iota3A, %broadcast_in_dim3A] : memref<16x16xf32, #tpu.memory_space<vmem>>[vector<16xi32>, vector<16xi32>], vector<16xf32>,
      %mul3A_49 = arith.constant 4 : i32
      %mul3A_50 = arith.muli %mul3A_49, %scan3A_43 : i32
      %add3A_51 = arith.constant 0 : i32
      %add3A_52 = arith.addi %mul3A_50, %add3A_51 : i32
      %broadcast_in_dim3A_53 = vector.broadcast %add3A_52 : i32 to vector<16xi32>
      %gather3A_54 = tpu.vector_load_idx %arg12[%iota3A, %broadcast_in_dim3A_53] : memref<16x16xi32, #tpu.memory_space<vmem>>[vector<16xi32>, vector<16xi32>], vector<16xi32>,
      %mul3A_55 = arith.constant 4 : i32
      %mul3A_56 = arith.muli %mul3A_55, %scan3A_43 : i32
      %add3A_57 = arith.constant 1 : i32
      %add3A_58 = arith.addi %mul3A_56, %add3A_57 : i32
      %broadcast_in_dim3A_59 = vector.broadcast %add3A_58 : i32 to vector<16xi32>
      %gather3A_60 = tpu.vector_load_idx %arg11[%iota3A, %broadcast_in_dim3A_59] : memref<16x16xf32, #tpu.memory_space<vmem>>[vector<16xi32>, vector<16xi32>], vector<16xf32>,
      %mul3A_61 = arith.constant 4 : i32
      %mul3A_62 = arith.muli %mul3A_61, %scan3A_43 : i32
      %add3A_63 = arith.constant 1 : i32
      %add3A_64 = arith.addi %mul3A_62, %add3A_63 : i32
      %broadcast_in_dim3A_65 = vector.broadcast %add3A_64 : i32 to vector<16xi32>
      %gather3A_66 = tpu.vector_load_idx %arg12[%iota3A, %broadcast_in_dim3A_65] : memref<16x16xi32, #tpu.memory_space<vmem>>[vector<16xi32>, vector<16xi32>], vector<16xi32>,
      %mul3A_67 = arith.constant 4 : i32
      %mul3A_68 = arith.muli %mul3A_67, %scan3A_43 : i32
      %add3A_69 = arith.constant 2 : i32
      %add3A_70 = arith.addi %mul3A_68, %add3A_69 : i32
      %broadcast_in_dim3A_71 = vector.broadcast %add3A_70 : i32 to vector<16xi32>
      %gather3A_72 = tpu.vector_load_idx %arg11[%iota3A, %broadcast_in_dim3A_71] : memref<16x16xf32, #tpu.memory_space<vmem>>[vector<16xi32>, vector<16xi32>], vector<16xf32>,
      %mul3A_73 = arith.constant 4 : i32
      %mul3A_74 = arith.muli %mul3A_73, %scan3A_43 : i32
      %add3A_75 = arith.constant 2 : i32
      %add3A_76 = arith.addi %mul3A_74, %add3A_75 : i32
      %broadcast_in_dim3A_77 = vector.broadcast %add3A_76 : i32 to vector<16xi32>
      %gather3A_78 = tpu.vector_load_idx %arg12[%iota3A, %broadcast_in_dim3A_77] : memref<16x16xi32, #tpu.memory_space<vmem>>[vector<16xi32>, vector<16xi32>], vector<16xi32>,
      %mul3A_79 = arith.constant 4 : i32
      %mul3A_80 = arith.muli %mul3A_79, %scan3A_43 : i32
      %add3A_81 = arith.constant 3 : i32
      %add3A_82 = arith.addi %mul3A_80, %add3A_81 : i32
      %broadcast_in_dim3A_83 = vector.broadcast %add3A_82 : i32 to vector<16xi32>
      %gather3A_84 = tpu.vector_load_idx %arg11[%iota3A, %broadcast_in_dim3A_83] : memref<16x16xf32, #tpu.memory_space<vmem>>[vector<16xi32>, vector<16xi32>], vector<16xf32>,
      %mul3A_85 = arith.constant 4 : i32
      %mul3A_86 = arith.muli %mul3A_85, %scan3A_43 : i32
      %add3A_87 = arith.constant 3 : i32
      %add3A_88 = arith.addi %mul3A_86, %add3A_87 : i32
      %broadcast_in_dim3A_89 = vector.broadcast %add3A_88 : i32 to vector<16xi32>
      %gather3A_90 = tpu.vector_load_idx %arg12[%iota3A, %broadcast_in_dim3A_89] : memref<16x16xi32, #tpu.memory_space<vmem>>[vector<16xi32>, vector<16xi32>], vector<16xi32>,
      %gt3A = arith.cmpf ogt, %gather3A_60, %gather3A : vector<16xf32>
      %max3A = arith.maximumf %gather3A, %gather3A_60 : vector<16xf32>
      %select_n3A = arith.select %gt3A, %gather3A_66, %gather3A_54 : vector<16xi1>, vector<16xi32>
      %gt3A_91 = arith.cmpf ogt, %gather3A_84, %gather3A_72 : vector<16xf32>
      %max3A_92 = arith.maximumf %gather3A_72, %gather3A_84 : vector<16xf32>
      %select_n3A_93 = arith.select %gt3A_91, %gather3A_90, %gather3A_78 : vector<16xi1>, vector<16xi32>
      %gt3A_94 = arith.cmpf ogt, %max3A_92, %max3A : vector<16xf32>
      %max3A_95 = arith.maximumf %max3A, %max3A_92 : vector<16xf32>
      %select_n3A_96 = arith.select %gt3A_94, %select_n3A_93, %select_n3A : vector<16xi1>, vector<16xi32>
      %broadcast_in_dim3A_97 = vector.broadcast %scan3A_43 : i32 to vector<16xi32>
      tpu.vector_store_idx %arg13[%iota3A, %broadcast_in_dim3A_97], %max3A_95 : memref<16x4xf32, #tpu.memory_space<vmem>>[vector<16xi32>, vector<16xi32>], vector<16xf32>,
      %broadcast_in_dim3A_98 = vector.broadcast %scan3A_43 : i32 to vector<16xi32>
      tpu.vector_store_idx %arg14[%iota3A, %broadcast_in_dim3A_98], %select_n3A_96 : memref<16x4xi32, #tpu.memory_space<vmem>>[vector<16xi32>, vector<16xi32>], vector<16xi32>,
      %mul3A_99 = arith.constant 4 : i32
      %mul3A_100 = arith.muli %mul3A_99, %scan3A_43 : i32
      %add3A_101 = arith.constant 0 : i32
      %add3A_102 = arith.addi %mul3A_100, %add3A_101 : i32
      %broadcast_in_dim3A_103 = vector.broadcast %add3A_102 : i32 to vector<16xi32>
      %gather3A_104 = tpu.vector_load_idx %arg22[%iota3A, %broadcast_in_dim3A_103] : memref<16x16xf32, #tpu.memory_space<vmem>>[vector<16xi32>, vector<16xi32>], vector<16xf32>,
      %mul3A_105 = arith.constant 4 : i32
      %mul3A_106 = arith.muli %mul3A_105, %scan3A_43 : i32
      %add3A_107 = arith.constant 0 : i32
      %add3A_108 = arith.addi %mul3A_106, %add3A_107 : i32
      %broadcast_in_dim3A_109 = vector.broadcast %add3A_108 : i32 to vector<16xi32>
      %gather3A_110 = tpu.vector_load_idx %arg23[%iota3A, %broadcast_in_dim3A_109] : memref<16x16xi32, #tpu.memory_space<vmem>>[vector<16xi32>, vector<16xi32>], vector<16xi32>,
      %mul3A_111 = arith.constant 4 : i32
      %mul3A_112 = arith.muli %mul3A_111, %scan3A_43 : i32
      %add3A_113 = arith.constant 1 : i32
      %add3A_114 = arith.addi %mul3A_112, %add3A_113 : i32
      %broadcast_in_dim3A_115 = vector.broadcast %add3A_114 : i32 to vector<16xi32>
      %gather3A_116 = tpu.vector_load_idx %arg22[%iota3A, %broadcast_in_dim3A_115] : memref<16x16xf32, #tpu.memory_space<vmem>>[vector<16xi32>, vector<16xi32>], vector<16xf32>,
      %mul3A_117 = arith.constant 4 : i32
      %mul3A_118 = arith.muli %mul3A_117, %scan3A_43 : i32
      %add3A_119 = arith.constant 1 : i32
      %add3A_120 = arith.addi %mul3A_118, %add3A_119 : i32
      %broadcast_in_dim3A_121 = vector.broadcast %add3A_120 : i32 to vector<16xi32>
      %gather3A_122 = tpu.vector_load_idx %arg23[%iota3A, %broadcast_in_dim3A_121] : memref<16x16xi32, #tpu.memory_space<vmem>>[vector<16xi32>, vector<16xi32>], vector<16xi32>,
      %mul3A_123 = arith.constant 4 : i32
      %mul3A_124 = arith.muli %mul3A_123, %scan3A_43 : i32
      %add3A_125 = arith.constant 2 : i32
      %add3A_126 = arith.addi %mul3A_124, %add3A_125 : i32
      %broadcast_in_dim3A_127 = vector.broadcast %add3A_126 : i32 to vector<16xi32>
      %gather3A_128 = tpu.vector_load_idx %arg22[%iota3A, %broadcast_in_dim3A_127] : memref<16x16xf32, #tpu.memory_space<vmem>>[vector<16xi32>, vector<16xi32>], vector<16xf32>,
      %mul3A_129 = arith.constant 4 : i32
      %mul3A_130 = arith.muli %mul3A_129, %scan3A_43 : i32
      %add3A_131 = arith.constant 2 : i32
      %add3A_132 = arith.addi %mul3A_130, %add3A_131 : i32
      %broadcast_in_dim3A_133 = vector.broadcast %add3A_132 : i32 to vector<16xi32>
      %gather3A_134 = tpu.vector_load_idx %arg23[%iota3A, %broadcast_in_dim3A_133] : memref<16x16xi32, #tpu.memory_space<vmem>>[vector<16xi32>, vector<16xi32>], vector<16xi32>,
      %mul3A_135 = arith.constant 4 : i32
      %mul3A_136 = arith.muli %mul3A_135, %scan3A_43 : i32
      %add3A_137 = arith.constant 3 : i32
      %add3A_138 = arith.addi %mul3A_136, %add3A_137 : i32
      %broadcast_in_dim3A_139 = vector.broadcast %add3A_138 : i32 to vector<16xi32>
      %gather3A_140 = tpu.vector_load_idx %arg22[%iota3A, %broadcast_in_dim3A_139] : memref<16x16xf32, #tpu.memory_space<vmem>>[vector<16xi32>, vector<16xi32>], vector<16xf32>,
      %mul3A_141 = arith.constant 4 : i32
      %mul3A_142 = arith.muli %mul3A_141, %scan3A_43 : i32
      %add3A_143 = arith.constant 3 : i32
      %add3A_144 = arith.addi %mul3A_142, %add3A_143 : i32
      %broadcast_in_dim3A_145 = vector.broadcast %add3A_144 : i32 to vector<16xi32>
      %gather3A_146 = tpu.vector_load_idx %arg23[%iota3A, %broadcast_in_dim3A_145] : memref<16x16xi32, #tpu.memory_space<vmem>>[vector<16xi32>, vector<16xi32>], vector<16xi32>,
      %gt3A_147 = arith.cmpf ogt, %gather3A_116, %gather3A_104 : vector<16xf32>
      %max3A_148 = arith.maximumf %gather3A_104, %gather3A_116 : vector<16xf32>
      %select_n3A_149 = arith.select %gt3A_147, %gather3A_122, %gather3A_110 : vector<16xi1>, vector<16xi32>
      %gt3A_150 = arith.cmpf ogt, %gather3A_140, %gather3A_128 : vector<16xf32>
      %max3A_151 = arith.maximumf %gather3A_128, %gather3A_140 : vector<16xf32>
      %select_n3A_152 = arith.select %gt3A_150, %gather3A_146, %gather3A_134 : vector<16xi1>, vector<16xi32>
      %gt3A_153 = arith.cmpf ogt, %max3A_151, %max3A_148 : vector<16xf32>
      %max3A_154 = arith.maximumf %max3A_148, %max3A_151 : vector<16xf32>
      %select_n3A_155 = arith.select %gt3A_153, %select_n3A_152, %select_n3A_149 : vector<16xi1>, vector<16xi32>
      %broadcast_in_dim3A_156 = vector.broadcast %scan3A_43 : i32 to vector<16xi32>
      tpu.vector_store_idx %arg24[%iota3A, %broadcast_in_dim3A_156], %max3A_154 : memref<16x4xf32, #tpu.memory_space<vmem>>[vector<16xi32>, vector<16xi32>], vector<16xf32>,
      %broadcast_in_dim3A_157 = vector.broadcast %scan3A_43 : i32 to vector<16xi32>
      tpu.vector_store_idx %arg25[%iota3A, %broadcast_in_dim3A_157], %select_n3A_155 : memref<16x4xi32, #tpu.memory_space<vmem>>[vector<16xi32>, vector<16xi32>], vector<16xi32>,
      %scan3A_158 = arith.constant 0 : i32
      scf.yield %scan3A_158 : i32
    }
    %scan3A_35 = arith.constant 4 : i32
    %scan3A_36 = arith.constant 0 : i32
    %scan3A_37 = arith.constant 0 : i32
    %scan3A_38 = arith.constant 128 : i32
    %scan3A_39 = arith.addi %scan3A_37, %scan3A_38 : i32
    %scan3A_40 = arith.constant 1 : i32
    %scan3A_41 = scf.for %scan3A_43 = %scan3A_37 to %scan3A_39 step %scan3A_40 iter_args(%scan3A_44 = %scan3A_36) -> (i32)  : i32 {
      %broadcast_in_dim3A = arith.constant 0 : i32
      %broadcast_in_dim3A_45 = vector.broadcast %broadcast_in_dim3A : i32 to vector<16xi32>
      %gather3A = tpu.vector_load_idx %arg13[%iota3A, %broadcast_in_dim3A_45] : memref<16x4xf32, #tpu.memory_space<vmem>>[vector<16xi32>, vector<16xi32>], vector<16xf32>,
      %broadcast_in_dim3A_46 = arith.constant 1 : i32
      %broadcast_in_dim3A_47 = vector.broadcast %broadcast_in_dim3A_46 : i32 to vector<16xi32>
      %gather3A_48 = tpu.vector_load_idx %arg13[%iota3A, %broadcast_in_dim3A_47] : memref<16x4xf32, #tpu.memory_space<vmem>>[vector<16xi32>, vector<16xi32>], vector<16xf32>,
      %broadcast_in_dim3A_49 = arith.constant 2 : i32
      %broadcast_in_dim3A_50 = vector.broadcast %broadcast_in_dim3A_49 : i32 to vector<16xi32>
      %gather3A_51 = tpu.vector_load_idx %arg13[%iota3A, %broadcast_in_dim3A_50] : memref<16x4xf32, #tpu.memory_space<vmem>>[vector<16xi32>, vector<16xi32>], vector<16xf32>,
      %broadcast_in_dim3A_52 = arith.constant 3 : i32
      %broadcast_in_dim3A_53 = vector.broadcast %broadcast_in_dim3A_52 : i32 to vector<16xi32>
      %gather3A_54 = tpu.vector_load_idx %arg13[%iota3A, %broadcast_in_dim3A_53] : memref<16x4xf32, #tpu.memory_space<vmem>>[vector<16xi32>, vector<16xi32>], vector<16xf32>,
      %broadcast_in_dim3A_55 = arith.constant 0 : i32
      %broadcast_in_dim3A_56 = vector.broadcast %broadcast_in_dim3A_55 : i32 to vector<16xi32>
      %gather3A_57 = tpu.vector_load_idx %arg14[%iota3A, %broadcast_in_dim3A_56] : memref<16x4xi32, #tpu.memory_space<vmem>>[vector<16xi32>, vector<16xi32>], vector<16xi32>,
      %broadcast_in_dim3A_58 = arith.constant 1 : i32
      %broadcast_in_dim3A_59 = vector.broadcast %broadcast_in_dim3A_58 : i32 to vector<16xi32>
      %gather3A_60 = tpu.vector_load_idx %arg14[%iota3A, %broadcast_in_dim3A_59] : memref<16x4xi32, #tpu.memory_space<vmem>>[vector<16xi32>, vector<16xi32>], vector<16xi32>,
      %broadcast_in_dim3A_61 = arith.constant 2 : i32
      %broadcast_in_dim3A_62 = vector.broadcast %broadcast_in_dim3A_61 : i32 to vector<16xi32>
      %gather3A_63 = tpu.vector_load_idx %arg14[%iota3A, %broadcast_in_dim3A_62] : memref<16x4xi32, #tpu.memory_space<vmem>>[vector<16xi32>, vector<16xi32>], vector<16xi32>,
      %broadcast_in_dim3A_64 = arith.constant 3 : i32
      %broadcast_in_dim3A_65 = vector.broadcast %broadcast_in_dim3A_64 : i32 to vector<16xi32>
      %gather3A_66 = tpu.vector_load_idx %arg14[%iota3A, %broadcast_in_dim3A_65] : memref<16x4xi32, #tpu.memory_space<vmem>>[vector<16xi32>, vector<16xi32>], vector<16xi32>,
      %gt3A = arith.cmpf ogt, %gather3A_48, %gather3A : vector<16xf32>
      %max3A = arith.maximumf %gather3A, %gather3A_48 : vector<16xf32>
      %select_n3A = arith.select %gt3A, %gather3A_60, %gather3A_57 : vector<16xi1>, vector<16xi32>
      %gt3A_67 = arith.cmpf ogt, %gather3A_54, %gather3A_51 : vector<16xf32>
      %max3A_68 = arith.maximumf %gather3A_51, %gather3A_54 : vector<16xf32>
      %select_n3A_69 = arith.select %gt3A_67, %gather3A_66, %gather3A_63 : vector<16xi1>, vector<16xi32>
      %gt3A_70 = arith.cmpf ogt, %max3A_68, %max3A : vector<16xf32>
      %max3A_71 = arith.maximumf %max3A, %max3A_68 : vector<16xf32>
      %select_n3A_72 = arith.select %gt3A_70, %select_n3A_69, %select_n3A : vector<16xi1>, vector<16xi32>
      %gather3A_73 = tpu.vector_load_idx %arg16[%iota3A, %select_n3A_72] : memref<16x1024xi32, #tpu.memory_space<vmem>>[vector<16xi32>, vector<16xi32>], vector<16xi32>,
      %broadcast_in_dim3A_74 = vector.broadcast %scan3A_43 : i32 to vector<16xi32>
      %gather3A_75 = tpu.vector_load_idx %arg15[%iota3A, %broadcast_in_dim3A_74] : memref<16x128xi32, #tpu.memory_space<vmem>>[vector<16xi32>, vector<16xi32>], vector<16xi32>,
      %broadcast_in_dim3A_76 = arith.constant 128 : i32
      %broadcast_in_dim3A_77 = vector.broadcast %broadcast_in_dim3A_76 : i32 to vector<16xi32>
      %lt3A = arith.cmpi slt, %gather3A_73, %broadcast_in_dim3A_77 : vector<16xi32>
      tpu.vector_store_idx %arg15[%iota3A, %gather3A_73], %gather3A_75 masked %lt3A : memref<16x128xi32, #tpu.memory_space<vmem>>[vector<16xi32>, vector<16xi32>], vector<16xi32>, vector<16xi1>
      %ne3A = arith.cmpi ne, %gather3A_75, %select_n3A_72 : vector<16xi32>
      tpu.vector_store_idx %arg16[%iota3A, %gather3A_75], %gather3A_73 masked %ne3A : memref<16x1024xi32, #tpu.memory_space<vmem>>[vector<16xi32>, vector<16xi32>], vector<16xi32>, vector<16xi1>
      %broadcast_in_dim3A_78 = vector.broadcast %scan3A_43 : i32 to vector<16xi32>
      tpu.vector_store_idx %arg16[%iota3A, %select_n3A_72], %broadcast_in_dim3A_78 : memref<16x1024xi32, #tpu.memory_space<vmem>>[vector<16xi32>, vector<16xi32>], vector<16xi32>,
      %broadcast_in_dim3A_79 = arith.constant -3.000000e+38 : f32
      %broadcast_in_dim3A_80 = vector.broadcast %broadcast_in_dim3A_79 : f32 to vector<16xf32>
      tpu.vector_store_idx %arg6[%iota3A, %select_n3A_72], %broadcast_in_dim3A_80 : memref<16x1024xf32, #tpu.memory_space<vmem>>[vector<16xi32>, vector<16xi32>], vector<16xf32>,
      %shift_right_logical3A = arith.constant 2 : i32
      %shift_right_logical3A_81 = vector.broadcast %shift_right_logical3A : i32 to vector<16xi32>
      %shift_right_logical3A_82 = arith.shrui %select_n3A_72, %shift_right_logical3A_81 : vector<16xi32>
      %mul3A_83 = arith.constant 4 : i32
      %mul3A_84 = vector.broadcast %mul3A_83 : i32 to vector<16xi32>
      %mul3A_85 = arith.muli %mul3A_84, %shift_right_logical3A_82 : vector<16xi32>
      %add3A_86 = arith.constant 0 : i32
      %add3A_87 = vector.broadcast %add3A_86 : i32 to vector<16xi32>
      %add3A_88 = arith.addi %mul3A_85, %add3A_87 : vector<16xi32>
      %gather3A_89 = tpu.vector_load_idx %arg6[%iota3A, %add3A_88] : memref<16x1024xf32, #tpu.memory_space<vmem>>[vector<16xi32>, vector<16xi32>], vector<16xf32>,
      %add3A_90 = arith.constant 0 : i32
      %add3A_91 = vector.broadcast %add3A_90 : i32 to vector<16xi32>
      %add3A_92 = arith.addi %mul3A_85, %add3A_91 : vector<16xi32>
      %add3A_93 = arith.constant 1 : i32
      %add3A_94 = vector.broadcast %add3A_93 : i32 to vector<16xi32>
      %add3A_95 = arith.addi %mul3A_85, %add3A_94 : vector<16xi32>
      %gather3A_96 = tpu.vector_load_idx %arg6[%iota3A, %add3A_95] : memref<16x1024xf32, #tpu.memory_space<vmem>>[vector<16xi32>, vector<16xi32>], vector<16xf32>,
      %add3A_97 = arith.constant 1 : i32
      %add3A_98 = vector.broadcast %add3A_97 : i32 to vector<16xi32>
      %add3A_99 = arith.addi %mul3A_85, %add3A_98 : vector<16xi32>
      %add3A_100 = arith.constant 2 : i32
      %add3A_101 = vector.broadcast %add3A_100 : i32 to vector<16xi32>
      %add3A_102 = arith.addi %mul3A_85, %add3A_101 : vector<16xi32>
      %gather3A_103 = tpu.vector_load_idx %arg6[%iota3A, %add3A_102] : memref<16x1024xf32, #tpu.memory_space<vmem>>[vector<16xi32>, vector<16xi32>], vector<16xf32>,
      %add3A_104 = arith.constant 2 : i32
      %add3A_105 = vector.broadcast %add3A_104 : i32 to vector<16xi32>
      %add3A_106 = arith.addi %mul3A_85, %add3A_105 : vector<16xi32>
      %add3A_107 = arith.constant 3 : i32
      %add3A_108 = vector.broadcast %add3A_107 : i32 to vector<16xi32>
      %add3A_109 = arith.addi %mul3A_85, %add3A_108 : vector<16xi32>
      %gather3A_110 = tpu.vector_load_idx %arg6[%iota3A, %add3A_109] : memref<16x1024xf32, #tpu.memory_space<vmem>>[vector<16xi32>, vector<16xi32>], vector<16xf32>,
      %add3A_111 = arith.constant 3 : i32
      %add3A_112 = vector.broadcast %add3A_111 : i32 to vector<16xi32>
      %add3A_113 = arith.addi %mul3A_85, %add3A_112 : vector<16xi32>
      %gt3A_114 = arith.cmpf ogt, %gather3A_96, %gather3A_89 : vector<16xf32>
      %max3A_115 = arith.maximumf %gather3A_89, %gather3A_96 : vector<16xf32>
      %select_n3A_116 = arith.select %gt3A_114, %add3A_99, %add3A_92 : vector<16xi1>, vector<16xi32>
      %gt3A_117 = arith.cmpf ogt, %gather3A_110, %gather3A_103 : vector<16xf32>
      %max3A_118 = arith.maximumf %gather3A_103, %gather3A_110 : vector<16xf32>
      %select_n3A_119 = arith.select %gt3A_117, %add3A_113, %add3A_106 : vector<16xi1>, vector<16xi32>
      %gt3A_120 = arith.cmpf ogt, %max3A_118, %max3A_115 : vector<16xf32>
      %max3A_121 = arith.maximumf %max3A_115, %max3A_118 : vector<16xf32>
      %select_n3A_122 = arith.select %gt3A_120, %select_n3A_119, %select_n3A_116 : vector<16xi1>, vector<16xi32>
      tpu.vector_store_idx %arg7[%iota3A, %shift_right_logical3A_82], %max3A_121 : memref<16x256xf32, #tpu.memory_space<vmem>>[vector<16xi32>, vector<16xi32>], vector<16xf32>,
      tpu.vector_store_idx %arg8[%iota3A, %shift_right_logical3A_82], %select_n3A_122 : memref<16x256xi32, #tpu.memory_space<vmem>>[vector<16xi32>, vector<16xi32>], vector<16xi32>,
      %shift_right_logical3A_123 = arith.constant 4 : i32
      %shift_right_logical3A_124 = vector.broadcast %shift_right_logical3A_123 : i32 to vector<16xi32>
      %shift_right_logical3A_125 = arith.shrui %select_n3A_72, %shift_right_logical3A_124 : vector<16xi32>
      %mul3A_126 = arith.constant 4 : i32
      %mul3A_127 = vector.broadcast %mul3A_126 : i32 to vector<16xi32>
      %mul3A_128 = arith.muli %mul3A_127, %shift_right_logical3A_125 : vector<16xi32>
      %add3A_129 = arith.constant 0 : i32
      %add3A_130 = vector.broadcast %add3A_129 : i32 to vector<16xi32>
      %add3A_131 = arith.addi %mul3A_128, %add3A_130 : vector<16xi32>
      %gather3A_132 = tpu.vector_load_idx %arg7[%iota3A, %add3A_131] : memref<16x256xf32, #tpu.memory_space<vmem>>[vector<16xi32>, vector<16xi32>], vector<16xf32>,
      %add3A_133 = arith.constant 0 : i32
      %add3A_134 = vector.broadcast %add3A_133 : i32 to vector<16xi32>
      %add3A_135 = arith.addi %mul3A_128, %add3A_134 : vector<16xi32>
      %gather3A_136 = tpu.vector_load_idx %arg8[%iota3A, %add3A_135] : memref<16x256xi32, #tpu.memory_space<vmem>>[vector<16xi32>, vector<16xi32>], vector<16xi32>,
      %add3A_137 = arith.constant 1 : i32
      %add3A_138 = vector.broadcast %add3A_137 : i32 to vector<16xi32>
      %add3A_139 = arith.addi %mul3A_128, %add3A_138 : vector<16xi32>
      %gather3A_140 = tpu.vector_load_idx %arg7[%iota3A, %add3A_139] : memref<16x256xf32, #tpu.memory_space<vmem>>[vector<16xi32>, vector<16xi32>], vector<16xf32>,
      %add3A_141 = arith.constant 1 : i32
      %add3A_142 = vector.broadcast %add3A_141 : i32 to vector<16xi32>
      %add3A_143 = arith.addi %mul3A_128, %add3A_142 : vector<16xi32>
      %gather3A_144 = tpu.vector_load_idx %arg8[%iota3A, %add3A_143] : memref<16x256xi32, #tpu.memory_space<vmem>>[vector<16xi32>, vector<16xi32>], vector<16xi32>,
      %add3A_145 = arith.constant 2 : i32
      %add3A_146 = vector.broadcast %add3A_145 : i32 to vector<16xi32>
      %add3A_147 = arith.addi %mul3A_128, %add3A_146 : vector<16xi32>
      %gather3A_148 = tpu.vector_load_idx %arg7[%iota3A, %add3A_147] : memref<16x256xf32, #tpu.memory_space<vmem>>[vector<16xi32>, vector<16xi32>], vector<16xf32>,
      %add3A_149 = arith.constant 2 : i32
      %add3A_150 = vector.broadcast %add3A_149 : i32 to vector<16xi32>
      %add3A_151 = arith.addi %mul3A_128, %add3A_150 : vector<16xi32>
      %gather3A_152 = tpu.vector_load_idx %arg8[%iota3A, %add3A_151] : memref<16x256xi32, #tpu.memory_space<vmem>>[vector<16xi32>, vector<16xi32>], vector<16xi32>,
      %add3A_153 = arith.constant 3 : i32
      %add3A_154 = vector.broadcast %add3A_153 : i32 to vector<16xi32>
      %add3A_155 = arith.addi %mul3A_128, %add3A_154 : vector<16xi32>
      %gather3A_156 = tpu.vector_load_idx %arg7[%iota3A, %add3A_155] : memref<16x256xf32, #tpu.memory_space<vmem>>[vector<16xi32>, vector<16xi32>], vector<16xf32>,
      %add3A_157 = arith.constant 3 : i32
      %add3A_158 = vector.broadcast %add3A_157 : i32 to vector<16xi32>
      %add3A_159 = arith.addi %mul3A_128, %add3A_158 : vector<16xi32>
      %gather3A_160 = tpu.vector_load_idx %arg8[%iota3A, %add3A_159] : memref<16x256xi32, #tpu.memory_space<vmem>>[vector<16xi32>, vector<16xi32>], vector<16xi32>,
      %gt3A_161 = arith.cmpf ogt, %gather3A_140, %gather3A_132 : vector<16xf32>
      %max3A_162 = arith.maximumf %gather3A_132, %gather3A_140 : vector<16xf32>
      %select_n3A_163 = arith.select %gt3A_161, %gather3A_144, %gather3A_136 : vector<16xi1>, vector<16xi32>
      %gt3A_164 = arith.cmpf ogt, %gather3A_156, %gather3A_148 : vector<16xf32>
      %max3A_165 = arith.maximumf %gather3A_148, %gather3A_156 : vector<16xf32>
      %select_n3A_166 = arith.select %gt3A_164, %gather3A_160, %gather3A_152 : vector<16xi1>, vector<16xi32>
      %gt3A_167 = arith.cmpf ogt, %max3A_165, %max3A_162 : vector<16xf32>
      %max3A_168 = arith.maximumf %max3A_162, %max3A_165 : vector<16xf32>
      %select_n3A_169 = arith.select %gt3A_167, %select_n3A_166, %select_n3A_163 : vector<16xi1>, vector<16xi32>
      tpu.vector_store_idx %arg9[%iota3A, %shift_right_logical3A_125], %max3A_168 : memref<16x64xf32, #tpu.memory_space<vmem>>[vector<16xi32>, vector<16xi32>], vector<16xf32>,
      tpu.vector_store_idx %arg10[%iota3A, %shift_right_logical3A_125], %select_n3A_169 : memref<16x64xi32, #tpu.memory_space<vmem>>[vector<16xi32>, vector<16xi32>], vector<16xi32>,
      %shift_right_logical3A_170 = arith.constant 6 : i32
      %shift_right_logical3A_171 = vector.broadcast %shift_right_logical3A_170 : i32 to vector<16xi32>
      %shift_right_logical3A_172 = arith.shrui %select_n3A_72, %shift_right_logical3A_171 : vector<16xi32>
      %mul3A_173 = arith.constant 4 : i32
      %mul3A_174 = vector.broadcast %mul3A_173 : i32 to vector<16xi32>
      %mul3A_175 = arith.muli %mul3A_174, %shift_right_logical3A_172 : vector<16xi32>
      %add3A_176 = arith.constant 0 : i32
      %add3A_177 = vector.broadcast %add3A_176 : i32 to vector<16xi32>
      %add3A_178 = arith.addi %mul3A_175, %add3A_177 : vector<16xi32>
      %gather3A_179 = tpu.vector_load_idx %arg9[%iota3A, %add3A_178] : memref<16x64xf32, #tpu.memory_space<vmem>>[vector<16xi32>, vector<16xi32>], vector<16xf32>,
      %add3A_180 = arith.constant 0 : i32
      %add3A_181 = vector.broadcast %add3A_180 : i32 to vector<16xi32>
      %add3A_182 = arith.addi %mul3A_175, %add3A_181 : vector<16xi32>
      %gather3A_183 = tpu.vector_load_idx %arg10[%iota3A, %add3A_182] : memref<16x64xi32, #tpu.memory_space<vmem>>[vector<16xi32>, vector<16xi32>], vector<16xi32>,
      %add3A_184 = arith.constant 1 : i32
      %add3A_185 = vector.broadcast %add3A_184 : i32 to vector<16xi32>
      %add3A_186 = arith.addi %mul3A_175, %add3A_185 : vector<16xi32>
      %gather3A_187 = tpu.vector_load_idx %arg9[%iota3A, %add3A_186] : memref<16x64xf32, #tpu.memory_space<vmem>>[vector<16xi32>, vector<16xi32>], vector<16xf32>,
      %add3A_188 = arith.constant 1 : i32
      %add3A_189 = vector.broadcast %add3A_188 : i32 to vector<16xi32>
      %add3A_190 = arith.addi %mul3A_175, %add3A_189 : vector<16xi32>
      %gather3A_191 = tpu.vector_load_idx %arg10[%iota3A, %add3A_190] : memref<16x64xi32, #tpu.memory_space<vmem>>[vector<16xi32>, vector<16xi32>], vector<16xi32>,
      %add3A_192 = arith.constant 2 : i32
      %add3A_193 = vector.broadcast %add3A_192 : i32 to vector<16xi32>
      %add3A_194 = arith.addi %mul3A_175, %add3A_193 : vector<16xi32>
      %gather3A_195 = tpu.vector_load_idx %arg9[%iota3A, %add3A_194] : memref<16x64xf32, #tpu.memory_space<vmem>>[vector<16xi32>, vector<16xi32>], vector<16xf32>,
      %add3A_196 = arith.constant 2 : i32
      %add3A_197 = vector.broadcast %add3A_196 : i32 to vector<16xi32>
      %add3A_198 = arith.addi %mul3A_175, %add3A_197 : vector<16xi32>
      %gather3A_199 = tpu.vector_load_idx %arg10[%iota3A, %add3A_198] : memref<16x64xi32, #tpu.memory_space<vmem>>[vector<16xi32>, vector<16xi32>], vector<16xi32>,
      %add3A_200 = arith.constant 3 : i32
      %add3A_201 = vector.broadcast %add3A_200 : i32 to vector<16xi32>
      %add3A_202 = arith.addi %mul3A_175, %add3A_201 : vector<16xi32>
      %gather3A_203 = tpu.vector_load_idx %arg9[%iota3A, %add3A_202] : memref<16x64xf32, #tpu.memory_space<vmem>>[vector<16xi32>, vector<16xi32>], vector<16xf32>,
      %add3A_204 = arith.constant 3 : i32
      %add3A_205 = vector.broadcast %add3A_204 : i32 to vector<16xi32>
      %add3A_206 = arith.addi %mul3A_175, %add3A_205 : vector<16xi32>
      %gather3A_207 = tpu.vector_load_idx %arg10[%iota3A, %add3A_206] : memref<16x64xi32, #tpu.memory_space<vmem>>[vector<16xi32>, vector<16xi32>], vector<16xi32>,
      %gt3A_208 = arith.cmpf ogt, %gather3A_187, %gather3A_179 : vector<16xf32>
      %max3A_209 = arith.maximumf %gather3A_179, %gather3A_187 : vector<16xf32>
      %select_n3A_210 = arith.select %gt3A_208, %gather3A_191, %gather3A_183 : vector<16xi1>, vector<16xi32>
      %gt3A_211 = arith.cmpf ogt, %gather3A_203, %gather3A_195 : vector<16xf32>
      %max3A_212 = arith.maximumf %gather3A_195, %gather3A_203 : vector<16xf32>
      %select_n3A_213 = arith.select %gt3A_211, %gather3A_207, %gather3A_199 : vector<16xi1>, vector<16xi32>
      %gt3A_214 = arith.cmpf ogt, %max3A_212, %max3A_209 : vector<16xf32>
      %max3A_215 = arith.maximumf %max3A_209, %max3A_212 : vector<16xf32>
      %select_n3A_216 = arith.select %gt3A_214, %select_n3A_213, %select_n3A_210 : vector<16xi1>, vector<16xi32>
      tpu.vector_store_idx %arg11[%iota3A, %shift_right_logical3A_172], %max3A_215 : memref<16x16xf32, #tpu.memory_space<vmem>>[vector<16xi32>, vector<16xi32>], vector<16xf32>,
      tpu.vector_store_idx %arg12[%iota3A, %shift_right_logical3A_172], %select_n3A_216 : memref<16x16xi32, #tpu.memory_space<vmem>>[vector<16xi32>, vector<16xi32>], vector<16xi32>,
      %shift_right_logical3A_217 = arith.constant 8 : i32
      %shift_right_logical3A_218 = vector.broadcast %shift_right_logical3A_217 : i32 to vector<16xi32>
      %shift_right_logical3A_219 = arith.shrui %select_n3A_72, %shift_right_logical3A_218 : vector<16xi32>
      %mul3A_220 = arith.constant 4 : i32
      %mul3A_221 = vector.broadcast %mul3A_220 : i32 to vector<16xi32>
      %mul3A_222 = arith.muli %mul3A_221, %shift_right_logical3A_219 : vector<16xi32>
      %add3A_223 = arith.constant 0 : i32
      %add3A_224 = vector.broadcast %add3A_223 : i32 to vector<16xi32>
      %add3A_225 = arith.addi %mul3A_222, %add3A_224 : vector<16xi32>
      %gather3A_226 = tpu.vector_load_idx %arg11[%iota3A, %add3A_225] : memref<16x16xf32, #tpu.memory_space<vmem>>[vector<16xi32>, vector<16xi32>], vector<16xf32>,
      %add3A_227 = arith.constant 0 : i32
      %add3A_228 = vector.broadcast %add3A_227 : i32 to vector<16xi32>
      %add3A_229 = arith.addi %mul3A_222, %add3A_228 : vector<16xi32>
      %gather3A_230 = tpu.vector_load_idx %arg12[%iota3A, %add3A_229] : memref<16x16xi32, #tpu.memory_space<vmem>>[vector<16xi32>, vector<16xi32>], vector<16xi32>,
      %add3A_231 = arith.constant 1 : i32
      %add3A_232 = vector.broadcast %add3A_231 : i32 to vector<16xi32>
      %add3A_233 = arith.addi %mul3A_222, %add3A_232 : vector<16xi32>
      %gather3A_234 = tpu.vector_load_idx %arg11[%iota3A, %add3A_233] : memref<16x16xf32, #tpu.memory_space<vmem>>[vector<16xi32>, vector<16xi32>], vector<16xf32>,
      %add3A_235 = arith.constant 1 : i32
      %add3A_236 = vector.broadcast %add3A_235 : i32 to vector<16xi32>
      %add3A_237 = arith.addi %mul3A_222, %add3A_236 : vector<16xi32>
      %gather3A_238 = tpu.vector_load_idx %arg12[%iota3A, %add3A_237] : memref<16x16xi32, #tpu.memory_space<vmem>>[vector<16xi32>, vector<16xi32>], vector<16xi32>,
      %add3A_239 = arith.constant 2 : i32
      %add3A_240 = vector.broadcast %add3A_239 : i32 to vector<16xi32>
      %add3A_241 = arith.addi %mul3A_222, %add3A_240 : vector<16xi32>
      %gather3A_242 = tpu.vector_load_idx %arg11[%iota3A, %add3A_241] : memref<16x16xf32, #tpu.memory_space<vmem>>[vector<16xi32>, vector<16xi32>], vector<16xf32>,
      %add3A_243 = arith.constant 2 : i32
      %add3A_244 = vector.broadcast %add3A_243 : i32 to vector<16xi32>
      %add3A_245 = arith.addi %mul3A_222, %add3A_244 : vector<16xi32>
      %gather3A_246 = tpu.vector_load_idx %arg12[%iota3A, %add3A_245] : memref<16x16xi32, #tpu.memory_space<vmem>>[vector<16xi32>, vector<16xi32>], vector<16xi32>,
      %add3A_247 = arith.constant 3 : i32
      %add3A_248 = vector.broadcast %add3A_247 : i32 to vector<16xi32>
      %add3A_249 = arith.addi %mul3A_222, %add3A_248 : vector<16xi32>
      %gather3A_250 = tpu.vector_load_idx %arg11[%iota3A, %add3A_249] : memref<16x16xf32, #tpu.memory_space<vmem>>[vector<16xi32>, vector<16xi32>], vector<16xf32>,
      %add3A_251 = arith.constant 3 : i32
      %add3A_252 = vector.broadcast %add3A_251 : i32 to vector<16xi32>
      %add3A_253 = arith.addi %mul3A_222, %add3A_252 : vector<16xi32>
      %gather3A_254 = tpu.vector_load_idx %arg12[%iota3A, %add3A_253] : memref<16x16xi32, #tpu.memory_space<vmem>>[vector<16xi32>, vector<16xi32>], vector<16xi32>,
      %gt3A_255 = arith.cmpf ogt, %gather3A_234, %gather3A_226 : vector<16xf32>
      %max3A_256 = arith.maximumf %gather3A_226, %gather3A_234 : vector<16xf32>
      %select_n3A_257 = arith.select %gt3A_255, %gather3A_238, %gather3A_230 : vector<16xi1>, vector<16xi32>
      %gt3A_258 = arith.cmpf ogt, %gather3A_250, %gather3A_242 : vector<16xf32>
      %max3A_259 = arith.maximumf %gather3A_242, %gather3A_250 : vector<16xf32>
      %select_n3A_260 = arith.select %gt3A_258, %gather3A_254, %gather3A_246 : vector<16xi1>, vector<16xi32>
      %gt3A_261 = arith.cmpf ogt, %max3A_259, %max3A_256 : vector<16xf32>
      %max3A_262 = arith.maximumf %max3A_256, %max3A_259 : vector<16xf32>
      %select_n3A_263 = arith.select %gt3A_261, %select_n3A_260, %select_n3A_257 : vector<16xi1>, vector<16xi32>
      tpu.vector_store_idx %arg13[%iota3A, %shift_right_logical3A_219], %max3A_262 : memref<16x4xf32, #tpu.memory_space<vmem>>[vector<16xi32>, vector<16xi32>], vector<16xf32>,
      tpu.vector_store_idx %arg14[%iota3A, %shift_right_logical3A_219], %select_n3A_263 : memref<16x4xi32, #tpu.memory_space<vmem>>[vector<16xi32>, vector<16xi32>], vector<16xi32>,
      %broadcast_in_dim3A_264 = arith.constant 0 : i32
      %broadcast_in_dim3A_265 = vector.broadcast %broadcast_in_dim3A_264 : i32 to vector<16xi32>
      %gather3A_266 = tpu.vector_load_idx %arg24[%iota3A, %broadcast_in_dim3A_265] : memref<16x4xf32, #tpu.memory_space<vmem>>[vector<16xi32>, vector<16xi32>], vector<16xf32>,
      %broadcast_in_dim3A_267 = arith.constant 1 : i32
      %broadcast_in_dim3A_268 = vector.broadcast %broadcast_in_dim3A_267 : i32 to vector<16xi32>
      %gather3A_269 = tpu.vector_load_idx %arg24[%iota3A, %broadcast_in_dim3A_268] : memref<16x4xf32, #tpu.memory_space<vmem>>[vector<16xi32>, vector<16xi32>], vector<16xf32>,
      %broadcast_in_dim3A_270 = arith.constant 2 : i32
      %broadcast_in_dim3A_271 = vector.broadcast %broadcast_in_dim3A_270 : i32 to vector<16xi32>
      %gather3A_272 = tpu.vector_load_idx %arg24[%iota3A, %broadcast_in_dim3A_271] : memref<16x4xf32, #tpu.memory_space<vmem>>[vector<16xi32>, vector<16xi32>], vector<16xf32>,
      %broadcast_in_dim3A_273 = arith.constant 3 : i32
      %broadcast_in_dim3A_274 = vector.broadcast %broadcast_in_dim3A_273 : i32 to vector<16xi32>
      %gather3A_275 = tpu.vector_load_idx %arg24[%iota3A, %broadcast_in_dim3A_274] : memref<16x4xf32, #tpu.memory_space<vmem>>[vector<16xi32>, vector<16xi32>], vector<16xf32>,
      %broadcast_in_dim3A_276 = arith.constant 0 : i32
      %broadcast_in_dim3A_277 = vector.broadcast %broadcast_in_dim3A_276 : i32 to vector<16xi32>
      %gather3A_278 = tpu.vector_load_idx %arg25[%iota3A, %broadcast_in_dim3A_277] : memref<16x4xi32, #tpu.memory_space<vmem>>[vector<16xi32>, vector<16xi32>], vector<16xi32>,
      %broadcast_in_dim3A_279 = arith.constant 1 : i32
      %broadcast_in_dim3A_280 = vector.broadcast %broadcast_in_dim3A_279 : i32 to vector<16xi32>
      %gather3A_281 = tpu.vector_load_idx %arg25[%iota3A, %broadcast_in_dim3A_280] : memref<16x4xi32, #tpu.memory_space<vmem>>[vector<16xi32>, vector<16xi32>], vector<16xi32>,
      %broadcast_in_dim3A_282 = arith.constant 2 : i32
      %broadcast_in_dim3A_283 = vector.broadcast %broadcast_in_dim3A_282 : i32 to vector<16xi32>
      %gather3A_284 = tpu.vector_load_idx %arg25[%iota3A, %broadcast_in_dim3A_283] : memref<16x4xi32, #tpu.memory_space<vmem>>[vector<16xi32>, vector<16xi32>], vector<16xi32>,
      %broadcast_in_dim3A_285 = arith.constant 3 : i32
      %broadcast_in_dim3A_286 = vector.broadcast %broadcast_in_dim3A_285 : i32 to vector<16xi32>
      %gather3A_287 = tpu.vector_load_idx %arg25[%iota3A, %broadcast_in_dim3A_286] : memref<16x4xi32, #tpu.memory_space<vmem>>[vector<16xi32>, vector<16xi32>], vector<16xi32>,
      %gt3A_288 = arith.cmpf ogt, %gather3A_269, %gather3A_266 : vector<16xf32>
      %max3A_289 = arith.maximumf %gather3A_266, %gather3A_269 : vector<16xf32>
      %select_n3A_290 = arith.select %gt3A_288, %gather3A_281, %gather3A_278 : vector<16xi1>, vector<16xi32>
      %gt3A_291 = arith.cmpf ogt, %gather3A_275, %gather3A_272 : vector<16xf32>
      %max3A_292 = arith.maximumf %gather3A_272, %gather3A_275 : vector<16xf32>
      %select_n3A_293 = arith.select %gt3A_291, %gather3A_287, %gather3A_284 : vector<16xi1>, vector<16xi32>
      %gt3A_294 = arith.cmpf ogt, %max3A_292, %max3A_289 : vector<16xf32>
      %max3A_295 = arith.maximumf %max3A_289, %max3A_292 : vector<16xf32>
      %select_n3A_296 = arith.select %gt3A_294, %select_n3A_293, %select_n3A_290 : vector<16xi1>, vector<16xi32>
      %gather3A_297 = tpu.vector_load_idx %arg27[%iota3A, %select_n3A_296] : memref<16x1024xi32, #tpu.memory_space<vmem>>[vector<16xi32>, vector<16xi32>], vector<16xi32>,
      %broadcast_in_dim3A_298 = vector.broadcast %scan3A_43 : i32 to vector<16xi32>
      %gather3A_299 = tpu.vector_load_idx %arg26[%iota3A, %broadcast_in_dim3A_298] : memref<16x128xi32, #tpu.memory_space<vmem>>[vector<16xi32>, vector<16xi32>], vector<16xi32>,
      %broadcast_in_dim3A_300 = arith.constant 128 : i32
      %broadcast_in_dim3A_301 = vector.broadcast %broadcast_in_dim3A_300 : i32 to vector<16xi32>
      %lt3A_302 = arith.cmpi slt, %gather3A_297, %broadcast_in_dim3A_301 : vector<16xi32>
      tpu.vector_store_idx %arg26[%iota3A, %gather3A_297], %gather3A_299 masked %lt3A_302 : memref<16x128xi32, #tpu.memory_space<vmem>>[vector<16xi32>, vector<16xi32>], vector<16xi32>, vector<16xi1>
      %ne3A_303 = arith.cmpi ne, %gather3A_299, %select_n3A_296 : vector<16xi32>
      tpu.vector_store_idx %arg27[%iota3A, %gather3A_299], %gather3A_297 masked %ne3A_303 : memref<16x1024xi32, #tpu.memory_space<vmem>>[vector<16xi32>, vector<16xi32>], vector<16xi32>, vector<16xi1>
      %broadcast_in_dim3A_304 = vector.broadcast %scan3A_43 : i32 to vector<16xi32>
      tpu.vector_store_idx %arg27[%iota3A, %select_n3A_296], %broadcast_in_dim3A_304 : memref<16x1024xi32, #tpu.memory_space<vmem>>[vector<16xi32>, vector<16xi32>], vector<16xi32>,
      %broadcast_in_dim3A_305 = arith.constant -3.000000e+38 : f32
      %broadcast_in_dim3A_306 = vector.broadcast %broadcast_in_dim3A_305 : f32 to vector<16xf32>
      tpu.vector_store_idx %arg17[%iota3A, %select_n3A_296], %broadcast_in_dim3A_306 : memref<16x1024xf32, #tpu.memory_space<vmem>>[vector<16xi32>, vector<16xi32>], vector<16xf32>,
      %shift_right_logical3A_307 = arith.constant 2 : i32
      %shift_right_logical3A_308 = vector.broadcast %shift_right_logical3A_307 : i32 to vector<16xi32>
      %shift_right_logical3A_309 = arith.shrui %select_n3A_296, %shift_right_logical3A_308 : vector<16xi32>
      %mul3A_310 = arith.constant 4 : i32
      %mul3A_311 = vector.broadcast %mul3A_310 : i32 to vector<16xi32>
      %mul3A_312 = arith.muli %mul3A_311, %shift_right_logical3A_309 : vector<16xi32>
      %add3A_313 = arith.constant 0 : i32
      %add3A_314 = vector.broadcast %add3A_313 : i32 to vector<16xi32>
      %add3A_315 = arith.addi %mul3A_312, %add3A_314 : vector<16xi32>
      %gather3A_316 = tpu.vector_load_idx %arg17[%iota3A, %add3A_315] : memref<16x1024xf32, #tpu.memory_space<vmem>>[vector<16xi32>, vector<16xi32>], vector<16xf32>,
      %add3A_317 = arith.constant 0 : i32
      %add3A_318 = vector.broadcast %add3A_317 : i32 to vector<16xi32>
      %add3A_319 = arith.addi %mul3A_312, %add3A_318 : vector<16xi32>
      %add3A_320 = arith.constant 1 : i32
      %add3A_321 = vector.broadcast %add3A_320 : i32 to vector<16xi32>
      %add3A_322 = arith.addi %mul3A_312, %add3A_321 : vector<16xi32>
      %gather3A_323 = tpu.vector_load_idx %arg17[%iota3A, %add3A_322] : memref<16x1024xf32, #tpu.memory_space<vmem>>[vector<16xi32>, vector<16xi32>], vector<16xf32>,
      %add3A_324 = arith.constant 1 : i32
      %add3A_325 = vector.broadcast %add3A_324 : i32 to vector<16xi32>
      %add3A_326 = arith.addi %mul3A_312, %add3A_325 : vector<16xi32>
      %add3A_327 = arith.constant 2 : i32
      %add3A_328 = vector.broadcast %add3A_327 : i32 to vector<16xi32>
      %add3A_329 = arith.addi %mul3A_312, %add3A_328 : vector<16xi32>
      %gather3A_330 = tpu.vector_load_idx %arg17[%iota3A, %add3A_329] : memref<16x1024xf32, #tpu.memory_space<vmem>>[vector<16xi32>, vector<16xi32>], vector<16xf32>,
      %add3A_331 = arith.constant 2 : i32
      %add3A_332 = vector.broadcast %add3A_331 : i32 to vector<16xi32>
      %add3A_333 = arith.addi %mul3A_312, %add3A_332 : vector<16xi32>
      %add3A_334 = arith.constant 3 : i32
      %add3A_335 = vector.broadcast %add3A_334 : i32 to vector<16xi32>
      %add3A_336 = arith.addi %mul3A_312, %add3A_335 : vector<16xi32>
      %gather3A_337 = tpu.vector_load_idx %arg17[%iota3A, %add3A_336] : memref<16x1024xf32, #tpu.memory_space<vmem>>[vector<16xi32>, vector<16xi32>], vector<16xf32>,
      %add3A_338 = arith.constant 3 : i32
      %add3A_339 = vector.broadcast %add3A_338 : i32 to vector<16xi32>
      %add3A_340 = arith.addi %mul3A_312, %add3A_339 : vector<16xi32>
      %gt3A_341 = arith.cmpf ogt, %gather3A_323, %gather3A_316 : vector<16xf32>
      %max3A_342 = arith.maximumf %gather3A_316, %gather3A_323 : vector<16xf32>
      %select_n3A_343 = arith.select %gt3A_341, %add3A_326, %add3A_319 : vector<16xi1>, vector<16xi32>
      %gt3A_344 = arith.cmpf ogt, %gather3A_337, %gather3A_330 : vector<16xf32>
      %max3A_345 = arith.maximumf %gather3A_330, %gather3A_337 : vector<16xf32>
      %select_n3A_346 = arith.select %gt3A_344, %add3A_340, %add3A_333 : vector<16xi1>, vector<16xi32>
      %gt3A_347 = arith.cmpf ogt, %max3A_345, %max3A_342 : vector<16xf32>
      %max3A_348 = arith.maximumf %max3A_342, %max3A_345 : vector<16xf32>
      %select_n3A_349 = arith.select %gt3A_347, %select_n3A_346, %select_n3A_343 : vector<16xi1>, vector<16xi32>
      tpu.vector_store_idx %arg18[%iota3A, %shift_right_logical3A_309], %max3A_348 : memref<16x256xf32, #tpu.memory_space<vmem>>[vector<16xi32>, vector<16xi32>], vector<16xf32>,
      tpu.vector_store_idx %arg19[%iota3A, %shift_right_logical3A_309], %select_n3A_349 : memref<16x256xi32, #tpu.memory_space<vmem>>[vector<16xi32>, vector<16xi32>], vector<16xi32>,
      %shift_right_logical3A_350 = arith.constant 4 : i32
      %shift_right_logical3A_351 = vector.broadcast %shift_right_logical3A_350 : i32 to vector<16xi32>
      %shift_right_logical3A_352 = arith.shrui %select_n3A_296, %shift_right_logical3A_351 : vector<16xi32>
      %mul3A_353 = arith.constant 4 : i32
      %mul3A_354 = vector.broadcast %mul3A_353 : i32 to vector<16xi32>
      %mul3A_355 = arith.muli %mul3A_354, %shift_right_logical3A_352 : vector<16xi32>
      %add3A_356 = arith.constant 0 : i32
      %add3A_357 = vector.broadcast %add3A_356 : i32 to vector<16xi32>
      %add3A_358 = arith.addi %mul3A_355, %add3A_357 : vector<16xi32>
      %gather3A_359 = tpu.vector_load_idx %arg18[%iota3A, %add3A_358] : memref<16x256xf32, #tpu.memory_space<vmem>>[vector<16xi32>, vector<16xi32>], vector<16xf32>,
      %add3A_360 = arith.constant 0 : i32
      %add3A_361 = vector.broadcast %add3A_360 : i32 to vector<16xi32>
      %add3A_362 = arith.addi %mul3A_355, %add3A_361 : vector<16xi32>
      %gather3A_363 = tpu.vector_load_idx %arg19[%iota3A, %add3A_362] : memref<16x256xi32, #tpu.memory_space<vmem>>[vector<16xi32>, vector<16xi32>], vector<16xi32>,
      %add3A_364 = arith.constant 1 : i32
      %add3A_365 = vector.broadcast %add3A_364 : i32 to vector<16xi32>
      %add3A_366 = arith.addi %mul3A_355, %add3A_365 : vector<16xi32>
      %gather3A_367 = tpu.vector_load_idx %arg18[%iota3A, %add3A_366] : memref<16x256xf32, #tpu.memory_space<vmem>>[vector<16xi32>, vector<16xi32>], vector<16xf32>,
      %add3A_368 = arith.constant 1 : i32
      %add3A_369 = vector.broadcast %add3A_368 : i32 to vector<16xi32>
      %add3A_370 = arith.addi %mul3A_355, %add3A_369 : vector<16xi32>
      %gather3A_371 = tpu.vector_load_idx %arg19[%iota3A, %add3A_370] : memref<16x256xi32, #tpu.memory_space<vmem>>[vector<16xi32>, vector<16xi32>], vector<16xi32>,
      %add3A_372 = arith.constant 2 : i32
      %add3A_373 = vector.broadcast %add3A_372 : i32 to vector<16xi32>
      %add3A_374 = arith.addi %mul3A_355, %add3A_373 : vector<16xi32>
      %gather3A_375 = tpu.vector_load_idx %arg18[%iota3A, %add3A_374] : memref<16x256xf32, #tpu.memory_space<vmem>>[vector<16xi32>, vector<16xi32>], vector<16xf32>,
      %add3A_376 = arith.constant 2 : i32
      %add3A_377 = vector.broadcast %add3A_376 : i32 to vector<16xi32>
      %add3A_378 = arith.addi %mul3A_355, %add3A_377 : vector<16xi32>
      %gather3A_379 = tpu.vector_load_idx %arg19[%iota3A, %add3A_378] : memref<16x256xi32, #tpu.memory_space<vmem>>[vector<16xi32>, vector<16xi32>], vector<16xi32>,
      %add3A_380 = arith.constant 3 : i32
      %add3A_381 = vector.broadcast %add3A_380 : i32 to vector<16xi32>
      %add3A_382 = arith.addi %mul3A_355, %add3A_381 : vector<16xi32>
      %gather3A_383 = tpu.vector_load_idx %arg18[%iota3A, %add3A_382] : memref<16x256xf32, #tpu.memory_space<vmem>>[vector<16xi32>, vector<16xi32>], vector<16xf32>,
      %add3A_384 = arith.constant 3 : i32
      %add3A_385 = vector.broadcast %add3A_384 : i32 to vector<16xi32>
      %add3A_386 = arith.addi %mul3A_355, %add3A_385 : vector<16xi32>
      %gather3A_387 = tpu.vector_load_idx %arg19[%iota3A, %add3A_386] : memref<16x256xi32, #tpu.memory_space<vmem>>[vector<16xi32>, vector<16xi32>], vector<16xi32>,
      %gt3A_388 = arith.cmpf ogt, %gather3A_367, %gather3A_359 : vector<16xf32>
      %max3A_389 = arith.maximumf %gather3A_359, %gather3A_367 : vector<16xf32>
      %select_n3A_390 = arith.select %gt3A_388, %gather3A_371, %gather3A_363 : vector<16xi1>, vector<16xi32>
      %gt3A_391 = arith.cmpf ogt, %gather3A_383, %gather3A_375 : vector<16xf32>
      %max3A_392 = arith.maximumf %gather3A_375, %gather3A_383 : vector<16xf32>
      %select_n3A_393 = arith.select %gt3A_391, %gather3A_387, %gather3A_379 : vector<16xi1>, vector<16xi32>
      %gt3A_394 = arith.cmpf ogt, %max3A_392, %max3A_389 : vector<16xf32>
      %max3A_395 = arith.maximumf %max3A_389, %max3A_392 : vector<16xf32>
      %select_n3A_396 = arith.select %gt3A_394, %select_n3A_393, %select_n3A_390 : vector<16xi1>, vector<16xi32>
      tpu.vector_store_idx %arg20[%iota3A, %shift_right_logical3A_352], %max3A_395 : memref<16x64xf32, #tpu.memory_space<vmem>>[vector<16xi32>, vector<16xi32>], vector<16xf32>,
      tpu.vector_store_idx %arg21[%iota3A, %shift_right_logical3A_352], %select_n3A_396 : memref<16x64xi32, #tpu.memory_space<vmem>>[vector<16xi32>, vector<16xi32>], vector<16xi32>,
      %shift_right_logical3A_397 = arith.constant 6 : i32
      %shift_right_logical3A_398 = vector.broadcast %shift_right_logical3A_397 : i32 to vector<16xi32>
      %shift_right_logical3A_399 = arith.shrui %select_n3A_296, %shift_right_logical3A_398 : vector<16xi32>
      %mul3A_400 = arith.constant 4 : i32
      %mul3A_401 = vector.broadcast %mul3A_400 : i32 to vector<16xi32>
      %mul3A_402 = arith.muli %mul3A_401, %shift_right_logical3A_399 : vector<16xi32>
      %add3A_403 = arith.constant 0 : i32
      %add3A_404 = vector.broadcast %add3A_403 : i32 to vector<16xi32>
      %add3A_405 = arith.addi %mul3A_402, %add3A_404 : vector<16xi32>
      %gather3A_406 = tpu.vector_load_idx %arg20[%iota3A, %add3A_405] : memref<16x64xf32, #tpu.memory_space<vmem>>[vector<16xi32>, vector<16xi32>], vector<16xf32>,
      %add3A_407 = arith.constant 0 : i32
      %add3A_408 = vector.broadcast %add3A_407 : i32 to vector<16xi32>
      %add3A_409 = arith.addi %mul3A_402, %add3A_408 : vector<16xi32>
      %gather3A_410 = tpu.vector_load_idx %arg21[%iota3A, %add3A_409] : memref<16x64xi32, #tpu.memory_space<vmem>>[vector<16xi32>, vector<16xi32>], vector<16xi32>,
      %add3A_411 = arith.constant 1 : i32
      %add3A_412 = vector.broadcast %add3A_411 : i32 to vector<16xi32>
      %add3A_413 = arith.addi %mul3A_402, %add3A_412 : vector<16xi32>
      %gather3A_414 = tpu.vector_load_idx %arg20[%iota3A, %add3A_413] : memref<16x64xf32, #tpu.memory_space<vmem>>[vector<16xi32>, vector<16xi32>], vector<16xf32>,
      %add3A_415 = arith.constant 1 : i32
      %add3A_416 = vector.broadcast %add3A_415 : i32 to vector<16xi32>
      %add3A_417 = arith.addi %mul3A_402, %add3A_416 : vector<16xi32>
      %gather3A_418 = tpu.vector_load_idx %arg21[%iota3A, %add3A_417] : memref<16x64xi32, #tpu.memory_space<vmem>>[vector<16xi32>, vector<16xi32>], vector<16xi32>,
      %add3A_419 = arith.constant 2 : i32
      %add3A_420 = vector.broadcast %add3A_419 : i32 to vector<16xi32>
      %add3A_421 = arith.addi %mul3A_402, %add3A_420 : vector<16xi32>
      %gather3A_422 = tpu.vector_load_idx %arg20[%iota3A, %add3A_421] : memref<16x64xf32, #tpu.memory_space<vmem>>[vector<16xi32>, vector<16xi32>], vector<16xf32>,
      %add3A_423 = arith.constant 2 : i32
      %add3A_424 = vector.broadcast %add3A_423 : i32 to vector<16xi32>
      %add3A_425 = arith.addi %mul3A_402, %add3A_424 : vector<16xi32>
      %gather3A_426 = tpu.vector_load_idx %arg21[%iota3A, %add3A_425] : memref<16x64xi32, #tpu.memory_space<vmem>>[vector<16xi32>, vector<16xi32>], vector<16xi32>,
      %add3A_427 = arith.constant 3 : i32
      %add3A_428 = vector.broadcast %add3A_427 : i32 to vector<16xi32>
      %add3A_429 = arith.addi %mul3A_402, %add3A_428 : vector<16xi32>
      %gather3A_430 = tpu.vector_load_idx %arg20[%iota3A, %add3A_429] : memref<16x64xf32, #tpu.memory_space<vmem>>[vector<16xi32>, vector<16xi32>], vector<16xf32>,
      %add3A_431 = arith.constant 3 : i32
      %add3A_432 = vector.broadcast %add3A_431 : i32 to vector<16xi32>
      %add3A_433 = arith.addi %mul3A_402, %add3A_432 : vector<16xi32>
      %gather3A_434 = tpu.vector_load_idx %arg21[%iota3A, %add3A_433] : memref<16x64xi32, #tpu.memory_space<vmem>>[vector<16xi32>, vector<16xi32>], vector<16xi32>,
      %gt3A_435 = arith.cmpf ogt, %gather3A_414, %gather3A_406 : vector<16xf32>
      %max3A_436 = arith.maximumf %gather3A_406, %gather3A_414 : vector<16xf32>
      %select_n3A_437 = arith.select %gt3A_435, %gather3A_418, %gather3A_410 : vector<16xi1>, vector<16xi32>
      %gt3A_438 = arith.cmpf ogt, %gather3A_430, %gather3A_422 : vector<16xf32>
      %max3A_439 = arith.maximumf %gather3A_422, %gather3A_430 : vector<16xf32>
      %select_n3A_440 = arith.select %gt3A_438, %gather3A_434, %gather3A_426 : vector<16xi1>, vector<16xi32>
      %gt3A_441 = arith.cmpf ogt, %max3A_439, %max3A_436 : vector<16xf32>
      %max3A_442 = arith.maximumf %max3A_436, %max3A_439 : vector<16xf32>
      %select_n3A_443 = arith.select %gt3A_441, %select_n3A_440, %select_n3A_437 : vector<16xi1>, vector<16xi32>
      tpu.vector_store_idx %arg22[%iota3A, %shift_right_logical3A_399], %max3A_442 : memref<16x16xf32, #tpu.memory_space<vmem>>[vector<16xi32>, vector<16xi32>], vector<16xf32>,
      tpu.vector_store_idx %arg23[%iota3A, %shift_right_logical3A_399], %select_n3A_443 : memref<16x16xi32, #tpu.memory_space<vmem>>[vector<16xi32>, vector<16xi32>], vector<16xi32>,
      %shift_right_logical3A_444 = arith.constant 8 : i32
      %shift_right_logical3A_445 = vector.broadcast %shift_right_logical3A_444 : i32 to vector<16xi32>
      %shift_right_logical3A_446 = arith.shrui %select_n3A_296, %shift_right_logical3A_445 : vector<16xi32>
      %mul3A_447 = arith.constant 4 : i32
      %mul3A_448 = vector.broadcast %mul3A_447 : i32 to vector<16xi32>
      %mul3A_449 = arith.muli %mul3A_448, %shift_right_logical3A_446 : vector<16xi32>
      %add3A_450 = arith.constant 0 : i32
      %add3A_451 = vector.broadcast %add3A_450 : i32 to vector<16xi32>
      %add3A_452 = arith.addi %mul3A_449, %add3A_451 : vector<16xi32>
      %gather3A_453 = tpu.vector_load_idx %arg22[%iota3A, %add3A_452] : memref<16x16xf32, #tpu.memory_space<vmem>>[vector<16xi32>, vector<16xi32>], vector<16xf32>,
      %add3A_454 = arith.constant 0 : i32
      %add3A_455 = vector.broadcast %add3A_454 : i32 to vector<16xi32>
      %add3A_456 = arith.addi %mul3A_449, %add3A_455 : vector<16xi32>
      %gather3A_457 = tpu.vector_load_idx %arg23[%iota3A, %add3A_456] : memref<16x16xi32, #tpu.memory_space<vmem>>[vector<16xi32>, vector<16xi32>], vector<16xi32>,
      %add3A_458 = arith.constant 1 : i32
      %add3A_459 = vector.broadcast %add3A_458 : i32 to vector<16xi32>
      %add3A_460 = arith.addi %mul3A_449, %add3A_459 : vector<16xi32>
      %gather3A_461 = tpu.vector_load_idx %arg22[%iota3A, %add3A_460] : memref<16x16xf32, #tpu.memory_space<vmem>>[vector<16xi32>, vector<16xi32>], vector<16xf32>,
      %add3A_462 = arith.constant 1 : i32
      %add3A_463 = vector.broadcast %add3A_462 : i32 to vector<16xi32>
      %add3A_464 = arith.addi %mul3A_449, %add3A_463 : vector<16xi32>
      %gather3A_465 = tpu.vector_load_idx %arg23[%iota3A, %add3A_464] : memref<16x16xi32, #tpu.memory_space<vmem>>[vector<16xi32>, vector<16xi32>], vector<16xi32>,
      %add3A_466 = arith.constant 2 : i32
      %add3A_467 = vector.broadcast %add3A_466 : i32 to vector<16xi32>
      %add3A_468 = arith.addi %mul3A_449, %add3A_467 : vector<16xi32>
      %gather3A_469 = tpu.vector_load_idx %arg22[%iota3A, %add3A_468] : memref<16x16xf32, #tpu.memory_space<vmem>>[vector<16xi32>, vector<16xi32>], vector<16xf32>,
      %add3A_470 = arith.constant 2 : i32
      %add3A_471 = vector.broadcast %add3A_470 : i32 to vector<16xi32>
      %add3A_472 = arith.addi %mul3A_449, %add3A_471 : vector<16xi32>
      %gather3A_473 = tpu.vector_load_idx %arg23[%iota3A, %add3A_472] : memref<16x16xi32, #tpu.memory_space<vmem>>[vector<16xi32>, vector<16xi32>], vector<16xi32>,
      %add3A_474 = arith.constant 3 : i32
      %add3A_475 = vector.broadcast %add3A_474 : i32 to vector<16xi32>
      %add3A_476 = arith.addi %mul3A_449, %add3A_475 : vector<16xi32>
      %gather3A_477 = tpu.vector_load_idx %arg22[%iota3A, %add3A_476] : memref<16x16xf32, #tpu.memory_space<vmem>>[vector<16xi32>, vector<16xi32>], vector<16xf32>,
      %add3A_478 = arith.constant 3 : i32
      %add3A_479 = vector.broadcast %add3A_478 : i32 to vector<16xi32>
      %add3A_480 = arith.addi %mul3A_449, %add3A_479 : vector<16xi32>
      %gather3A_481 = tpu.vector_load_idx %arg23[%iota3A, %add3A_480] : memref<16x16xi32, #tpu.memory_space<vmem>>[vector<16xi32>, vector<16xi32>], vector<16xi32>,
      %gt3A_482 = arith.cmpf ogt, %gather3A_461, %gather3A_453 : vector<16xf32>
      %max3A_483 = arith.maximumf %gather3A_453, %gather3A_461 : vector<16xf32>
      %select_n3A_484 = arith.select %gt3A_482, %gather3A_465, %gather3A_457 : vector<16xi1>, vector<16xi32>
      %gt3A_485 = arith.cmpf ogt, %gather3A_477, %gather3A_469 : vector<16xf32>
      %max3A_486 = arith.maximumf %gather3A_469, %gather3A_477 : vector<16xf32>
      %select_n3A_487 = arith.select %gt3A_485, %gather3A_481, %gather3A_473 : vector<16xi1>, vector<16xi32>
      %gt3A_488 = arith.cmpf ogt, %max3A_486, %max3A_483 : vector<16xf32>
      %max3A_489 = arith.maximumf %max3A_483, %max3A_486 : vector<16xf32>
      %select_n3A_490 = arith.select %gt3A_488, %select_n3A_487, %select_n3A_484 : vector<16xi1>, vector<16xi32>
      tpu.vector_store_idx %arg24[%iota3A, %shift_right_logical3A_446], %max3A_489 : memref<16x4xf32, #tpu.memory_space<vmem>>[vector<16xi32>, vector<16xi32>], vector<16xf32>,
      tpu.vector_store_idx %arg25[%iota3A, %shift_right_logical3A_446], %select_n3A_490 : memref<16x4xi32, #tpu.memory_space<vmem>>[vector<16xi32>, vector<16xi32>], vector<16xi32>,
      %scan3A_491 = arith.constant 0 : i32
      scf.yield %scan3A_491 : i32
    }
    %scan3A_42 = arith.constant 128 : i32
    "tpu.region"() ({
      %run_scoped3A = tpu.sem_alloc : memref<!tpu.dma_semaphore, #tpu.memory_space<semaphore_mem>>
      %dma_start3A = arith.constant 0 : i32
      %dma_start3A_43 = tpu.memref_slice %arg5[%add3A_4, %dma_start3A] : memref<1024x1024xi32, #tpu.memory_space<hbm>> -> memref<16x1024xi32, #tpu.memory_space<hbm>>
      %dma_start3A_44 = arith.constant 0 : i32
      %dma_start3A_45 = tpu.memref_slice %arg5[%add3A_4, %dma_start3A_44] : memref<1024x1024xi32, #tpu.memory_space<hbm>> -> memref<16x1024xi32, #tpu.memory_space<hbm>>
      tpu.enqueue_dma source(%arg16 : memref<16x1024xi32, #tpu.memory_space<vmem>>) target(%dma_start3A_45 : memref<16x1024xi32, #tpu.memory_space<hbm>>) target_semaphore(%run_scoped3A : memref<!tpu.dma_semaphore, #tpu.memory_space<semaphore_mem>>)
      %dma_wait3A = arith.constant 0 : i32
      %dma_wait3A_46 = tpu.memref_slice %arg5[%add3A_4, %dma_wait3A] : memref<1024x1024xi32, #tpu.memory_space<hbm>> -> memref<16x1024xi32, #tpu.memory_space<hbm>>
      %dma_wait3A_47 = arith.constant 0 : i32
      %dma_wait3A_48 = tpu.memref_slice %arg5[%add3A_4, %dma_wait3A_47] : memref<1024x1024xi32, #tpu.memory_space<hbm>> -> memref<16x1024xi32, #tpu.memory_space<hbm>>
      tpu.wait_dma2 semaphore(%run_scoped3A : memref<!tpu.dma_semaphore, #tpu.memory_space<semaphore_mem>>) src(%arg16 : memref<16x1024xi32, #tpu.memory_space<vmem>>) dst(%dma_wait3A_48 : memref<16x1024xi32, #tpu.memory_space<hbm>>)
      tpu.yield
    }) : () -> ()
    "tpu.region"() ({
      %run_scoped3A = tpu.sem_alloc : memref<!tpu.dma_semaphore, #tpu.memory_space<semaphore_mem>>
      %dma_start3A = arith.constant 0 : i32
      %dma_start3A_43 = tpu.memref_slice %arg5[%add3A_8, %dma_start3A] : memref<1024x1024xi32, #tpu.memory_space<hbm>> -> memref<16x1024xi32, #tpu.memory_space<hbm>>
      %dma_start3A_44 = arith.constant 0 : i32
      %dma_start3A_45 = tpu.memref_slice %arg5[%add3A_8, %dma_start3A_44] : memref<1024x1024xi32, #tpu.memory_space<hbm>> -> memref<16x1024xi32, #tpu.memory_space<hbm>>
      tpu.enqueue_dma source(%arg27 : memref<16x1024xi32, #tpu.memory_space<vmem>>) target(%dma_start3A_45 : memref<16x1024xi32, #tpu.memory_space<hbm>>) target_semaphore(%run_scoped3A : memref<!tpu.dma_semaphore, #tpu.memory_space<semaphore_mem>>)
      %dma_wait3A = arith.constant 0 : i32
      %dma_wait3A_46 = tpu.memref_slice %arg5[%add3A_8, %dma_wait3A] : memref<1024x1024xi32, #tpu.memory_space<hbm>> -> memref<16x1024xi32, #tpu.memory_space<hbm>>
      %dma_wait3A_47 = arith.constant 0 : i32
      %dma_wait3A_48 = tpu.memref_slice %arg5[%add3A_8, %dma_wait3A_47] : memref<1024x1024xi32, #tpu.memory_space<hbm>> -> memref<16x1024xi32, #tpu.memory_space<hbm>>
      tpu.wait_dma2 semaphore(%run_scoped3A : memref<!tpu.dma_semaphore, #tpu.memory_space<semaphore_mem>>) src(%arg27 : memref<16x1024xi32, #tpu.memory_space<vmem>>) dst(%dma_wait3A_48 : memref<16x1024xi32, #tpu.memory_space<hbm>>)
      tpu.yield
    }) : () -> ()
    return
  }
}

module attributes {stable_mosaic.version = 14 : i64} {
  func.func @matmul_body(%arg0: i32, %arg1: memref<128x1024xf32, #tpu.memory_space<vmem>>, %arg2: memref<1024x1024xf32, #tpu.memory_space<vmem>>, %arg3: memref<128x1024xf32, #tpu.memory_space<vmem>>) attributes {dimension_semantics = [#tpu.dimension_semantics<arbitrary>], iteration_bounds = array<i64: 8>, scalar_prefetch = 0 : i64, scratch_operands = 0 : i64, tpu.core_type = #tpu.core_type<tc>, window_params = [{transform_indices = @transform_0, window_bounds = array<i64: 128, 1024>}, {pipeline_mode = #tpu.pipeline_mode<synchronous>, transform_indices = @transform_1, window_bounds = array<i64: 1024, 1024>}, {transform_indices = @transform_2, window_bounds = array<i64: 128, 1024>}]} {
    %get3A = arith.constant 0 : index
    %get3A_0 = arith.constant 0 : index
    %get3A_1 = vector.load %arg1[%get3A, %get3A_0] : memref<128x1024xf32, #tpu.memory_space<vmem>>, vector<128x1024xf32>
    %get3A_2 = arith.constant 0 : index
    %get3A_3 = arith.constant 0 : index
    %get3A_4 = vector.load %arg2[%get3A_2, %get3A_3] : memref<1024x1024xf32, #tpu.memory_space<vmem>>, vector<1024x1024xf32>
    %dot_general3A = arith.constant dense<0.000000e+00> : vector<128x1024xf32>
    %dot_general3A_5 = tpu.matmul %get3A_1, %get3A_4, %dot_general3A {dimension_numbers = #tpu.dot_dimension_numbers<[1], [0], [0], [1], [0, 0, 1, 1], [], []>, transpose_lhs_hint = false} : vector<128x1024xf32>, vector<1024x1024xf32>, vector<128x1024xf32> -> vector<128x1024xf32>
    %swap3A = arith.constant 0 : index
    %swap3A_6 = arith.constant 0 : index
    %swap3A_7 = vector.load %arg3[%swap3A, %swap3A_6] : memref<128x1024xf32, #tpu.memory_space<vmem>>, vector<128x1024xf32>
    tpu.vector_store %arg3[%swap3A, %swap3A_6], %dot_general3A_5 {strides = array<i32>} : memref<128x1024xf32, #tpu.memory_space<vmem>>, vector<128x1024xf32>,
    return
  }
  func.func @transform_0(%arg0: i32) -> (i32, i32) {
    %c0_i32 = arith.constant 0 : i32
    %c0_i32_0 = arith.constant 0 : i32
    return %arg0, %c0_i32 : i32, i32
  }
  func.func @transform_1(%arg0: i32) -> (i32, i32) {
    %c0_i32 = arith.constant 0 : i32
    %c0_i32_0 = arith.constant 0 : i32
    %c0_i32_1 = arith.constant 0 : i32
    return %c0_i32, %c0_i32_0 : i32, i32
  }
  func.func @transform_2(%arg0: i32) -> (i32, i32) {
    %c0_i32 = arith.constant 0 : i32
    %c0_i32_0 = arith.constant 0 : i32
    return %arg0, %c0_i32 : i32, i32
  }
}

</mosaic_0001>

<sc_bundles>
// kernel: kernel.5.cloned.1.call-start
scs
__scs_entry_jumppad:
0x0: {  	(pc) =	sbr.rel $0x88, $3  }
0x1: {  	(tag) =	ssettag $0x0;
	lr =	simm.s32 $0x1  }
0x2: {  	[smem:$0x3F9E] =	sst lr;
	_ =	strace $0xD0000000  }
0x3: {  	_ = 	snop  }
0x4: {  	_ = 	snop  }
0x5: {  	_ = 	snop  }
0x6: {  	_ = 	snop  }
0x7: {  	_ = 	snop  }
__scs_overlays_trampoline_lowered:
0x8: {  	[smem:$0x3FAD] =	sst s0  }
0x9: {  	[smem:$0x3FAE] =	sst s1  }
0xa: {  	[smem:$0x3FAF] =	sst s2  }
0xb: {  	[smem:$0x3FB0] =	sst s3  }
0xc: {  	[smem:$0x3FB1] =	sst s4  }
0xd: {  	[smem:$0x3FB2] =	sst s5  }
0xe: {  	[smem:$0x3FB3] =	sst s6  }
0xf: {  	[smem:$0x3FB4] =	sst s7  }
0x10: {  	[smem:$0x3FB5] =	sst s8  }
0x11: {  	[smem:$0x3FB6] =	sst s9;
	s0 =	simm.s32 @!p0 $0x0  }
0x12: {  	s1 =	sld [smem:$0x3F9C];
	s0 =	simm.s32 @p0 $0x1  }
0x13: {  	[smem:$0x3FB7] =	sst s0;
	s0 =	simm.s32 @!p1 $0x0  }
0x14: {  	s2 =	sld [smem:$0x3F9B];
	s0 =	simm.s32 @p1 $0x1  }
0x15: {  	[smem:$0x3FB8] =	sst s0;
	s0 =	simm.s32 @!p2 $0x0  }
0x16: {  	s3 =	sld [smem:$0x3FDB];
	s0 =	simm.s32 @p2 $0x1  }
0x17: {  	s4 =	simm.s32 $0x1BF5;
	[smem:$0x3FBA] =	sst s0  }
0x18: {  	s0 =	sld [smem:$0x3F9D];
	_ =	swait.ge [sflag:s4], $0x0  }
0x19: {  	s7 =	sld [smem:$0x3F9E]  }
0x1a: {  	s8 =	sadd.s32 $0xFFFFE003, lr  }
0x1b: {  	s9 =	sadd.s32 $0xFFFFFEF7, lr;
	s5 =	simm.s32 $0xFFFFFFFF;
	p2 =	slt.u32 s8, $0xFFFFF086  }
0x1c: {  	p1 =	slt.u32 s9, $0xF7A;
	s5 =	simm.s32 @!p2 $0x0  }
0x1d: {  	s5 =	simm.s32 @p1 $0x1;
	p0 =	seq.s32 s7, s2  }
0x1e: {  	s7 =	smul.u32 @!p0 $0xF7A, s2;
	p2 =	seq.s32 @!p0 s5, $0x0  }
0x1f: {  	s9 =	smul.u32 $0xF7A, s1;
	s8 =	simm.s32 @!p0 $0x1BF5;
	p2 =	por !p2, p0  }
0x20: {  	[sflag:s8] =	ssyncset.s32 @!p0 $0xFFFFF086;
	s6 =	sadd.s32 @!p0 s3, s7;
	s7 =	simm.s32 @!p0 $0x108  }
0x21: {  	s3 =	sadd.s32 s3, s9;
	s6 =	sadd.s32 @!p0 $0x88, s6;
	s7 =	simm.s32 @p2 $0x1082  }
0x22: {  	[simem:s7], [sflag:s8] =	dma.local @!p0 [hbm:s6], $0xF7A  }
0x23: {  	s9 =	sor.u32 $0xD0000000, s2;
	s6 =	simm.s32 $0x108;
	_ =	swait.ge @!p0 [sflag:s8], $0x0  }
0x24: {  	s3 =	sadd.s32 $0x88, s3;
	s6 =	simm.s32 @!p1 $0x1082;
	[sflag:s4] =	ssyncset.s32 $0xFFFFF086  }
0x25: {  	[simem:s6], [sflag:s4] =	dma.local [hbm:s3], $0xF7A  }
0x26: {  	[smem:$0x3F9E] =	sst s1;
	(tag) =	ssettag s2;
	_ =	strace s9  }
0x27: {  	s1 =	sld [smem:$0x3FAE]  }
0x28: {  	s2 =	sld [smem:$0x3FAF]  }
0x29: {  	s4 =	sld [smem:$0x3FB1]  }
0x2a: {  	p0 =	seq.s32 s5, $0x0;
	s5 =	sld [smem:$0x3FB2]  }
0x2b: {  	s6 =	sld [smem:$0x3FB3]  }
0x2c: {  	s7 =	sld [smem:$0x3FB4]  }
0x2d: {  	s3 =	simm.s32 $0x108;
	s8 =	sld [smem:$0x3FB5]  }
0x2e: {  	s3 =	simm.s32 @!p0 $0x1082;
	s9 =	sld [smem:$0x3FB6]  }
0x2f: {  	lr =	sadd.s32 s0, s3;
	s0 =	sld [smem:$0x3FAD]  }
0x30: {  	s3 =	sld [smem:$0x3FB0]  }
0x31: {  	[smem:$0x3FB9] =	sst s10  }
0x32: {  	s10 =	sld [smem:$0x3FB7];
	_ =	sdelay $0x3  }
0x33: {  	p0 =	seq.s32 s10, $0x1;
	s10 =	sld [smem:$0x3FB9];
	_ =	sdelay $0x3  }
0x34: {  	[smem:$0x3FB9] =	sst s10  }
0x35: {  	s10 =	sld [smem:$0x3FB8];
	_ =	sdelay $0x3  }
0x36: {  	p1 =	seq.s32 s10, $0x1;
	s10 =	sld [smem:$0x3FB9];
	_ =	sdelay $0x3  }
0x37: {  	[smem:$0x3FB9] =	sst s10  }
0x38: {  	s10 =	sld [smem:$0x3FBA]  }
0x39: {  	_ = 	snop;
	(pc) =	sbr.ind lr, $3  }
0x3a: {  	_ = 	snop  }
0x3b: {  	_ = 	snop  }
0x3c: {  	p2 =	seq.s32 s10, $0x1;
	s10 =	sld [smem:$0x3FB9]  }
0x3d: {  	_ =	shalt  }
0x3e: {  	_ =	shalt  }
0x3f: {  	_ =	shalt  }
0x40: {  	_ =	shalt  }
0x41: {  	_ =	shalt  }
0x42: {  	_ =	shalt  }
0x43: {  	_ =	shalt  }
0x44: {  	_ =	shalt  }
0x45: {  	_ =	shalt  }
0x46: {  	_ =	shalt  }
0x47: {  	_ =	shalt  }
0x48: {  	_ =	shalt  }
0x49: {  	_ =	shalt  }
0x4a: {  	_ =	shalt  }
0x4b: {  	_ =	shalt  }
0x4c: {  	_ =	shalt  }
0x4d: {  	_ =	shalt  }
0x4e: {  	_ =	shalt  }
0x4f: {  	_ =	shalt  }
0x50: {  	_ =	shalt  }
0x51: {  	_ =	shalt  }
0x52: {  	_ =	shalt  }
0x53: {  	_ =	shalt  }
0x54: {  	_ =	shalt  }
0x55: {  	_ =	shalt  }
0x56: {  	_ =	shalt  }
0x57: {  	_ =	shalt  }
0x58: {  	_ =	shalt  }
0x59: {  	_ =	shalt  }
0x5a: {  	_ =	shalt  }
0x5b: {  	_ =	shalt  }
0x5c: {  	_ =	shalt  }
0x5d: {  	_ =	shalt  }
0x5e: {  	_ =	shalt  }
0x5f: {  	_ =	shalt  }
0x60: {  	_ =	shalt  }
0x61: {  	_ =	shalt  }
0x62: {  	_ =	shalt  }
0x63: {  	_ =	shalt  }
0x64: {  	_ =	shalt  }
0x65: {  	_ =	shalt  }
0x66: {  	_ =	shalt  }
0x67: {  	_ =	shalt  }
0x68: {  	_ =	shalt  }
0x69: {  	_ =	shalt  }
0x6a: {  	_ =	shalt  }
0x6b: {  	_ =	shalt  }
0x6c: {  	_ =	shalt  }
0x6d: {  	_ =	shalt  }
0x6e: {  	_ =	shalt  }
0x6f: {  	_ =	shalt  }
0x70: {  	_ =	shalt  }
0x71: {  	_ =	shalt  }
0x72: {  	_ =	shalt  }
0x73: {  	_ =	shalt  }
0x74: {  	_ =	shalt  }
0x75: {  	_ =	shalt  }
0x76: {  	_ =	shalt  }
0x77: {  	_ =	shalt  }
0x78: {  	_ =	shalt  }
0x79: {  	_ =	shalt  }
0x7a: {  	_ =	shalt  }
0x7b: {  	_ =	shalt  }
0x7c: {  	_ =	shalt  }
0x7d: {  	_ =	shalt  }
0x7e: {  	_ =	shalt  }
0x7f: {  	_ =	shalt  }
0x80: {  	_ =	shalt  }
0x81: {  	_ =	shalt  }
0x82: {  	_ =	shalt  }
0x83: {  	_ =	shalt  }
0x84: {  	_ =	shalt  }
0x85: {  	_ =	shalt  }
0x86: {  	_ =	shalt  }
0x87: {  	_ =	shalt  }
.Lfunc_end0:
.L_simem_size_0:
called_computation_lowered:
.L_overlay_start_0:
0x88: {  	s2 =	sld [smem:$0x3FD9]  }
0x89: {  	s3 =	sld [smem:$0x3FFE];
	_ =	sdelay $0x1  }
0x8a: {  	s1 =	srdreg.scid  }
0x8b: {  	s0 =	sand.u32 $0x1, s1  }
0x8c: {  	s17 =	sshll.u32 s0, $0xA;
	s2 =	sadd.s32 s3, s2  }
0x8d: {  	s2 =	sadd.s32 s2, s17  }
0x8e: {  	[smem:$0x3FC5] =	sst s2  }
0x8f: {  	_ = 	snop  }
0x90: {  	s2 =	sld [smem:$0x3FD0];
	(tm) =	ssettm $0x1  }
0x91: {  	s18 =	sld [smem:$0x3FFB];
	_ =	sdelay $0x3  }
0x92: {  	_ =	strace s18  }
0x93: {  	s3 =	sld [smem:$0x3FFC];
	_ =	sdelay $0x3  }
0x94: {  	_ =	strace s3  }
0x95: {  	s3 =	sld [smem:$0x3FFD];
	_ =	sdelay $0x3  }
0x96: {  	_ =	strace s3  }
0x97: {  	_ =	strace $0x8FFFFFFF  }
0x98: {  	s19 =	sld [smem:$0x3FDB];
	_ =	sdelay $0x1  }
0x99: {  	s4 =	simm.s32 $_scs_section_size  }
0x9a: {  	s5 =	simm.s32 $_size__tile_overlayer_lowered;
	s6 =	simm.s32 $_tile_overlayer_lowered  }
0x9b: {  	s22 =	simm.s32 $0x1BFF;
	s21 =	sshll.u32 s6, $0x1;
	s3 =	sadd.s32 s4, s19  }
0x9c: {  	s7 =	simm.s32 $0x0;
	s20 =	sshll.u32 s5, $0x1;
	s5 =	sadd.s32 s21, s3  }
0x9d: {  	[timem:s7], [sflag:s22] =	dma.local [hbm:s5], s20  }
0x9e: {  	_ =	swait.ge [sflag:s22], s20  }
0x9f: {  	s4 =	ssub.s32 $0x0, s20;
	[sflag:s22] =	ssyncset.done $0x0  }
0xa0: {  	[sflag:s22] =	ssyncadd.s32 s4;
	_ =	sdelay $0x1  }
0xa1: {  	s23 =	simm.s32 $0x1B8B  }
0xa2: {  	_ =	swait.ge [sflag:s23], $0x1  }
0xa3: {  	[sflag:s23] =	ssyncset.done $0x0  }
0xa4: {  	s25 =	simm.s32 $0x1B8E;
	s24 =	sld [smem:$0x3FFE];
	[sflag:s23] =	ssyncadd.s32 $0xFFFFFFFF  }
0xa5: {  	s26 =	simm.s32 $execute0_lowered;
	[smem:$0x3FD2] =	sst s25  }
0xa6: {  	s5 =	sshll.u32 s26, $0x1;
	_ =	strace $0x80000046;
	[dreg:$0x1] =	wrdreg $0xFFFFFFFF  }
0xa7: {  	s28 =	simm.s32 $_size_execute0_lowered;
	s3 =	sadd.s32 s3, s5;
	[dreg:$0x0] =	wrdreg $0x0  }
0xa8: {  	s5 =	sshll.u32 s28, $0x1;
	[dreg:$0x2] =	wrdreg s3  }
0xa9: {  	[dreg:$0x3] =	wrdreg s5  }
0xaa: {  	[dreg:$0x4] =	wrdreg $0xC0  }
0xab: {  	_ =	task [dreg:s7], $0x5FFFF  }
0xac: {  	[dreg:$0x1] =	wrdreg $0xFFFFFFFF  }
0xad: {  	[dreg:$0x0] =	wrdreg $0x60  }
0xae: {  	[dreg:$0x2] =	wrdreg s24  }
0xaf: {  	[dreg:$0x3] =	wrdreg s2  }
0xb0: {  	[dreg:$0x4] =	wrdreg $0x9  }
0xb1: {  	_ =	task.clear_ibuf [dreg:s7], $0x5FFFF;
	_ =	strace $0x90000046  }
0xb2: {  	s29 =	simm.s32 $0x9;
	_ =	strace $0x80000048  }
0xb3: {  	_ =	swait.ge [sflag:s29], $0x1  }
0xb4: {  	[sflag:s29] =	ssyncadd.s32 $0xFFFFFFFF  }
0xb5: {  	_ =	strace $0x90000048  }
0xb6: {  	_ =	sfence  }
0xb7: {  	s30 =	sld [smem:$0x0];
	_ =	sdelay $0x2  }
0xb8: {  	s31 =	sshll.u32 s1, $0xD;
	s1 =	sshrl.u32 s1, $0x2  }
0xb9: {  	s3 =	sand.u32 $0x4000, s31;
	s1 =	sadd.s32 s1, s30  }
0xba: {  	s0 =	sor.u32 s3, s0;
	s1 =	sshll.u32 s1, $0x11  }
0xbb: {  	s0 =	sor.u32 s1, s0  }
0xbc: {  	s0 =	sadd.s32 $0x8F2B, s0  }
0xbd: {  	[sflag:s0] =	ssyncadd.remote.s32 $0x1  }
0xbe: {  	_ =	sfence.sel $0xFFFF  }
0xbf: {  	[dreg:$0x0] =	wrdreg $0xFFFFFFFF;
	(pc) =	sbr.abs _section_cstart, $3  }
0xc0: {  	[dreg:$0x1] =	wrdreg $0xFFFFFFFF  }
0xc1: {  	_ =	task.clear_ibuf [dreg:s7], $0x2FFFF;
	_ =	strace $0x9FFFFFFF  }
0xc2: {  	(tm) =	ssettm $0x7FFFFFFF  }
0xc3: {  	_ =	shalt  }
tec
execute0_lowered:
.L_overlay_start_1:
0x0: {  	(tag) =	ssettag $0x1  }
0x1: {  	s0 =	rddreg [dreg:$0x0];
	s2 =	simm.s32 $0x0;
	s3 =	srdreg.scid  }
0x2: {  	s23 =	stileid.u32;
	s10 =	simm.s32 $0x1;
	s11 =	simm.s32 $0x7300  }
0x3: {  	s12 =	simm.s32 $0x6B00;
	s13 =	simm.s32 $0xB300;
	s14 =	simm.s32 $0x12600  }
0x4: {  	s15 =	simm.s32 $0x11E00;
	s16 =	simm.s32 $0x4000;
	s17 =	simm.s32 $0x5000  }
0x5: {  	s18 =	simm.s32 $0xF300;
	s19 =	simm.s32 $0x10300;
	s20 =	simm.s32 $0x6000  }
0x6: {  	s21 =	simm.s32 $0x6400;
	s22 =	simm.s32 $0x11300;
	s28 =	simm.s32 $0x11C00  }
0x7: {  	s29 =	simm.s32 $0x6A00;
	s30 =	simm.s32 $0x6A80;
	s31 =	simm.s32 $0x11D00  }
0x8: {  	[smem:$0x7FF] =	sst s2;
	s1 =	sadd.s32 $0x1000, s0;
	s4 =	sadd.s32 $0x21000, s0  }
0x9: {  	s3 =	sand.u32 $0x1, s3;
	s6 =	sshll.u32 s23, $0xD;
	s0 =	sadd.s32 $0x21200, s0  }
0xa: {  	s23 =	simm.s32 $0x11700;
	s5 =	ssub.s32 $0x2, s3;
	s3 =	sshll.u32 s3, $0xC  }
0xb: {  	_ =	strace $0x80000047;
	s7 =	sshrl.u32 s5, $0x1;
	s3 =	sor.u32 s3, s6  }
0xc: {  	[dreg:$0x3] =	wrdreg s4;
	s5 =	ssub.s32 s5, s7;
	s24 =	sadd.s32 s1, s3  }
0xd: {  	s6 =	sor.u32 $0x800, s3;
	s25 =	sadd.s32 s0, s3;
	[dreg:$0x4] =	wrdreg s24  }
0xe: {  	s3 =	simm.s32 $0x0;
	s1 =	sadd.s32 s1, s6;
	[dreg:$0x6] =	wrdreg s25  }
0xf: {  	v0 =	vlaneseq.u32;
	s0 =	sadd.s32 s0, s6;
	s26 =	smax.u32 s5, $0x1;
	[dreg:$0x5] =	wrdreg s1  }
0x10: {  	v6 =	vimm.f32 $-3.000000010e+38;
	v1 =	vmul.u32 $0x400, v0;
	v5 =	vmul.u32 $0x8, v0;
	s24 =	simm.s32 $0x6800;
	s25 =	simm.s32 $0x6900;
	[dreg:$0x7] =	wrdreg s0  }
0x11: {  	v2 =	vmul.u32 $0x100, v0;
	v3 =	vmul.u32 $0x40, v0;
	v4 =	vmul.u32 $0x10, v0;
	[dreg:$0x8] =	wrdreg s26;
	s26 =	simm.s32 $0x11B00;
	s0 =	simm.s32 $0x11D80  }
.LBB2_1:
0x12: {  	[dreg:$0x9] =	wrdreg s3  }
0x13: {  	s1 =	rddreg [dreg:$0x4]  }
0x14: {  	[tilespmem:s2], [sflag:$0x1] =	stream.linear.gather [hbm4b:s1+s2], $0x4000, $0x38;
	[tilespmem:$0x16600] =	vst v63  }
0x15: {  	_ =	swait.ge [sflag:s10], $0x4000  }
0x16: {  	[sflag:s10] =	ssyncset.done $0x0  }
0x17: {  	[sflag:s10] =	ssyncadd.s32 $0xFFFFC000  }
0x18: {  	s8 =	rddreg [dreg:$0x1]  }
0x19: {  	[tilespmem:s11], [sflag:$0x1] =	stream.linear.gather [hbm4b:s8+s2], $0x4000, $0x38;
	[tilespmem:$0x16600] =	vst v63  }
0x1a: {  	_ =	swait.ge [sflag:s10], $0x4000  }
0x1b: {  	[sflag:s10] =	ssyncset.done $0x0  }
0x1c: {  	s9 =	rddreg [dreg:$0x3];
	[sflag:s10] =	ssyncadd.s32 $0xFFFFC000  }
0x1d: {  	[tilespmem:s12], [sflag:$0x1] =	stream.linear.gather [hbm4b:s9+s2], $0x800, $0x38;
	[tilespmem:$0x16600] =	vst v63  }
0x1e: {  	_ =	swait.ge [sflag:s10], $0x800  }
0x1f: {  	[sflag:s10] =	ssyncset.done $0x0  }
0x20: {  	s4 =	rddreg [dreg:$0x5];
	[sflag:s10] =	ssyncadd.s32 $0xFFFFF800  }
0x21: {  	[tilespmem:s13], [sflag:$0x1] =	stream.linear.gather [hbm4b:s4+s2], $0x4000, $0x38;
	[tilespmem:$0x16600] =	vst v63  }
0x22: {  	_ =	swait.ge [sflag:s10], $0x4000  }
0x23: {  	[sflag:s10] =	ssyncset.done $0x0  }
0x24: {  	[sflag:s10] =	ssyncadd.s32 $0xFFFFC000  }
0x25: {  	[tilespmem:s14], [sflag:$0x1] =	stream.linear.gather [hbm4b:s8+s2], $0x4000, $0x38;
	[tilespmem:$0x16600] =	vst v63  }
0x26: {  	_ =	swait.ge [sflag:s10], $0x4000  }
0x27: {  	s5 =	simm.s32 $0x1;
	[sflag:s10] =	ssyncset.done $0x0  }
0x28: {  	v7 =	vor.u32 s5, v1;
	s1 =	simm.s32 $0x3;
	[sflag:s10] =	ssyncadd.s32 $0xFFFFC000  }
0x29: {  	v11 =	vor.u32 s2, v1;
	[tilespmem:s15], [sflag:$0x1] =	stream.linear.gather [hbm4b:s9+s2], $0x800, $0x38;
	[tilespmem:$0x16600] =	vst v63  }
0x2a: {  	s6 =	simm.s32 $0x2;
	v12 =	vor.u32 s1, v1;
	_ =	swait.ge [sflag:s10], $0x800  }
0x2b: {  	v15 =	vor.u32 s6, v1;
	[sflag:s10] =	ssyncset.done $0x0  }
0x2c: {  	[sflag:s10] =	ssyncadd.s32 $0xFFFFF800  }
0x2d: {  	v13 =	vld.idx.msk [tilespmem:v7+s2+$0x0], $0xffff  }
0x2e: {  	v8 =	vmov s2;
	v14 =	vld.idx.msk [tilespmem:v11+s2+$0x0], $0xffff  }
0x2f: {  	v8 =	vand.u32 $0xFF, v8;
	v16 =	vld.idx.msk [tilespmem:v12+s2+$0x0], $0xffff  }
0x30: {  	v8 =	vbroadcast v8, $0x0;
	v17 =	vld.idx.msk [tilespmem:v15+s2+$0x0], $0xffff;
	_ =	sdelay $0x1  }
0x31: {  	v9 =	vor.u32 v2, v8  }
0x32: {  	v10 =	vmov s6  }
0x33: {  	v8 =	vmov s2;
	vm0 =	vgt.f32 v13, v14;
	v13 =	vmax.f32 v14, v13  }
0x34: {  	vm14 =	vgt.f32 v16, v17;
	v14 =	vmax.f32 v17, v16;
	v18 =	vsel vm0, s5, v8  }
0x35: {  	v63 =	vsel vm14, s1, v10;
	vm15 =	vgt.f32 v14, v13;
	v13 =	vmax.f32 v13, v14  }
0x36: {  	v14 =	vsel vm15, v63, v18;
	[tilespmem:v9+s16+$0x0] =	vst.idx.msk $0xffff, v13  }
0x37: {  	[tilespmem:v9+s17+$0x0] =	vst.idx.msk $0xffff, v14  }
0x38: {  	v13 =	vld.idx.msk [tilespmem:v11+s13+$0x0], $0xffff  }
0x39: {  	v14 =	vld.idx.msk [tilespmem:v7+s13+$0x0], $0xffff  }
0x3a: {  	v11 =	vld.idx.msk [tilespmem:v15+s13+$0x0], $0xffff  }
0x3b: {  	s7 =	simm.s32 $0x1;
	s8 =	simm.s32 $0x0;
	v12 =	vld.idx.msk [tilespmem:v12+s13+$0x0], $0xffff  }
.LBB2_2:
0x3c: {  	p0 =	sne.s32 s7, $0xFF  }
0x3d: {  	s8 =	sadd.s32 $0x4, s8;
	s9 =	smov.u32 s7;
	s7 =	sadd.s32 $0x1, s7  }
0x3e: {  	s6 =	sadd.s32 $0x1, s8;
	s4 =	sadd.s32 $0x2, s8;
	s3 =	sadd.s32 $0x3, s8  }
0x3f: {  	v7 =	vor.u32 s8, v1;
	v15 =	vor.u32 s6, v1;
	v16 =	vor.u32 s4, v1  }
0x40: {  	v17 =	vor.u32 s3, v1;
	vm0 =	vgt.f32 v14, v13;
	v13 =	vmax.f32 v13, v14  }
0x41: {  	v8 =	vsel vm0, s5, v8;
	s5 =	smov.u32 s6;
	vm0 =	vgt.f32 v12, v11;
	v11 =	vmax.f32 v11, v12  }
0x42: {  	v10 =	vsel vm0, s1, v10;
	vm0 =	vgt.f32 v11, v13;
	v11 =	vmax.f32 v13, v11;
	s1 =	smov.u32 s3  }
0x43: {  	v8 =	vsel vm0, v10, v8;
	[tilespmem:v9+s18+$0x0] =	vst.idx.msk $0xffff, v11  }
0x44: {  	s6 =	simm.s32 $0x0;
	[tilespmem:v9+s19+$0x0] =	vst.idx.msk $0xffff, v8  }
0x45: {  	v11 =	vld.idx.msk [tilespmem:v15+s6+$0x0], $0xffff  }
0x46: {  	v12 =	vld.idx.msk [tilespmem:v7+s6+$0x0], $0xffff  }
0x47: {  	v8 =	vmov s9;
	v13 =	vld.idx.msk [tilespmem:v17+s6+$0x0], $0xffff  }
0x48: {  	v8 =	vand.u32 $0xFF, v8;
	v14 =	vld.idx.msk [tilespmem:v16+s6+$0x0], $0xffff  }
0x49: {  	v8 =	vbroadcast v8, $0x0;
	_ =	sdelay $0x1  }
0x4a: {  	v9 =	vor.u32 v2, v8  }
0x4b: {  	v8 =	vmov s8;
	vm0 =	vgt.f32 v11, v12  }
0x4c: {  	v10 =	vmov s4;
	v18 =	vsel vm0, s5, v8  }
0x4d: {  	v11 =	vmax.f32 v12, v11;
	vm0 =	vgt.f32 v13, v14;
	v12 =	vmax.f32 v14, v13  }
0x4e: {  	v13 =	vsel vm0, s1, v10;
	vm0 =	vgt.f32 v12, v11;
	v11 =	vmax.f32 v11, v12  }
0x4f: {  	v12 =	vsel vm0, v13, v18;
	[tilespmem:v9+s16+$0x0] =	vst.idx.msk $0xffff, v11  }
.Ltmp0:
0x50: {  	[tilespmem:v9+s17+$0x0] =	vst.idx.msk $0xffff, v12;
	(pc) =	sbr.rel @p0 .LBB2_2-.Ltmp0, $4  }
0x51: {  	v13 =	vld.idx.msk [tilespmem:v7+s13+$0x0], $0xffff  }
0x52: {  	v14 =	vld.idx.msk [tilespmem:v15+s13+$0x0], $0xffff  }
0x53: {  	v11 =	vld.idx.msk [tilespmem:v16+s13+$0x0], $0xffff  }
0x54: {  	v12 =	vld.idx.msk [tilespmem:v17+s13+$0x0], $0xffff  }
0x55: {  	_ = 	snop  }
0x56: {  	s3 =	simm.s32 $0x3  }
0x57: {  	v7 =	vmov s3;
	vm0 =	vgt.f32 v14, v13  }
0x58: {  	v13 =	vmax.f32 v13, v14;
	v14 =	vsel vm0, s5, v8;
	v8 =	vand.u32 $0xFF, v7;
	s5 =	simm.s32 $0x1  }
0x59: {  	vm11 =	vgt.f32 v12, v11;
	v15 =	vbroadcast v8, $0x0;
	v16 =	vmov s5  }
0x5a: {  	v12 =	vmax.f32 v11, v12;
	v8 =	vmov s6;
	v11 =	vand.u32 $0xFD, v16  }
0x5b: {  	v16 =	vand.u32 $0xFC, v8;
	v17 =	vbroadcast v11, $0x0;
	v11 =	vor.u32 v2, v15  }
0x5c: {  	s9 =	simm.s32 $0x2;
	vm12 =	vgt.f32 v12, v13;
	v13 =	vmax.f32 v13, v12;
	v16 =	vbroadcast v16, $0x0  }
0x5d: {  	v15 =	vsel vm11, s1, v10;
	v10 =	vmov s9;
	v12 =	vor.u32 v2, v17  }
0x5e: {  	[tilespmem:v9+s18+$0x0] =	vst.idx.msk $0xffff, v13;
	v14 =	vsel vm12, v15, v14;
	v15 =	vand.u32 $0xFE, v10;
	v13 =	vor.u32 v2, v16  }
0x5f: {  	[tilespmem:v9+s19+$0x0] =	vst.idx.msk $0xffff, v14;
	v9 =	vbroadcast v15, $0x0  }
0x60: {  	v16 =	vld.idx.msk [tilespmem:v11+s17+$0x0], $0xffff  }
0x61: {  	v15 =	vor.u32 v2, v9;
	v17 =	vld.idx.msk [tilespmem:v11+s16+$0x0], $0xffff  }
0x62: {  	v18 =	vld.idx.msk [tilespmem:v12+s17+$0x0], $0xffff  }
0x63: {  	v19 =	vld.idx.msk [tilespmem:v13+s17+$0x0], $0xffff  }
0x64: {  	v9 =	vmov s6;
	v20 =	vld.idx.msk [tilespmem:v13+s16+$0x0], $0xffff  }
0x65: {  	v14 =	vand.u32 $0x3F, v9;
	v21 =	vld.idx.msk [tilespmem:v12+s16+$0x0], $0xffff  }
0x66: {  	v14 =	vbroadcast v14, $0x0;
	v22 =	vld.idx.msk [tilespmem:v15+s16+$0x0], $0xffff  }
0x67: {  	v23 =	vld.idx.msk [tilespmem:v15+s17+$0x0], $0xffff  }
0x68: {  	v14 =	vor.u32 v3, v14;
	_ =	sdelay $0x1  }
0x69: {  	vm13 =	vgt.f32 v21, v20;
	v20 =	vmax.f32 v20, v21  }
0x6a: {  	v18 =	vsel vm13, v18, v19;
	vm14 =	vgt.f32 v17, v22;
	v17 =	vmax.f32 v22, v17  }
0x6b: {  	v16 =	vsel vm14, v16, v23;
	vm15 =	vgt.f32 v17, v20;
	v17 =	vmax.f32 v20, v17  }
0x6c: {  	v16 =	vsel vm15, v16, v18;
	[tilespmem:v14+s20+$0x0] =	vst.idx.msk $0xffff, v17  }
0x6d: {  	s1 =	simm.s32 $0x1;
	s6 =	simm.s32 $0x4;
	[tilespmem:v14+s21+$0x0] =	vst.idx.msk $0xffff, v16  }
.LBB2_4:
0x6e: {  	s3 =	sadd.s32 $0x3, s6  }
0x6f: {  	p0 =	sne.s32 s1, $0x3F;
	v16 =	vld.idx.msk [tilespmem:v15+s19+$0x0], $0xffff;
	s7 =	smov.u32 s1;
	s1 =	sadd.s32 $0x1, s1  }
0x70: {  	v17 =	vmov s3;
	v18 =	vld.idx.msk [tilespmem:v12+s19+$0x0], $0xffff  }
0x71: {  	v19 =	vmov s6;
	v17 =	vand.u32 $0xFF, v17;
	v20 =	vld.idx.msk [tilespmem:v11+s19+$0x0], $0xffff  }
0x72: {  	s4 =	sadd.s32 $0x2, s6;
	v19 =	vand.u32 $0xFC, v19;
	s3 =	sadd.s32 $0x1, s6;
	v17 =	vbroadcast v17, $0x0;
	v21 =	vld.idx.msk [tilespmem:v11+s18+$0x0], $0xffff  }
0x73: {  	v22 =	vmov s4;
	v11 =	vmov s3;
	v23 =	vld.idx.msk [tilespmem:v15+s18+$0x0], $0xffff  }
0x74: {  	v11 =	vand.u32 $0xFD, v11;
	v15 =	vand.u32 $0xFE, v22;
	v22 =	vld.idx.msk [tilespmem:v12+s18+$0x0], $0xffff  }
0x75: {  	v12 =	vbroadcast v11, $0x0;
	v11 =	vor.u32 v2, v17;
	v17 =	vld.idx.msk [tilespmem:v13+s18+$0x0], $0xffff  }
0x76: {  	v15 =	vbroadcast v15, $0x0;
	v24 =	vld.idx.msk [tilespmem:v13+s19+$0x0], $0xffff  }
0x77: {  	v12 =	vor.u32 v2, v12  }
0x78: {  	v13 =	vbroadcast v19, $0x0  }
0x79: {  	vm0 =	vgt.f32 v21, v23  }
0x7a: {  	v15 =	vor.u32 v2, v15;
	v13 =	vor.u32 v2, v13;
	v16 =	vsel vm0, v20, v16  }
0x7b: {  	v19 =	vmax.f32 v23, v21;
	vm0 =	vgt.f32 v22, v17;
	v17 =	vmax.f32 v17, v22  }
0x7c: {  	v18 =	vsel vm0, v18, v24;
	vm0 =	vgt.f32 v19, v17;
	v17 =	vmax.f32 v17, v19  }
0x7d: {  	v16 =	vsel vm0, v16, v18;
	[tilespmem:v14+s22+$0x0] =	vst.idx.msk $0xffff, v17  }
0x7e: {  	[tilespmem:v14+s23+$0x0] =	vst.idx.msk $0xffff, v16  }
0x7f: {  	v16 =	vld.idx.msk [tilespmem:v11+s17+$0x0], $0xffff  }
0x80: {  	v17 =	vld.idx.msk [tilespmem:v11+s16+$0x0], $0xffff  }
0x81: {  	v18 =	vld.idx.msk [tilespmem:v12+s17+$0x0], $0xffff  }
0x82: {  	v19 =	vld.idx.msk [tilespmem:v13+s17+$0x0], $0xffff  }
0x83: {  	v20 =	vld.idx.msk [tilespmem:v13+s16+$0x0], $0xffff  }
0x84: {  	v14 =	vmov s7;
	v21 =	vld.idx.msk [tilespmem:v12+s16+$0x0], $0xffff  }
0x85: {  	v14 =	vand.u32 $0x3F, v14;
	v22 =	vld.idx.msk [tilespmem:v15+s16+$0x0], $0xffff  }
0x86: {  	v14 =	vbroadcast v14, $0x0;
	v23 =	vld.idx.msk [tilespmem:v15+s17+$0x0], $0xffff;
	_ =	sdelay $0x1  }
0x87: {  	v14 =	vor.u32 v3, v14;
	_ =	sdelay $0x1  }
.Ltmp1:
0x88: {  	vm0 =	vgt.f32 v21, v20;
	v20 =	vmax.f32 v20, v21;
	(pc) =	sbr.rel @p0 .LBB2_4-.Ltmp1, $4  }
0x89: {  	v18 =	vsel vm0, v18, v19;
	vm0 =	vgt.f32 v17, v22;
	v17 =	vmax.f32 v22, v17  }
0x8a: {  	v16 =	vsel vm0, v16, v23;
	vm0 =	vgt.f32 v17, v20;
	v17 =	vmax.f32 v20, v17  }
0x8b: {  	v16 =	vsel vm0, v16, v18;
	[tilespmem:v14+s20+$0x0] =	vst.idx.msk $0xffff, v17  }
0x8c: {  	s6 =	sadd.s32 $0x4, s6;
	[tilespmem:v14+s21+$0x0] =	vst.idx.msk $0xffff, v16  }
0x8d: {  	_ =	sdelay $0x3  }
0x8e: {  	v16 =	vld.idx.msk [tilespmem:v15+s19+$0x0], $0xffff  }
0x8f: {  	v17 =	vld.idx.msk [tilespmem:v11+s19+$0x0], $0xffff  }
0x90: {  	v11 =	vld.idx.msk [tilespmem:v11+s18+$0x0], $0xffff  }
0x91: {  	v15 =	vld.idx.msk [tilespmem:v15+s18+$0x0], $0xffff  }
0x92: {  	v18 =	vld.idx.msk [tilespmem:v12+s18+$0x0], $0xffff  }
0x93: {  	v19 =	vld.idx.msk [tilespmem:v13+s18+$0x0], $0xffff  }
0x94: {  	v12 =	vld.idx.msk [tilespmem:v12+s19+$0x0], $0xffff;
	v7 =	vand.u32 $0x3F, v7  }
0x95: {  	v13 =	vld.idx.msk [tilespmem:v13+s19+$0x0], $0xffff;
	v7 =	vbroadcast v7, $0x0  }
0x96: {  	s1 =	simm.s32 $0x1;
	v8 =	vand.u32 $0x3C, v8  }
0x97: {  	v59 =	vmov s1;
	v7 =	vor.u32 v3, v7;
	vm0 =	vgt.f32 v11, v15  }
0x98: {  	vm12 =	vgt.f32 v18, v19;
	v16 =	vsel vm0, v17, v16;
	v17 =	vand.u32 $0x3D, v59  }
0x99: {  	v18 =	vmax.f32 v19, v18;
	v11 =	vmax.f32 v15, v11;
	v15 =	vbroadcast v17, $0x0  }
0x9a: {  	v8 =	vbroadcast v8, $0x0;
	v12 =	vsel vm12, v12, v13;
	vm13 =	vgt.f32 v11, v18  }
0x9b: {  	v13 =	vand.u32 $0x3E, v10;
	v10 =	vor.u32 v3, v15;
	v15 =	vmax.f32 v18, v11  }
0x9c: {  	v11 =	vor.u32 v3, v8;
	v8 =	vsel vm13, v16, v12;
	[tilespmem:v14+s22+$0x0] =	vst.idx.msk $0xffff, v15  }
0x9d: {  	v13 =	vbroadcast v13, $0x0;
	[tilespmem:v14+s23+$0x0] =	vst.idx.msk $0xffff, v8  }
0x9e: {  	v12 =	vld.idx.msk [tilespmem:v7+s20+$0x0], $0xffff  }
0x9f: {  	v8 =	vor.u32 v3, v13;
	v62 =	vld.idx.msk [tilespmem:v7+s21+$0x0], $0xffff  }
0xa0: {  	v13 =	vld.idx.msk [tilespmem:v10+s21+$0x0], $0xffff  }
0xa1: {  	v14 =	vld.idx.msk [tilespmem:v11+s21+$0x0], $0xffff  }
0xa2: {  	v15 =	vld.idx.msk [tilespmem:v10+s20+$0x0], $0xffff  }
0xa3: {  	v9 =	vand.u32 $0xF, v9;
	v61 =	vld.idx.msk [tilespmem:v11+s20+$0x0], $0xffff  }
0xa4: {  	v9 =	vbroadcast v9, $0x0;
	v60 =	vld.idx.msk [tilespmem:v8+s20+$0x0], $0xffff  }
0xa5: {  	v63 =	vld.idx.msk [tilespmem:v8+s21+$0x0], $0xffff  }
0xa6: {  	v9 =	vor.u32 v4, v9;
	_ =	sdelay $0x1  }
0xa7: {  	vm1 =	vgt.f32 v15, v61;
	v15 =	vmax.f32 v61, v15  }
0xa8: {  	v13 =	vsel vm1, v13, v14;
	vm14 =	vgt.f32 v12, v60;
	v12 =	vmax.f32 v60, v12  }
0xa9: {  	vm15 =	vgt.f32 v12, v15;
	v12 =	vmax.f32 v15, v12;
	v14 =	vsel vm14, v62, v63  }
0xaa: {  	[tilespmem:v9+s24+$0x0] =	vst.idx.msk $0xffff, v12;
	v12 =	vsel vm15, v14, v13  }
0xab: {  	[tilespmem:v9+s25+$0x0] =	vst.idx.msk $0xffff, v12  }
0xac: {  	s6 =	simm.s32 $0x4;
	v12 =	vld.idx.msk [tilespmem:v11+s22+$0x0], $0xffff  }
.LBB2_6:
0xad: {  	s1 =	sadd.s32 $0x3, s6  }
0xae: {  	p0 =	sne.s32 s5, $0xF;
	v13 =	vld.idx.msk [tilespmem:v8+s22+$0x0], $0xffff;
	s3 =	smov.u32 s5;
	s5 =	sadd.s32 $0x1, s5  }
0xaf: {  	v14 =	vmov s1;
	v15 =	vld.idx.msk [tilespmem:v10+s23+$0x0], $0xffff  }
0xb0: {  	v16 =	vmov s6;
	v14 =	vand.u32 $0x3F, v14;
	v17 =	vld.idx.msk [tilespmem:v10+s22+$0x0], $0xffff  }
0xb1: {  	s4 =	sadd.s32 $0x2, s6;
	v16 =	vand.u32 $0x3C, v16;
	s1 =	sadd.s32 $0x1, s6;
	v10 =	vbroadcast v14, $0x0;
	v11 =	vld.idx.msk [tilespmem:v11+s23+$0x0], $0xffff  }
0xb2: {  	v18 =	vmov s4;
	v14 =	vmov s1;
	v19 =	vld.idx.msk [tilespmem:v7+s23+$0x0], $0xffff  }
0xb3: {  	v18 =	vand.u32 $0x3E, v18;
	v14 =	vand.u32 $0x3D, v14;
	v20 =	vld.idx.msk [tilespmem:v7+s22+$0x0], $0xffff  }
0xb4: {  	v14 =	vbroadcast v14, $0x0;
	v7 =	vor.u32 v3, v10;
	v21 =	vld.idx.msk [tilespmem:v8+s23+$0x0], $0xffff  }
0xb5: {  	v8 =	vbroadcast v18, $0x0  }
0xb6: {  	v10 =	vor.u32 v3, v14;
	vm0 =	vgt.f32 v17, v12;
	v12 =	vmax.f32 v12, v17  }
0xb7: {  	v14 =	vbroadcast v16, $0x0;
	v8 =	vor.u32 v3, v8;
	v15 =	vsel vm0, v15, v11;
	_ =	sdelay $0x1  }
0xb8: {  	v11 =	vor.u32 v3, v14;
	vm0 =	vgt.f32 v20, v13;
	v13 =	vmax.f32 v13, v20  }
0xb9: {  	v14 =	vsel vm0, v19, v21;
	vm0 =	vgt.f32 v13, v12;
	v12 =	vmax.f32 v12, v13  }
0xba: {  	v13 =	vsel vm0, v14, v15;
	[tilespmem:v9+s26+$0x0] =	vst.idx.msk $0xffff, v12  }
0xbb: {  	[tilespmem:v9+s28+$0x0] =	vst.idx.msk $0xffff, v13  }
0xbc: {  	v12 =	vld.idx.msk [tilespmem:v7+s20+$0x0], $0xffff  }
0xbd: {  	v13 =	vld.idx.msk [tilespmem:v10+s21+$0x0], $0xffff  }
0xbe: {  	v14 =	vld.idx.msk [tilespmem:v11+s21+$0x0], $0xffff  }
0xbf: {  	v15 =	vld.idx.msk [tilespmem:v10+s20+$0x0], $0xffff  }
0xc0: {  	v9 =	vmov s3;
	v16 =	vld.idx.msk [tilespmem:v8+s20+$0x0], $0xffff  }
0xc1: {  	v9 =	vand.u32 $0xF, v9;
	v17 =	vld.idx.msk [tilespmem:v11+s20+$0x0], $0xffff  }
0xc2: {  	v9 =	vbroadcast v9, $0x0;
	v18 =	vld.idx.msk [tilespmem:v7+s21+$0x0], $0xffff  }
0xc3: {  	v19 =	vld.idx.msk [tilespmem:v8+s21+$0x0], $0xffff  }
0xc4: {  	v9 =	vor.u32 v4, v9;
	_ =	sdelay $0x1  }
0xc5: {  	vm0 =	vgt.f32 v12, v16  }
0xc6: {  	v12 =	vmax.f32 v16, v12;
	vm1 =	vgt.f32 v15, v17;
	v15 =	vmax.f32 v17, v15  }
.Ltmp2:
0xc7: {  	v13 =	vsel vm1, v13, v14;
	vm1 =	vgt.f32 v12, v15;
	v12 =	vmax.f32 v15, v12;
	(pc) =	sbr.rel @p0 .LBB2_6-.Ltmp2, $4  }
0xc8: {  	v14 =	vsel vm0, v18, v19;
	[tilespmem:v9+s24+$0x0] =	vst.idx.msk $0xffff, v12  }
0xc9: {  	v12 =	vsel vm1, v14, v13  }
0xca: {  	[tilespmem:v9+s25+$0x0] =	vst.idx.msk $0xffff, v12  }
0xcb: {  	s6 =	sadd.s32 $0x4, s6;
	s1 =	simm.s32 $0x0;
	v12 =	vld.idx.msk [tilespmem:v11+s22+$0x0], $0xffff  }
0xcc: {  	_ =	sdelay $0x3  }
0xcd: {  	v13 =	vld.idx.msk [tilespmem:v8+s22+$0x0], $0xffff  }
0xce: {  	v14 =	vld.idx.msk [tilespmem:v10+s23+$0x0], $0xffff  }
0xcf: {  	v10 =	vld.idx.msk [tilespmem:v10+s22+$0x0], $0xffff  }
0xd0: {  	v11 =	vld.idx.msk [tilespmem:v11+s23+$0x0], $0xffff  }
0xd1: {  	v15 =	vld.idx.msk [tilespmem:v7+s22+$0x0], $0xffff  }
0xd2: {  	v16 =	vld.idx.msk [tilespmem:v7+s23+$0x0], $0xffff;
	s3 =	simm.s32 $0x3  }
0xd3: {  	v8 =	vld.idx.msk [tilespmem:v8+s23+$0x0], $0xffff;
	s8 =	simm.s32 $0x1;
	v55 =	vmov s1;
	s9 =	simm.s32 $0x2;
	v7 =	vmov s3  }
0xd4: {  	v54 =	vmov s8;
	v57 =	vmov s9;
	v7 =	vand.u32 $0xF, v7  }
0xd5: {  	v7 =	vbroadcast v7, $0x0;
	vm0 =	vgt.f32 v10, v12;
	v10 =	vmax.f32 v12, v10  }
0xd6: {  	vm11 =	vgt.f32 v15, v13;
	v13 =	vmax.f32 v13, v15;
	v12 =	vand.u32 $0xD, v54  }
0xd7: {  	v7 =	vor.u32 v4, v7;
	v11 =	vsel vm0, v14, v11;
	v12 =	vbroadcast v12, $0x0  }
0xd8: {  	v14 =	vand.u32 $0xC, v55;
	v56 =	vsel vm11, v16, v8;
	vm12 =	vgt.f32 v13, v10  }
0xd9: {  	v10 =	vmax.f32 v10, v13;
	v14 =	vbroadcast v14, $0x0;
	v8 =	vor.u32 v4, v12  }
0xda: {  	v58 =	vand.u32 $0xE, v57;
	v11 =	vsel vm12, v56, v11;
	[tilespmem:v9+s26+$0x0] =	vst.idx.msk $0xffff, v10  }
0xdb: {  	[tilespmem:v9+s28+$0x0] =	vst.idx.msk $0xffff, v11;
	v9 =	vbroadcast v58, $0x0;
	v10 =	vor.u32 v4, v14  }
0xdc: {  	v59 =	vld.idx.msk [tilespmem:v7+s25+$0x0], $0xffff  }
0xdd: {  	v11 =	vor.u32 v4, v9;
	v60 =	vld.idx.msk [tilespmem:v7+s24+$0x0], $0xffff  }
0xde: {  	v61 =	vld.idx.msk [tilespmem:v8+s25+$0x0], $0xffff  }
0xdf: {  	v17 =	vld.idx.msk [tilespmem:v8+s24+$0x0], $0xffff  }
0xe0: {  	v9 =	vmov s1;
	v62 =	vld.idx.msk [tilespmem:v10+s25+$0x0], $0xffff  }
0xe1: {  	v9 =	vand.u32 $0x7, v9;
	v63 =	vld.idx.msk [tilespmem:v10+s24+$0x0], $0xffff  }
0xe2: {  	v9 =	vbroadcast v9, $0x0;
	v18 =	vld.idx.msk [tilespmem:v11+s24+$0x0], $0xffff  }
0xe3: {  	v19 =	vld.idx.msk [tilespmem:v11+s25+$0x0], $0xffff  }
0xe4: {  	v9 =	vor.u32 v5, v9;
	_ =	sdelay $0x1  }
0xe5: {  	vm13 =	vgt.f32 v17, v63;
	v16 =	vmax.f32 v63, v17  }
0xe6: {  	v14 =	vsel vm13, v61, v62;
	vm14 =	vgt.f32 v60, v18;
	v13 =	vmax.f32 v18, v60  }
0xe7: {  	v12 =	vsel vm14, v59, v19;
	vm15 =	vgt.f32 v13, v16;
	v13 =	vmax.f32 v16, v13  }
0xe8: {  	v12 =	vsel vm15, v12, v14;
	[tilespmem:v9+s29+$0x0] =	vst.idx.msk $0xffff, v13  }
0xe9: {  	s5 =	simm.s32 $0x1;
	s6 =	simm.s32 $0x4;
	[tilespmem:v9+s30+$0x0] =	vst.idx.msk $0xffff, v12  }
.LBB2_8:
0xea: {  	s3 =	sadd.s32 $0x3, s6  }
0xeb: {  	p0 =	sne.s32 s5, $0x3;
	v12 =	vld.idx.msk [tilespmem:v11+s28+$0x0], $0xffff;
	s7 =	smov.u32 s5;
	s5 =	sadd.s32 $0x1, s5  }
0xec: {  	v13 =	vmov s3;
	v14 =	vld.idx.msk [tilespmem:v8+s28+$0x0], $0xffff  }
0xed: {  	v15 =	vmov s6;
	v13 =	vand.u32 $0xF, v13;
	v16 =	vld.idx.msk [tilespmem:v7+s28+$0x0], $0xffff  }
0xee: {  	s4 =	sadd.s32 $0x2, s6;
	v15 =	vand.u32 $0xC, v15;
	s3 =	sadd.s32 $0x1, s6;
	v13 =	vbroadcast v13, $0x0;
	v17 =	vld.idx.msk [tilespmem:v7+s26+$0x0], $0xffff  }
0xef: {  	v18 =	vmov s4;
	v7 =	vmov s3;
	v19 =	vld.idx.msk [tilespmem:v11+s26+$0x0], $0xffff  }
0xf0: {  	v7 =	vand.u32 $0xD, v7;
	v11 =	vand.u32 $0xE, v18;
	v18 =	vld.idx.msk [tilespmem:v8+s26+$0x0], $0xffff  }
0xf1: {  	v8 =	vbroadcast v7, $0x0;
	v7 =	vor.u32 v4, v13;
	v13 =	vld.idx.msk [tilespmem:v10+s26+$0x0], $0xffff  }
0xf2: {  	v11 =	vbroadcast v11, $0x0;
	v20 =	vld.idx.msk [tilespmem:v10+s28+$0x0], $0xffff  }
0xf3: {  	v8 =	vor.u32 v4, v8  }
0xf4: {  	v10 =	vbroadcast v15, $0x0  }
0xf5: {  	vm0 =	vgt.f32 v17, v19  }
0xf6: {  	v11 =	vor.u32 v4, v11;
	v10 =	vor.u32 v4, v10;
	v12 =	vsel vm0, v16, v12  }
0xf7: {  	v15 =	vmax.f32 v19, v17;
	vm0 =	vgt.f32 v18, v13;
	v13 =	vmax.f32 v13, v18  }
0xf8: {  	v14 =	vsel vm0, v14, v20;
	vm0 =	vgt.f32 v15, v13;
	v13 =	vmax.f32 v13, v15  }
0xf9: {  	v12 =	vsel vm0, v12, v14;
	[tilespmem:v9+s31+$0x0] =	vst.idx.msk $0xffff, v13  }
0xfa: {  	[tilespmem:v9+s0+$0x0] =	vst.idx.msk $0xffff, v12  }
0xfb: {  	v12 =	vld.idx.msk [tilespmem:v7+s25+$0x0], $0xffff  }
0xfc: {  	v13 =	vld.idx.msk [tilespmem:v7+s24+$0x0], $0xffff  }
0xfd: {  	v14 =	vld.idx.msk [tilespmem:v8+s25+$0x0], $0xffff  }
0xfe: {  	v15 =	vld.idx.msk [tilespmem:v10+s25+$0x0], $0xffff  }
0xff: {  	v16 =	vld.idx.msk [tilespmem:v10+s24+$0x0], $0xffff  }
0x100: {  	v9 =	vmov s7;
	v17 =	vld.idx.msk [tilespmem:v8+s24+$0x0], $0xffff  }
0x101: {  	v9 =	vand.u32 $0x7, v9;
	v18 =	vld.idx.msk [tilespmem:v11+s24+$0x0], $0xffff  }
0x102: {  	v9 =	vbroadcast v9, $0x0;
	v19 =	vld.idx.msk [tilespmem:v11+s25+$0x0], $0xffff;
	_ =	sdelay $0x1  }
0x103: {  	v9 =	vor.u32 v5, v9;
	_ =	sdelay $0x1  }
.Ltmp3:
0x104: {  	vm0 =	vgt.f32 v17, v16;
	v16 =	vmax.f32 v16, v17;
	(pc) =	sbr.rel @p0 .LBB2_8-.Ltmp3, $4  }
0x105: {  	v14 =	vsel vm0, v14, v15;
	vm0 =	vgt.f32 v13, v18;
	v13 =	vmax.f32 v18, v13  }
0x106: {  	v12 =	vsel vm0, v12, v19;
	vm0 =	vgt.f32 v13, v16;
	v13 =	vmax.f32 v16, v13  }
0x107: {  	v12 =	vsel vm0, v12, v14;
	[tilespmem:v9+s29+$0x0] =	vst.idx.msk $0xffff, v13  }
0x108: {  	s6 =	sadd.s32 $0x4, s6;
	[tilespmem:v9+s30+$0x0] =	vst.idx.msk $0xffff, v12  }
0x109: {  	_ =	sdelay $0x3  }
0x10a: {  	v13 =	vld.idx.msk [tilespmem:v8+s28+$0x0], $0xffff  }
0x10b: {  	v14 =	vld.idx.msk [tilespmem:v7+s28+$0x0], $0xffff  }
0x10c: {  	v7 =	vld.idx.msk [tilespmem:v7+s26+$0x0], $0xffff  }
0x10d: {  	v62 =	vld.idx.msk [tilespmem:v11+s26+$0x0], $0xffff  }
0x10e: {  	v8 =	vld.idx.msk [tilespmem:v8+s26+$0x0], $0xffff  }
0x10f: {  	v15 =	vld.idx.msk [tilespmem:v10+s26+$0x0], $0xffff  }
0x110: {  	v12 =	vld.idx.msk [tilespmem:v11+s28+$0x0], $0xffff  }
0x111: {  	v63 =	vld.idx.msk [tilespmem:v10+s28+$0x0], $0xffff;
	_ =	sdelay $0x2  }
0x112: {  	vm0 =	vgt.f32 v7, v62;
	vm14 =	vgt.f32 v8, v15  }
0x113: {  	v8 =	vmax.f32 v15, v8;
	v7 =	vmax.f32 v62, v7;
	v12 =	vsel vm0, v14, v12  }
0x114: {  	v10 =	vsel vm14, v13, v63;
	vm15 =	vgt.f32 v7, v8;
	v7 =	vmax.f32 v8, v7  }
0x115: {  	v8 =	vsel vm15, v12, v10;
	[tilespmem:v9+s31+$0x0] =	vst.idx.msk $0xffff, v7  }
0x116: {  	[tilespmem:v9+s0+$0x0] =	vst.idx.msk $0xffff, v8  }
.LBB2_10:
0x117: {  	v7 =	vor.u32 $0x1, v5  }
0x118: {  	v8 =	vor.u32 $0x2, v5  }
0x119: {  	v9 =	vor.u32 $0x3, v5  }
0x11a: {  	v10 =	vld.idx.msk [tilespmem:v5+s29+$0x0], $0xffff  }
0x11b: {  	v14 =	vld.idx.msk [tilespmem:v5+s30+$0x0], $0xffff  }
0x11c: {  	v11 =	vld.idx.msk [tilespmem:v7+s29+$0x0], $0xffff  }
0x11d: {  	v12 =	vld.idx.msk [tilespmem:v8+s29+$0x0], $0xffff  }
0x11e: {  	v13 =	vld.idx.msk [tilespmem:v9+s29+$0x0], $0xffff  }
0x11f: {  	v15 =	vld.idx.msk [tilespmem:v7+s30+$0x0], $0xffff  }
0x120: {  	v16 =	vld.idx.msk [tilespmem:v8+s30+$0x0], $0xffff  }
0x121: {  	v17 =	vld.idx.msk [tilespmem:v9+s30+$0x0], $0xffff;
	_ =	sdelay $0x2  }
0x122: {  	vm0 =	vgt.f32 v11, v10  }
0x123: {  	v10 =	vmax.f32 v10, v11;
	vm1 =	vgt.f32 v13, v12;
	v52 =	vmax.f32 v12, v13  }
0x124: {  	v53 =	vsel vm0, v15, v14;
	v54 =	vsel vm1, v17, v16;
	vm8 =	vgt.f32 v52, v10  }
0x125: {  	v13 =	vsel vm8, v54, v53  }
0x126: {  	v55 =	vand.u32 $0xFFFFFFF8, v13  }
0x127: {  	v10 =	vmul.u32 $0x80, v0;
	v56 =	vand.u32 $0x7, v13;
	v57 =	vadd.s32 v1, v55  }
0x128: {  	v58 =	vor.u32 v56, v57  }
0x129: {  	v12 =	vor.u32 s1, v10;
	_ =	sdelay $0x3  }
0x12a: {  	v59 =	vld.idx.msk [tilespmem:v58+s11+$0x0], $0xffff  }
0x12b: {  	v60 =	vld.idx.msk [tilespmem:v12+s12+$0x0], $0xffff;
	_ =	sdelay $0x3  }
0x12c: {  	vm9 =	vlt.s32 v59, $0x80  }
0x12d: {  	vm10 =	vne.s32 v60, v13;
	v61 =	vadd.s32 v10, v59  }
0x12e: {  	v18 =	vadd.s32 v1, v60  }
0x12f: {  	v19 =	vand.u32 $0xFFFFFFFC, v13  }
0x130: {  	v20 =	vand.u32 $0x4, v13;
	v21 =	vor.u32 $0x1, v19  }
0x131: {  	v23 =	vor.u32 $0x2, v19;
	v20 =	vor.u32 v20, v57;
	v22 =	vand.u32 $0x5, v21  }
0x132: {  	v24 =	vor.u32 $0x3, v13;
	v63 =	vand.u32 $0x6, v23;
	v62 =	vor.u32 v57, v22;
	[tilespmem:v61+s12+$0x0] =	vst.idx.msk vm9, v60  }
0x133: {  	v11 =	vmov s1;
	v28 =	vand.u32 $0x7, v24;
	v27 =	vor.u32 v57, v63;
	[tilespmem:v18+s11+$0x0] =	vst.idx.msk vm10, v59  }
0x134: {  	v14 =	vor.u32 v28, v57;
	[tilespmem:v58+s11+$0x0] =	vst.idx.msk $0xffff, v11  }
0x135: {  	[tilespmem:v58+s2+$0x0] =	vst.idx.msk $0xffff, v6  }
0x136: {  	v15 =	vld.idx.msk [tilespmem:v20+s2+$0x0], $0xffff  }
0x137: {  	v17 =	vld.idx.msk [tilespmem:v62+s2+$0x0], $0xffff  }
0x138: {  	v29 =	vshrl.u32 v13, $0x2;
	v16 =	vld.idx.msk [tilespmem:v27+s2+$0x0], $0xffff  }
0x139: {  	v30 =	vand.u32 $0x3FFFFFF8, v29;
	v14 =	vld.idx.msk [tilespmem:v14+s2+$0x0], $0xffff  }
0x13a: {  	v31 =	vand.u32 $0x7, v29;
	v20 =	vadd.s32 v2, v30  }
0x13b: {  	v18 =	vand.u32 $0x4, v29;
	v22 =	vor.u32 v31, v20  }
0x13c: {  	v32 =	vor.u32 v18, v20  }
0x13d: {  	v35 =	vor.u32 $0x1, v32;
	vm11 =	vgt.f32 v17, v15;
	v15 =	vmax.f32 v15, v17  }
0x13e: {  	vm12 =	vgt.f32 v14, v16;
	v14 =	vmax.f32 v16, v14;
	v33 =	vsel vm11, v21, v19  }
0x13f: {  	v34 =	vsel vm12, v24, v23;
	vm13 =	vgt.f32 v14, v15;
	v14 =	vmax.f32 v15, v14  }
0x140: {  	v16 =	vsel vm13, v34, v33;
	[tilespmem:v22+s16+$0x0] =	vst.idx.msk $0xffff, v14  }
0x141: {  	v36 =	vor.u32 $0x2, v32;
	[tilespmem:v22+s17+$0x0] =	vst.idx.msk $0xffff, v16  }
0x142: {  	v16 =	vld.idx.msk [tilespmem:v32+s16+$0x0], $0xffff  }
0x143: {  	v17 =	vor.u32 $0x3, v32;
	v37 =	vld.idx.msk [tilespmem:v32+s17+$0x0], $0xffff  }
0x144: {  	v38 =	vld.idx.msk [tilespmem:v35+s16+$0x0], $0xffff  }
0x145: {  	v15 =	vld.idx.msk [tilespmem:v35+s17+$0x0], $0xffff  }
0x146: {  	v39 =	vld.idx.msk [tilespmem:v36+s16+$0x0], $0xffff  }
0x147: {  	v40 =	vshrl.u32 v13, $0x4;
	v14 =	vld.idx.msk [tilespmem:v36+s17+$0x0], $0xffff  }
0x148: {  	v41 =	vand.u32 $0xFFFFFF8, v40;
	v22 =	vld.idx.msk [tilespmem:v17+s16+$0x0], $0xffff  }
0x149: {  	v42 =	vand.u32 $0x7, v40;
	v23 =	vadd.s32 v3, v41;
	v17 =	vld.idx.msk [tilespmem:v17+s17+$0x0], $0xffff  }
0x14a: {  	v21 =	vand.u32 $0x4, v40;
	v24 =	vor.u32 v42, v23  }
0x14b: {  	v43 =	vor.u32 v21, v23  }
0x14c: {  	v45 =	vor.u32 $0x1, v43;
	vm14 =	vgt.f32 v38, v16;
	v16 =	vmax.f32 v16, v38  }
0x14d: {  	vm15 =	vgt.f32 v22, v39;
	v15 =	vsel vm14, v15, v37;
	v44 =	vmax.f32 v39, v22  }
0x14e: {  	v14 =	vsel vm15, v17, v14;
	vm4 =	vgt.f32 v44, v16;
	v16 =	vmax.f32 v16, v44  }
0x14f: {  	v14 =	vsel vm4, v14, v15;
	[tilespmem:v24+s20+$0x0] =	vst.idx.msk $0xffff, v16  }
0x150: {  	v46 =	vor.u32 $0x2, v43;
	[tilespmem:v24+s21+$0x0] =	vst.idx.msk $0xffff, v14  }
0x151: {  	v48 =	vor.u32 $0x3, v43;
	v47 =	vld.idx.msk [tilespmem:v43+s20+$0x0], $0xffff  }
0x152: {  	v16 =	vld.idx.msk [tilespmem:v43+s21+$0x0], $0xffff  }
0x153: {  	v49 =	vld.idx.msk [tilespmem:v45+s20+$0x0], $0xffff  }
0x154: {  	v17 =	vld.idx.msk [tilespmem:v45+s21+$0x0], $0xffff  }
0x155: {  	v50 =	vld.idx.msk [tilespmem:v46+s20+$0x0], $0xffff  }
0x156: {  	v51 =	vshrl.u32 v13, $0x6;
	v52 =	vld.idx.msk [tilespmem:v48+s20+$0x0], $0xffff  }
0x157: {  	v53 =	vand.u32 $0x3FFFFF8, v51;
	v14 =	vld.idx.msk [tilespmem:v46+s21+$0x0], $0xffff  }
0x158: {  	v54 =	vand.u32 $0x7, v51;
	v23 =	vadd.s32 v4, v53;
	v18 =	vld.idx.msk [tilespmem:v48+s21+$0x0], $0xffff  }
0x159: {  	v21 =	vand.u32 $0x4, v51;
	v24 =	vor.u32 v54, v23  }
0x15a: {  	v55 =	vor.u32 v21, v23  }
0x15b: {  	v57 =	vor.u32 $0x1, v55;
	vm5 =	vgt.f32 v49, v47;
	vm6 =	vgt.f32 v52, v50  }
0x15c: {  	v15 =	vmax.f32 v47, v49;
	v56 =	vmax.f32 v50, v52;
	v16 =	vsel vm5, v17, v16  }
0x15d: {  	v14 =	vsel vm6, v18, v14;
	vm7 =	vgt.f32 v56, v15;
	v15 =	vmax.f32 v15, v56  }
0x15e: {  	v14 =	vsel vm7, v14, v16;
	[tilespmem:v24+s24+$0x0] =	vst.idx.msk $0xffff, v15  }
0x15f: {  	v58 =	vor.u32 $0x2, v55;
	[tilespmem:v24+s25+$0x0] =	vst.idx.msk $0xffff, v14  }
0x160: {  	v15 =	vld.idx.msk [tilespmem:v55+s24+$0x0], $0xffff  }
0x161: {  	v17 =	vor.u32 $0x3, v55;
	v59 =	vld.idx.msk [tilespmem:v55+s25+$0x0], $0xffff  }
0x162: {  	v60 =	vld.idx.msk [tilespmem:v57+s24+$0x0], $0xffff  }
0x163: {  	v18 =	vld.idx.msk [tilespmem:v57+s25+$0x0], $0xffff  }
0x164: {  	v61 =	vld.idx.msk [tilespmem:v58+s24+$0x0], $0xffff  }
0x165: {  	v14 =	vld.idx.msk [tilespmem:v58+s25+$0x0], $0xffff  }
0x166: {  	v62 =	vld.idx.msk [tilespmem:v17+s24+$0x0], $0xffff  }
0x167: {  	v13 =	vshrl.u32 v13, $0x8;
	v17 =	vld.idx.msk [tilespmem:v17+s25+$0x0], $0xffff  }
0x168: {  	v13 =	vadd.s32 v5, v13;
	_ =	sdelay $0x1  }
0x169: {  	vm8 =	vgt.f32 v60, v15;
	v15 =	vmax.f32 v15, v60  }
0x16a: {  	v16 =	vsel vm8, v18, v59;
	vm9 =	vgt.f32 v62, v61;
	v63 =	vmax.f32 v61, v62  }
0x16b: {  	v14 =	vsel vm9, v17, v14;
	vm10 =	vgt.f32 v63, v15;
	v15 =	vmax.f32 v15, v63  }
0x16c: {  	v14 =	vsel vm10, v14, v16;
	[tilespmem:v13+s29+$0x0] =	vst.idx.msk $0xffff, v15  }
0x16d: {  	[tilespmem:v13+s30+$0x0] =	vst.idx.msk $0xffff, v14  }
0x16e: {  	v13 =	vld.idx.msk [tilespmem:v5+s31+$0x0], $0xffff  }
0x16f: {  	v14 =	vld.idx.msk [tilespmem:v7+s31+$0x0], $0xffff  }
0x170: {  	v15 =	vld.idx.msk [tilespmem:v8+s31+$0x0], $0xffff  }
0x171: {  	v20 =	vld.idx.msk [tilespmem:v9+s31+$0x0], $0xffff  }
0x172: {  	v21 =	vld.idx.msk [tilespmem:v5+s0+$0x0], $0xffff  }
0x173: {  	v7 =	vld.idx.msk [tilespmem:v7+s0+$0x0], $0xffff  }
0x174: {  	v8 =	vld.idx.msk [tilespmem:v8+s0+$0x0], $0xffff  }
0x175: {  	v9 =	vld.idx.msk [tilespmem:v9+s0+$0x0], $0xffff;
	_ =	sdelay $0x2  }
0x176: {  	vm11 =	vgt.f32 v14, v13  }
0x177: {  	v13 =	vmax.f32 v13, v14;
	vm12 =	vgt.f32 v20, v15;
	v22 =	vmax.f32 v15, v20  }
0x178: {  	v7 =	vsel vm11, v7, v21;
	v8 =	vsel vm12, v9, v8;
	vm13 =	vgt.f32 v22, v13  }
0x179: {  	v7 =	vsel vm13, v8, v7  }
0x17a: {  	v8 =	vand.u32 $0xFFFFFFF8, v7  }
0x17b: {  	v23 =	vand.u32 $0x7, v7;
	v8 =	vadd.s32 v1, v8  }
0x17c: {  	v9 =	vor.u32 v23, v8;
	_ =	sdelay $0x4  }
0x17d: {  	v24 =	vld.idx.msk [tilespmem:v9+s14+$0x0], $0xffff  }
0x17e: {  	v12 =	vld.idx.msk [tilespmem:v12+s15+$0x0], $0xffff;
	_ =	sdelay $0x3  }
0x17f: {  	vm14 =	vlt.s32 v24, $0x80  }
0x180: {  	vm15 =	vne.s32 v12, v7;
	v10 =	vadd.s32 v10, v24  }
0x181: {  	v25 =	vadd.s32 v1, v12  }
0x182: {  	v26 =	vand.u32 $0xFFFFFFFC, v7  }
0x183: {  	v27 =	vand.u32 $0x4, v7;
	v28 =	vor.u32 $0x1, v26  }
0x184: {  	v30 =	vor.u32 $0x2, v26;
	v16 =	vor.u32 v27, v8;
	v29 =	vand.u32 $0x5, v28  }
0x185: {  	v33 =	vor.u32 $0x3, v7;
	v32 =	vand.u32 $0x6, v30;
	v31 =	vor.u32 v8, v29;
	[tilespmem:v10+s15+$0x0] =	vst.idx.msk vm14, v12  }
0x186: {  	v34 =	vand.u32 $0x7, v33;
	v12 =	vor.u32 v8, v32;
	[tilespmem:v25+s14+$0x0] =	vst.idx.msk vm15, v24  }
0x187: {  	v8 =	vor.u32 v34, v8;
	[tilespmem:v9+s14+$0x0] =	vst.idx.msk $0xffff, v11  }
0x188: {  	[tilespmem:v9+s13+$0x0] =	vst.idx.msk $0xffff, v6  }
0x189: {  	v9 =	vld.idx.msk [tilespmem:v16+s13+$0x0], $0xffff  }
0x18a: {  	v10 =	vld.idx.msk [tilespmem:v31+s13+$0x0], $0xffff  }
0x18b: {  	v35 =	vshrl.u32 v7, $0x2;
	v11 =	vld.idx.msk [tilespmem:v12+s13+$0x0], $0xffff  }
0x18c: {  	v36 =	vand.u32 $0x3FFFFFF8, v35;
	v8 =	vld.idx.msk [tilespmem:v8+s13+$0x0], $0xffff  }
0x18d: {  	v37 =	vand.u32 $0x7, v35;
	v13 =	vadd.s32 v2, v36  }
0x18e: {  	v14 =	vor.u32 v37, v13;
	v12 =	vand.u32 $0x4, v35  }
0x18f: {  	v12 =	vor.u32 v12, v13  }
0x190: {  	v39 =	vor.u32 $0x1, v12;
	vm4 =	vgt.f32 v10, v9;
	v9 =	vmax.f32 v9, v10  }
0x191: {  	v15 =	vsel vm4, v28, v26;
	vm5 =	vgt.f32 v8, v11;
	v8 =	vmax.f32 v11, v8  }
0x192: {  	v38 =	vsel vm5, v33, v30;
	vm6 =	vgt.f32 v8, v9;
	v8 =	vmax.f32 v9, v8  }
0x193: {  	v10 =	vsel vm6, v38, v15;
	[tilespmem:v14+s18+$0x0] =	vst.idx.msk $0xffff, v8  }
0x194: {  	v8 =	vor.u32 $0x2, v12;
	[tilespmem:v14+s19+$0x0] =	vst.idx.msk $0xffff, v10  }
0x195: {  	v10 =	vld.idx.msk [tilespmem:v12+s18+$0x0], $0xffff  }
0x196: {  	v40 =	vld.idx.msk [tilespmem:v12+s19+$0x0], $0xffff;
	v12 =	vor.u32 $0x3, v12  }
0x197: {  	v41 =	vld.idx.msk [tilespmem:v39+s18+$0x0], $0xffff  }
0x198: {  	v9 =	vld.idx.msk [tilespmem:v39+s19+$0x0], $0xffff  }
0x199: {  	v14 =	vld.idx.msk [tilespmem:v8+s18+$0x0], $0xffff  }
0x19a: {  	v42 =	vshrl.u32 v7, $0x4;
	v8 =	vld.idx.msk [tilespmem:v8+s19+$0x0], $0xffff  }
0x19b: {  	v44 =	vand.u32 $0xFFFFFF8, v42;
	v43 =	vld.idx.msk [tilespmem:v12+s18+$0x0], $0xffff  }
0x19c: {  	v45 =	vand.u32 $0x7, v42;
	v17 =	vadd.s32 v3, v44;
	v12 =	vld.idx.msk [tilespmem:v12+s19+$0x0], $0xffff  }
0x19d: {  	v18 =	vor.u32 v45, v17;
	v15 =	vand.u32 $0x4, v42  }
0x19e: {  	v46 =	vor.u32 v15, v17  }
0x19f: {  	v48 =	vor.u32 $0x1, v46;
	vm7 =	vgt.f32 v41, v10;
	v10 =	vmax.f32 v10, v41  }
0x1a0: {  	v9 =	vsel vm7, v9, v40;
	vm8 =	vgt.f32 v43, v14;
	v47 =	vmax.f32 v14, v43  }
0x1a1: {  	v8 =	vsel vm8, v12, v8;
	vm9 =	vgt.f32 v47, v10;
	v10 =	vmax.f32 v10, v47  }
0x1a2: {  	v8 =	vsel vm9, v8, v9;
	[tilespmem:v18+s22+$0x0] =	vst.idx.msk $0xffff, v10  }
0x1a3: {  	v11 =	vor.u32 $0x3, v46;
	[tilespmem:v18+s23+$0x0] =	vst.idx.msk $0xffff, v8  }
0x1a4: {  	v49 =	vld.idx.msk [tilespmem:v46+s22+$0x0], $0xffff  }
0x1a5: {  	v8 =	vor.u32 $0x2, v46;
	v10 =	vld.idx.msk [tilespmem:v46+s23+$0x0], $0xffff  }
0x1a6: {  	v50 =	vld.idx.msk [tilespmem:v48+s22+$0x0], $0xffff  }
0x1a7: {  	v12 =	vld.idx.msk [tilespmem:v48+s23+$0x0], $0xffff  }
0x1a8: {  	v53 =	vld.idx.msk [tilespmem:v11+s22+$0x0], $0xffff  }
0x1a9: {  	v52 =	vshrl.u32 v7, $0x6;
	v11 =	vld.idx.msk [tilespmem:v11+s23+$0x0], $0xffff  }
0x1aa: {  	v54 =	vand.u32 $0x3FFFFF8, v52;
	v51 =	vld.idx.msk [tilespmem:v8+s22+$0x0], $0xffff  }
0x1ab: {  	v55 =	vand.u32 $0x7, v52;
	v17 =	vadd.s32 v4, v54;
	v8 =	vld.idx.msk [tilespmem:v8+s23+$0x0], $0xffff  }
0x1ac: {  	v15 =	vand.u32 $0x4, v52;
	v18 =	vor.u32 v55, v17  }
0x1ad: {  	v56 =	vor.u32 v15, v17  }
0x1ae: {  	v58 =	vor.u32 $0x1, v56;
	vm10 =	vgt.f32 v50, v49;
	v9 =	vmax.f32 v49, v50  }
0x1af: {  	v10 =	vsel vm10, v12, v10;
	vm11 =	vgt.f32 v53, v51;
	v57 =	vmax.f32 v51, v53  }
0x1b0: {  	v8 =	vsel vm11, v11, v8;
	vm12 =	vgt.f32 v57, v9;
	v9 =	vmax.f32 v9, v57  }
0x1b1: {  	v8 =	vsel vm12, v8, v10;
	[tilespmem:v18+s26+$0x0] =	vst.idx.msk $0xffff, v9  }
0x1b2: {  	v12 =	vor.u32 $0x3, v56;
	[tilespmem:v18+s28+$0x0] =	vst.idx.msk $0xffff, v8  }
0x1b3: {  	v9 =	vld.idx.msk [tilespmem:v56+s26+$0x0], $0xffff  }
0x1b4: {  	v8 =	vor.u32 $0x2, v56;
	v59 =	vld.idx.msk [tilespmem:v56+s28+$0x0], $0xffff  }
0x1b5: {  	v60 =	vld.idx.msk [tilespmem:v58+s26+$0x0], $0xffff  }
0x1b6: {  	v11 =	vld.idx.msk [tilespmem:v58+s28+$0x0], $0xffff  }
0x1b7: {  	v62 =	vld.idx.msk [tilespmem:v12+s26+$0x0], $0xffff  }
0x1b8: {  	v12 =	vld.idx.msk [tilespmem:v12+s28+$0x0], $0xffff  }
0x1b9: {  	v61 =	vld.idx.msk [tilespmem:v8+s26+$0x0], $0xffff  }
0x1ba: {  	v7 =	vshrl.u32 v7, $0x8;
	v8 =	vld.idx.msk [tilespmem:v8+s28+$0x0], $0xffff  }
0x1bb: {  	v7 =	vadd.s32 v5, v7  }
0x1bc: {  	p0 =	sne.s32 s1, $0x7F  }
.Ltmp4:
0x1bd: {  	vm13 =	vgt.f32 v60, v9;
	v9 =	vmax.f32 v9, v60;
	(pc) =	sbr.rel @p0 .LBB2_10-.Ltmp4, $4  }
0x1be: {  	v10 =	vsel vm13, v11, v59;
	vm14 =	vgt.f32 v62, v61;
	v63 =	vmax.f32 v61, v62  }
0x1bf: {  	v8 =	vsel vm14, v12, v8;
	vm15 =	vgt.f32 v63, v9;
	v9 =	vmax.f32 v9, v63  }
0x1c0: {  	v8 =	vsel vm15, v8, v10;
	[tilespmem:v7+s31+$0x0] =	vst.idx.msk $0xffff, v9  }
0x1c1: {  	s1 =	sadd.s32 $0x1, s1;
	[tilespmem:v7+s0+$0x0] =	vst.idx.msk $0xffff, v8  }
0x1c2: {  	s1 =	rddreg [dreg:$0x6]  }
0x1c3: {  	[hbm4b:s1+s2] =	stream.linear.scatter [tilespmem:s11], [sflag:$0x1], $0x4000, $0x38;
	[tilespmem:$0x16600] =	vst v63  }
0x1c4: {  	_ =	swait.ge [sflag:s10], $0x4000  }
0x1c5: {  	[sflag:s10] =	ssyncset.done $0x0  }
0x1c6: {  	s8 =	rddreg [dreg:$0x7];
	[sflag:s10] =	ssyncadd.s32 $0xFFFFC000  }
0x1c7: {  	[hbm4b:s8+s2] =	stream.linear.scatter [tilespmem:s14], [sflag:$0x1], $0x4000, $0x38;
	[tilespmem:$0x16600] =	vst v63  }
0x1c8: {  	_ =	swait.ge [sflag:s10], $0x4000  }
0x1c9: {  	s3 =	rddreg [dreg:$0x9]  }
0x1ca: {  	s9 =	rddreg [dreg:$0x8];
	s3 =	sadd.s32 $0x1, s3  }
0x1cb: {  	p0 =	sne.s32 s3, s9  }
.Ltmp5:
0x1cc: {  	_ = 	snop;
	(pc) =	sbr.rel @p0 .LBB2_1-.Ltmp5, $3  }
0x1cd: {  	_ =	sdelay $0x1  }
0x1ce: {  	[sflag:s10] =	ssyncset.done $0x0  }
0x1cf: {  	[sflag:s10] =	ssyncadd.s32 $0xFFFFC000  }
0x1d0: {  	_ =	sfence.sel $0x180000  }
0x1d1: {  	[bflag:$0x0] =	sbarrier.arrive $0xFFFF  }
0x1d2: {  	_ =	strace $0x90000047  }
0x1d3: {  	s0 =	stileid.u32;
	[bflag:$0x2] =	sbarrier.arrive $0xFFFF  }
0x1d4: {  	p0 =	sne.s32 s0, $0x0;
	s0 =	rddreg [dreg:$0x2]  }
0x1d5: {  	s0 =	sadd.s32 @!p0 $0x100000, s0  }
0x1d6: {  	[sflag:s0] =	ssyncadd.tile.s32 @!p0 $0x1;
	_ =	shalt  }
.Lfunc_end2:
_tile_overlayer_lowered:
.L_overlay_start_2:
0x1d7: {  	(tag) =	ssettag $0x2  }
0x1d8: {  	s0 =	rddreg [dreg:$0x0];
	s2 =	stileid.u32  }
0x1d9: {  	s1 =	rddreg [dreg:$0x1];
	p0 =	sne.s32 s2, $0x0  }
0x1da: {  	s3 =	rddreg [dreg:$0x2];
	[bflag:$0x3] =	sbarrier.arrive $0xFFFF;
	s2 =	simm.s32 @!p0 $0x1C01  }
0x1db: {  	[timem:s3], [sflag:s2] =	dma.local @!p0 [hbm:s0], s1  }
0x1dc: {  	s0 =	simm.s32 @!p0 $0x1  }
0x1dd: {  	_ =	swait.ge @!p0 [sflag:s0], s1  }
0x1de: {  	s1 =	ssub.s32 @!p0 $0x0, s1;
	[sflag:s0] =	ssyncset.done @!p0 $0x0  }
0x1df: {  	[sflag:s0] =	ssyncadd.s32 @!p0 s1  }
0x1e0: {  	[bflag:$0x3] =	sbarrier.arrive $0xFFFF  }
0x1e1: {  	_ =	shalt  }

// kernel: kernel.8.cloned.1.call-start
scs
__scs_entry_jumppad:
0x0: {  	(pc) =	sbr.rel $0x88, $3  }
0x1: {  	(tag) =	ssettag $0x0;
	lr =	simm.s32 $0x1  }
0x2: {  	[smem:$0x3F9E] =	sst lr;
	_ =	strace $0xD0000000  }
0x3: {  	_ = 	snop  }
0x4: {  	_ = 	snop  }
0x5: {  	_ = 	snop  }
0x6: {  	_ = 	snop  }
0x7: {  	_ = 	snop  }
__scs_overlays_trampoline_lowered:
0x8: {  	[smem:$0x3FAD] =	sst s0  }
0x9: {  	[smem:$0x3FAE] =	sst s1  }
0xa: {  	[smem:$0x3FAF] =	sst s2  }
0xb: {  	[smem:$0x3FB0] =	sst s3  }
0xc: {  	[smem:$0x3FB1] =	sst s4  }
0xd: {  	[smem:$0x3FB2] =	sst s5  }
0xe: {  	[smem:$0x3FB3] =	sst s6  }
0xf: {  	[smem:$0x3FB4] =	sst s7  }
0x10: {  	[smem:$0x3FB5] =	sst s8  }
0x11: {  	[smem:$0x3FB6] =	sst s9;
	s0 =	simm.s32 @!p0 $0x0  }
0x12: {  	s1 =	sld [smem:$0x3F9C];
	s0 =	simm.s32 @p0 $0x1  }
0x13: {  	[smem:$0x3FB7] =	sst s0;
	s0 =	simm.s32 @!p1 $0x0  }
0x14: {  	s2 =	sld [smem:$0x3F9B];
	s0 =	simm.s32 @p1 $0x1  }
0x15: {  	[smem:$0x3FB8] =	sst s0;
	s0 =	simm.s32 @!p2 $0x0  }
0x16: {  	s3 =	sld [smem:$0x3FDB];
	s0 =	simm.s32 @p2 $0x1  }
0x17: {  	s4 =	simm.s32 $0x1BF5;
	[smem:$0x3FBA] =	sst s0  }
0x18: {  	s0 =	sld [smem:$0x3F9D];
	_ =	swait.ge [sflag:s4], $0x0  }
0x19: {  	s7 =	sld [smem:$0x3F9E]  }
0x1a: {  	s8 =	sadd.s32 $0xFFFFE003, lr  }
0x1b: {  	s9 =	sadd.s32 $0xFFFFFEF7, lr;
	s5 =	simm.s32 $0xFFFFFFFF;
	p2 =	slt.u32 s8, $0xFFFFF086  }
0x1c: {  	p1 =	slt.u32 s9, $0xF7A;
	s5 =	simm.s32 @!p2 $0x0  }
0x1d: {  	s5 =	simm.s32 @p1 $0x1;
	p0 =	seq.s32 s7, s2  }
0x1e: {  	s7 =	smul.u32 @!p0 $0xF7A, s2;
	p2 =	seq.s32 @!p0 s5, $0x0  }
0x1f: {  	s9 =	smul.u32 $0xF7A, s1;
	s8 =	simm.s32 @!p0 $0x1BF5;
	p2 =	por !p2, p0  }
0x20: {  	[sflag:s8] =	ssyncset.s32 @!p0 $0xFFFFF086;
	s6 =	sadd.s32 @!p0 s3, s7;
	s7 =	simm.s32 @!p0 $0x108  }
0x21: {  	s3 =	sadd.s32 s3, s9;
	s6 =	sadd.s32 @!p0 $0x88, s6;
	s7 =	simm.s32 @p2 $0x1082  }
0x22: {  	[simem:s7], [sflag:s8] =	dma.local @!p0 [hbm:s6], $0xF7A  }
0x23: {  	s9 =	sor.u32 $0xD0000000, s2;
	s6 =	simm.s32 $0x108;
	_ =	swait.ge @!p0 [sflag:s8], $0x0  }
0x24: {  	s3 =	sadd.s32 $0x88, s3;
	s6 =	simm.s32 @!p1 $0x1082;
	[sflag:s4] =	ssyncset.s32 $0xFFFFF086  }
0x25: {  	[simem:s6], [sflag:s4] =	dma.local [hbm:s3], $0xF7A  }
0x26: {  	[smem:$0x3F9E] =	sst s1;
	(tag) =	ssettag s2;
	_ =	strace s9  }
0x27: {  	s1 =	sld [smem:$0x3FAE]  }
0x28: {  	s2 =	sld [smem:$0x3FAF]  }
0x29: {  	s4 =	sld [smem:$0x3FB1]  }
0x2a: {  	p0 =	seq.s32 s5, $0x0;
	s5 =	sld [smem:$0x3FB2]  }
0x2b: {  	s6 =	sld [smem:$0x3FB3]  }
0x2c: {  	s7 =	sld [smem:$0x3FB4]  }
0x2d: {  	s3 =	simm.s32 $0x108;
	s8 =	sld [smem:$0x3FB5]  }
0x2e: {  	s3 =	simm.s32 @!p0 $0x1082;
	s9 =	sld [smem:$0x3FB6]  }
0x2f: {  	lr =	sadd.s32 s0, s3;
	s0 =	sld [smem:$0x3FAD]  }
0x30: {  	s3 =	sld [smem:$0x3FB0]  }
0x31: {  	[smem:$0x3FB9] =	sst s10  }
0x32: {  	s10 =	sld [smem:$0x3FB7];
	_ =	sdelay $0x3  }
0x33: {  	p0 =	seq.s32 s10, $0x1;
	s10 =	sld [smem:$0x3FB9];
	_ =	sdelay $0x3  }
0x34: {  	[smem:$0x3FB9] =	sst s10  }
0x35: {  	s10 =	sld [smem:$0x3FB8];
	_ =	sdelay $0x3  }
0x36: {  	p1 =	seq.s32 s10, $0x1;
	s10 =	sld [smem:$0x3FB9];
	_ =	sdelay $0x3  }
0x37: {  	[smem:$0x3FB9] =	sst s10  }
0x38: {  	s10 =	sld [smem:$0x3FBA]  }
0x39: {  	_ = 	snop;
	(pc) =	sbr.ind lr, $3  }
0x3a: {  	_ = 	snop  }
0x3b: {  	_ = 	snop  }
0x3c: {  	p2 =	seq.s32 s10, $0x1;
	s10 =	sld [smem:$0x3FB9]  }
0x3d: {  	_ =	shalt  }
0x3e: {  	_ =	shalt  }
0x3f: {  	_ =	shalt  }
0x40: {  	_ =	shalt  }
0x41: {  	_ =	shalt  }
0x42: {  	_ =	shalt  }
0x43: {  	_ =	shalt  }
0x44: {  	_ =	shalt  }
0x45: {  	_ =	shalt  }
0x46: {  	_ =	shalt  }
0x47: {  	_ =	shalt  }
0x48: {  	_ =	shalt  }
0x49: {  	_ =	shalt  }
0x4a: {  	_ =	shalt  }
0x4b: {  	_ =	shalt  }
0x4c: {  	_ =	shalt  }
0x4d: {  	_ =	shalt  }
0x4e: {  	_ =	shalt  }
0x4f: {  	_ =	shalt  }
0x50: {  	_ =	shalt  }
0x51: {  	_ =	shalt  }
0x52: {  	_ =	shalt  }
0x53: {  	_ =	shalt  }
0x54: {  	_ =	shalt  }
0x55: {  	_ =	shalt  }
0x56: {  	_ =	shalt  }
0x57: {  	_ =	shalt  }
0x58: {  	_ =	shalt  }
0x59: {  	_ =	shalt  }
0x5a: {  	_ =	shalt  }
0x5b: {  	_ =	shalt  }
0x5c: {  	_ =	shalt  }
0x5d: {  	_ =	shalt  }
0x5e: {  	_ =	shalt  }
0x5f: {  	_ =	shalt  }
0x60: {  	_ =	shalt  }
0x61: {  	_ =	shalt  }
0x62: {  	_ =	shalt  }
0x63: {  	_ =	shalt  }
0x64: {  	_ =	shalt  }
0x65: {  	_ =	shalt  }
0x66: {  	_ =	shalt  }
0x67: {  	_ =	shalt  }
0x68: {  	_ =	shalt  }
0x69: {  	_ =	shalt  }
0x6a: {  	_ =	shalt  }
0x6b: {  	_ =	shalt  }
0x6c: {  	_ =	shalt  }
0x6d: {  	_ =	shalt  }
0x6e: {  	_ =	shalt  }
0x6f: {  	_ =	shalt  }
0x70: {  	_ =	shalt  }
0x71: {  	_ =	shalt  }
0x72: {  	_ =	shalt  }
0x73: {  	_ =	shalt  }
0x74: {  	_ =	shalt  }
0x75: {  	_ =	shalt  }
0x76: {  	_ =	shalt  }
0x77: {  	_ =	shalt  }
0x78: {  	_ =	shalt  }
0x79: {  	_ =	shalt  }
0x7a: {  	_ =	shalt  }
0x7b: {  	_ =	shalt  }
0x7c: {  	_ =	shalt  }
0x7d: {  	_ =	shalt  }
0x7e: {  	_ =	shalt  }
0x7f: {  	_ =	shalt  }
0x80: {  	_ =	shalt  }
0x81: {  	_ =	shalt  }
0x82: {  	_ =	shalt  }
0x83: {  	_ =	shalt  }
0x84: {  	_ =	shalt  }
0x85: {  	_ =	shalt  }
0x86: {  	_ =	shalt  }
0x87: {  	_ =	shalt  }
.Lfunc_end0:
.L_simem_size_0:
called_computation.1_lowered:
.L_overlay_start_0:
0x88: {  	s2 =	sld [smem:$0x3FD9]  }
0x89: {  	s3 =	sld [smem:$0x3FFE];
	_ =	sdelay $0x1  }
0x8a: {  	s1 =	srdreg.scid  }
0x8b: {  	s0 =	sand.u32 $0x1, s1  }
0x8c: {  	s17 =	sshll.u32 s0, $0xA;
	s2 =	sadd.s32 s3, s2  }
0x8d: {  	s2 =	sadd.s32 s2, s17  }
0x8e: {  	[smem:$0x3FC5] =	sst s2  }
0x8f: {  	_ = 	snop  }
0x90: {  	s2 =	sld [smem:$0x3FD0];
	(tm) =	ssettm $0x1  }
0x91: {  	s18 =	sld [smem:$0x3FFB];
	_ =	sdelay $0x3  }
0x92: {  	_ =	strace s18  }
0x93: {  	s3 =	sld [smem:$0x3FFC];
	_ =	sdelay $0x3  }
0x94: {  	_ =	strace s3  }
0x95: {  	s3 =	sld [smem:$0x3FFD];
	_ =	sdelay $0x3  }
0x96: {  	_ =	strace s3  }
0x97: {  	_ =	strace $0x8FFFFFFF  }
0x98: {  	s19 =	sld [smem:$0x3FDB];
	_ =	sdelay $0x1  }
0x99: {  	s4 =	simm.s32 $_scs_section_size  }
0x9a: {  	s5 =	simm.s32 $_size__tile_overlayer_lowered;
	s6 =	simm.s32 $_tile_overlayer_lowered  }
0x9b: {  	s22 =	simm.s32 $0x1BFF;
	s21 =	sshll.u32 s6, $0x1;
	s3 =	sadd.s32 s4, s19  }
0x9c: {  	s7 =	simm.s32 $0x0;
	s20 =	sshll.u32 s5, $0x1;
	s5 =	sadd.s32 s21, s3  }
0x9d: {  	[timem:s7], [sflag:s22] =	dma.local [hbm:s5], s20  }
0x9e: {  	_ =	swait.ge [sflag:s22], s20  }
0x9f: {  	s4 =	ssub.s32 $0x0, s20;
	[sflag:s22] =	ssyncset.done $0x0  }
0xa0: {  	[sflag:s22] =	ssyncadd.s32 s4;
	_ =	sdelay $0x1  }
0xa1: {  	s23 =	simm.s32 $0x1B8B  }
0xa2: {  	_ =	swait.ge [sflag:s23], $0x1  }
0xa3: {  	[sflag:s23] =	ssyncset.done $0x0  }
0xa4: {  	s25 =	simm.s32 $0x1B8E;
	s24 =	sld [smem:$0x3FFE];
	[sflag:s23] =	ssyncadd.s32 $0xFFFFFFFF  }
0xa5: {  	s26 =	simm.s32 $execute0_lowered;
	[smem:$0x3FD2] =	sst s25  }
0xa6: {  	s5 =	sshll.u32 s26, $0x1;
	_ =	strace $0x80000049;
	[dreg:$0x1] =	wrdreg $0xFFFFFFFF  }
0xa7: {  	s28 =	simm.s32 $_size_execute0_lowered;
	s3 =	sadd.s32 s3, s5;
	[dreg:$0x0] =	wrdreg $0x0  }
0xa8: {  	s5 =	sshll.u32 s28, $0x1;
	[dreg:$0x2] =	wrdreg s3  }
0xa9: {  	[dreg:$0x3] =	wrdreg s5  }
0xaa: {  	[dreg:$0x4] =	wrdreg $0xC0  }
0xab: {  	_ =	task [dreg:s7], $0x5FFFF  }
0xac: {  	[dreg:$0x1] =	wrdreg $0xFFFFFFFF  }
0xad: {  	[dreg:$0x0] =	wrdreg $0x60  }
0xae: {  	[dreg:$0x2] =	wrdreg s24  }
0xaf: {  	[dreg:$0x3] =	wrdreg s2  }
0xb0: {  	[dreg:$0x4] =	wrdreg $0x9  }
0xb1: {  	_ =	task.clear_ibuf [dreg:s7], $0x5FFFF;
	_ =	strace $0x90000049  }
0xb2: {  	s29 =	simm.s32 $0x9;
	_ =	strace $0x8000004B  }
0xb3: {  	_ =	swait.ge [sflag:s29], $0x1  }
0xb4: {  	[sflag:s29] =	ssyncadd.s32 $0xFFFFFFFF  }
0xb5: {  	_ =	strace $0x9000004B  }
0xb6: {  	_ =	sfence  }
0xb7: {  	s30 =	sld [smem:$0x0];
	_ =	sdelay $0x2  }
0xb8: {  	s31 =	sshll.u32 s1, $0xD;
	s1 =	sshrl.u32 s1, $0x2  }
0xb9: {  	s3 =	sand.u32 $0x4000, s31;
	s1 =	sadd.s32 s1, s30  }
0xba: {  	s0 =	sor.u32 s3, s0;
	s1 =	sshll.u32 s1, $0x11  }
0xbb: {  	s0 =	sor.u32 s1, s0  }
0xbc: {  	s0 =	sadd.s32 $0x8F2B, s0  }
0xbd: {  	[sflag:s0] =	ssyncadd.remote.s32 $0x1  }
0xbe: {  	_ =	sfence.sel $0xFFFF  }
0xbf: {  	[dreg:$0x0] =	wrdreg $0xFFFFFFFF;
	(pc) =	sbr.abs _section_cstart, $3  }
0xc0: {  	[dreg:$0x1] =	wrdreg $0xFFFFFFFF  }
0xc1: {  	_ =	task.clear_ibuf [dreg:s7], $0x2FFFF;
	_ =	strace $0x9FFFFFFF  }
0xc2: {  	(tm) =	ssettm $0x7FFFFFFF  }
0xc3: {  	_ =	shalt  }
tec
execute0_lowered:
.L_overlay_start_1:
0x0: {  	(tag) =	ssettag $0x1  }
0x1: {  	s1 =	srdreg.scid  }
0x2: {  	s5 =	rddreg [dreg:$0x0];
	s0 =	stileid.u32;
	s8 =	sand.u32 $0x1, s1  }
0x3: {  	s9 =	rddreg [dreg:$0x1];
	s3 =	sshll.u32 s0, $0x6;
	s4 =	sshll.u32 s8, $0x5  }
0x4: {  	s2 =	simm.s32 $0x0;
	s1 =	rddreg [dreg:$0x2];
	s10 =	sor.u32 s4, s3  }
0x5: {  	[smem:$0x7FF] =	sst s2;
	s6 =	sadd.s32 s10, s5  }
0x6: {  	_ =	strace $0x8000004A;
	s3 =	simm.s32 $0x2;
	s4 =	sadd.s32 $0x41200, s6  }
0x7: {  	[tilespmem:s2], [sflag:$0x2] =	stream.linear.gather [hbm4b:s4+s2], $0x100, $0x38;
	[tilespmem:$0x400] =	vst v63  }
0x8: {  	_ =	swait.ge [sflag:s3], $0x100  }
0x9: {  	[sflag:s3] =	ssyncset.done $0x0  }
0xa: {  	s7 =	simm.s32 $0x100;
	s6 =	sadd.s32 $0x41600, s6;
	[sflag:s3] =	ssyncadd.s32 $0xFFFFFF00  }
0xb: {  	[tilespmem:s7], [sflag:$0x2] =	stream.linear.gather [hbm4b:s6+s2], $0x100, $0x38;
	[tilespmem:$0x400] =	vst v63  }
0xc: {  	_ =	swait.ge [sflag:s3], $0x100  }
0xd: {  	[sflag:s3] =	ssyncset.done $0x0  }
0xe: {  	[sflag:s3] =	ssyncadd.s32 $0xFFFFFF00  }
0xf: {  	v3 =	vld [tilespmem:$0x1D0]  }
0x10: {  	v0 =	vld [tilespmem:$0x1C0]  }
0x11: {  	v1 =	vld [tilespmem:$0x100]  }
0x12: {  	v4 =	vld [tilespmem:$0xD0]  }
0x13: {  	v5 =	vld [tilespmem:$0x1A0]  }
0x14: {  	v6 =	vld [tilespmem:$0x190]  }
0x15: {  	v7 =	vld [tilespmem:$0x180]  }
0x16: {  	v8 =	vld [tilespmem:$0xA0]  }
0x17: {  	v9 =	vld [tilespmem:$0x170]  }
0x18: {  	v10 =	vld [tilespmem:$0x90]  }
0x19: {  	v11 =	vld [tilespmem:$0x160]  }
0x1a: {  	v12 =	vld [tilespmem:$0x80]  }
0x1b: {  	v13 =	vld [tilespmem:$0x150]  }
0x1c: {  	v14 =	vld [tilespmem:$0x70]  }
0x1d: {  	v15 =	vld [tilespmem:$0x140]  }
0x1e: {  	v16 =	vld [tilespmem:$0x60]  }
0x1f: {  	v17 =	vld [tilespmem:$0x130]  }
0x20: {  	s8 =	ssub.s32 $0x2, s8;
	v2 =	vld [tilespmem:$0x110]  }
0x21: {  	s11 =	sshrl.u32 s8, $0x1;
	v18 =	vld [tilespmem:$0x50];
	v4 =	vshll.u32 v4, $0xA  }
0x22: {  	s11 =	ssub.s32 s8, s11;
	v3 =	vadd.s32 v3, v4;
	v4 =	vshll.u32 v8, $0xA;
	v8 =	vld [tilespmem:$0x40]  }
0x23: {  	s19 =	smax.u32 s11, $0x1;
	[tilespmem:$0x2D0] =	vst v3;
	v3 =	vadd.s32 v5, v4;
	v4 =	vshll.u32 v10, $0xA;
	v10 =	vld [tilespmem:$0x30]  }
0x24: {  	p0 =	sne.s32 s19, $0x1;
	v63 =	vld [tilespmem:$0x20];
	[tilespmem:$0x2A0] =	vst v3;
	v3 =	vadd.s32 v6, v4;
	v4 =	vshll.u32 v12, $0xA  }
.Ltmp0:
0x25: {  	s12 =	simm.s32 $0x200;
	v5 =	vshll.u32 v14, $0xA;
	v6 =	vld [tilespmem:$0x10];
	[tilespmem:$0x290] =	vst v3;
	v4 =	vadd.s32 v7, v4;
	(pc) =	sbr.rel @!p0 .LBB2_2-.Ltmp0, $4  }
0x26: {  	s13 =	simm.s32 $0x240;
	s14 =	simm.s32 $0x340;
	s15 =	simm.s32 $0x280;
	v3 =	vld [tilespmem:$0xF0];
	[tilespmem:$0x280] =	vst v4;
	v4 =	vadd.s32 v9, v5;
	v5 =	vshll.u32 v16, $0xA  }
0x27: {  	s16 =	simm.s32 $0x380;
	s17 =	simm.s32 $0x2C0;
	s18 =	simm.s32 $0x3C0;
	v7 =	vshll.u32 v18, $0xA;
	[tilespmem:$0x270] =	vst v4;
	v4 =	vadd.s32 v11, v5;
	v5 =	vld [tilespmem:$0xE0]  }
0x28: {  	s8 =	sadd.s32 $0x21200, s5;
	s5 =	sadd.s32 s9, s10;
	s10 =	simm.s32 $0x40;
	[tilespmem:$0x260] =	vst v4;
	v4 =	vshll.u32 v8, $0xA;
	v8 =	vadd.s32 v13, v7;
	v7 =	vld [tilespmem:$0x0];
	v9 =	vshll.u32 v10, $0xA  }
0x29: {  	s9 =	simm.s32 $0x300;
	s11 =	simm.s32 $0x1;
	s19 =	sadd.s32 $0xFFFFFFFF, s19;
	v10 =	vadd.s32 v15, v4;
	[tilespmem:$0x250] =	vst v8;
	v4 =	vshll.u32 v63, $0xA;
	v8 =	vadd.s32 v17, v9;
	v9 =	vld [tilespmem:$0xC0]  }
.LBB2_1:
0x2a: {  	p0 =	sne.s32 s19, $0x1;
	s19 =	sadd.s32 $0xFFFFFFFF, s19;
	[tilespmem:$0x240] =	vst v10;
	v10 =	vld [tilespmem:$0x1E0]  }
0x2b: {  	v11 =	vld [tilespmem:$0xB0]  }
0x2c: {  	v12 =	vld [tilespmem:$0x1B0]  }
0x2d: {  	v6 =	vshll.u32 v6, $0xA;
	v7 =	vshll.u32 v7, $0xA;
	v13 =	vld [tilespmem:$0x1F0]  }
0x2e: {  	v2 =	vadd.s32 v2, v6;
	v5 =	vshll.u32 v5, $0xA;
	v6 =	vld [tilespmem:$0x120];
	[tilespmem:$0x230] =	vst v8;
	v8 =	vshll.u32 v9, $0xA  }
0x2f: {  	v1 =	vadd.s32 v1, v7;
	[tilespmem:$0x210] =	vst v2;
	v0 =	vadd.s32 v0, v8;
	v2 =	vadd.s32 v10, v5  }
0x30: {  	v5 =	vshll.u32 v11, $0xA;
	[tilespmem:$0x2C0] =	vst v0  }
0x31: {  	v0 =	vadd.s32 v12, v5;
	[tilespmem:$0x2E0] =	vst v2;
	v2 =	vshll.u32 v3, $0xA  }
0x32: {  	[tilespmem:$0x200] =	vst v1;
	v1 =	vadd.s32 v13, v2  }
0x33: {  	v2 =	vadd.s32 v6, v4;
	[tilespmem:$0x2B0] =	vst v0  }
0x34: {  	[tilespmem:$0x220] =	vst v2  }
0x35: {  	[tilespmem:$0x2F0] =	vst v1  }
0x36: {  	[tilespmem:s9], [sflag:$0x1] =	stream.indirect.gather [hbm4b:s8+s10], $0x1, s12, s10, $0xb8;
	[tilespmem:$0x400] =	vst v63  }
0x37: {  	_ =	swait.ge [sflag:s11], $0x40  }
0x38: {  	[sflag:s11] =	ssyncset.done $0x0  }
0x39: {  	[sflag:s11] =	ssyncadd.s32 $0xFFFFFFC0  }
0x3a: {  	[tilespmem:s14], [sflag:$0x1] =	stream.indirect.gather [hbm4b:s8+s10], $0x1, s13, s10, $0xb8;
	[tilespmem:$0x400] =	vst v63  }
0x3b: {  	_ =	swait.ge [sflag:s11], $0x40  }
0x3c: {  	[sflag:s11] =	ssyncset.done $0x0  }
0x3d: {  	[sflag:s11] =	ssyncadd.s32 $0xFFFFFFC0  }
0x3e: {  	[tilespmem:s16], [sflag:$0x1] =	stream.indirect.gather [hbm4b:s8+s10], $0x1, s15, s10, $0xb8;
	[tilespmem:$0x400] =	vst v63  }
0x3f: {  	_ =	swait.ge [sflag:s11], $0x40  }
0x40: {  	[sflag:s11] =	ssyncset.done $0x0  }
0x41: {  	[sflag:s11] =	ssyncadd.s32 $0xFFFFFFC0  }
0x42: {  	[tilespmem:s18], [sflag:$0x1] =	stream.indirect.gather [hbm4b:s8+s10], $0x1, s17, s10, $0xb8;
	[tilespmem:$0x400] =	vst v63  }
0x43: {  	_ =	swait.ge [sflag:s11], $0x40  }
0x44: {  	[sflag:s11] =	ssyncset.done $0x0  }
0x45: {  	[sflag:s11] =	ssyncadd.s32 $0xFFFFFFC0  }
0x46: {  	[hbm4b:s5+s2] =	stream.linear.scatter [tilespmem:s9], [sflag:$0x2], $0x100, $0x38;
	[tilespmem:$0x400] =	vst v63  }
0x47: {  	_ =	swait.ge [sflag:s3], $0x100  }
0x48: {  	[sflag:s3] =	ssyncset.done $0x0  }
0x49: {  	[sflag:s3] =	ssyncadd.s32 $0xFFFFFF00  }
0x4a: {  	[tilespmem:s2], [sflag:$0x2] =	stream.linear.gather [hbm4b:s4+s2], $0x100, $0x38;
	[tilespmem:$0x400] =	vst v63  }
0x4b: {  	_ =	swait.ge [sflag:s3], $0x100  }
0x4c: {  	[sflag:s3] =	ssyncset.done $0x0  }
0x4d: {  	[sflag:s3] =	ssyncadd.s32 $0xFFFFFF00  }
0x4e: {  	[tilespmem:s7], [sflag:$0x2] =	stream.linear.gather [hbm4b:s6+s2], $0x100, $0x38;
	[tilespmem:$0x400] =	vst v63  }
0x4f: {  	_ =	swait.ge [sflag:s3], $0x100  }
0x50: {  	[sflag:s3] =	ssyncset.done $0x0  }
0x51: {  	[sflag:s3] =	ssyncadd.s32 $0xFFFFFF00  }
0x52: {  	v2 =	vld [tilespmem:$0x1D0]  }
0x53: {  	v0 =	vld [tilespmem:$0x1C0]  }
0x54: {  	v1 =	vld [tilespmem:$0x100]  }
0x55: {  	v3 =	vld [tilespmem:$0xD0]  }
0x56: {  	v4 =	vld [tilespmem:$0x1A0]  }
0x57: {  	v5 =	vld [tilespmem:$0x190]  }
0x58: {  	v6 =	vld [tilespmem:$0x180]  }
0x59: {  	v7 =	vld [tilespmem:$0xA0]  }
0x5a: {  	v8 =	vld [tilespmem:$0x170];
	v3 =	vshll.u32 v3, $0xA  }
0x5b: {  	v9 =	vld [tilespmem:$0x90];
	v2 =	vadd.s32 v2, v3  }
0x5c: {  	v3 =	vld [tilespmem:$0x160];
	[tilespmem:$0x2D0] =	vst v2  }
0x5d: {  	v2 =	vld [tilespmem:$0x80]  }
0x5e: {  	v10 =	vld [tilespmem:$0x150];
	v7 =	vshll.u32 v7, $0xA  }
0x5f: {  	v11 =	vld [tilespmem:$0x70];
	v4 =	vadd.s32 v4, v7  }
0x60: {  	v12 =	vld [tilespmem:$0x140];
	v7 =	vshll.u32 v9, $0xA;
	[tilespmem:$0x2A0] =	vst v4  }
0x61: {  	v4 =	vld [tilespmem:$0x60];
	v5 =	vadd.s32 v5, v7  }
0x62: {  	v9 =	vld [tilespmem:$0x130];
	v7 =	vshll.u32 v2, $0xA;
	[tilespmem:$0x290] =	vst v5  }
0x63: {  	v2 =	vld [tilespmem:$0x110];
	v5 =	vadd.s32 v6, v7  }
0x64: {  	v7 =	vld [tilespmem:$0x50];
	v6 =	vshll.u32 v11, $0xA;
	[tilespmem:$0x280] =	vst v5  }
0x65: {  	v5 =	vld [tilespmem:$0x40];
	v6 =	vadd.s32 v8, v6  }
0x66: {  	v8 =	vld [tilespmem:$0x30];
	v4 =	vshll.u32 v4, $0xA;
	[tilespmem:$0x270] =	vst v6  }
0x67: {  	v11 =	vld [tilespmem:$0x20];
	v3 =	vadd.s32 v3, v4  }
.Ltmp1:
0x68: {  	[tilespmem:$0x260] =	vst v3;
	v3 =	vld [tilespmem:$0xF0];
	(pc) =	sbr.rel @p0 .LBB2_1-.Ltmp1, $4  }
0x69: {  	v6 =	vld [tilespmem:$0x10];
	v4 =	vshll.u32 v7, $0xA  }
0x6a: {  	v13 =	vshll.u32 v5, $0xA;
	v4 =	vadd.s32 v10, v4;
	v5 =	vld [tilespmem:$0xE0]  }
0x6b: {  	v7 =	vld [tilespmem:$0x0];
	v8 =	vshll.u32 v8, $0xA;
	v10 =	vadd.s32 v12, v13;
	[tilespmem:$0x250] =	vst v4  }
0x6c: {  	v4 =	vshll.u32 v11, $0xA;
	v8 =	vadd.s32 v9, v8;
	v9 =	vld [tilespmem:$0xC0]  }
.LBB2_2:
0x6d: {  	v11 =	vld [tilespmem:$0x1E0]  }
0x6e: {  	v12 =	vld [tilespmem:$0xB0]  }
0x6f: {  	[tilespmem:$0x240] =	vst v10;
	v56 =	vld [tilespmem:$0x120];
	v6 =	vshll.u32 v6, $0xA  }
0x70: {  	v55 =	vld [tilespmem:$0x1B0];
	[tilespmem:$0x230] =	vst v8;
	v2 =	vadd.s32 v2, v6;
	v59 =	vshll.u32 v7, $0xA  }
0x71: {  	v58 =	vld [tilespmem:$0x1F0];
	[tilespmem:$0x210] =	vst v2;
	v57 =	vshll.u32 v9, $0xA;
	v60 =	vadd.s32 v1, v59  }
0x72: {  	v5 =	vshll.u32 v5, $0xA;
	v0 =	vadd.s32 v0, v57;
	[tilespmem:$0x200] =	vst v60  }
0x73: {  	v5 =	vadd.s32 v11, v5;
	[tilespmem:$0x2C0] =	vst v0  }
0x74: {  	v61 =	vshll.u32 v12, $0xA;
	v63 =	vadd.s32 v56, v4;
	[tilespmem:$0x2E0] =	vst v5  }
0x75: {  	v62 =	vshll.u32 v3, $0xA;
	v1 =	vadd.s32 v55, v61;
	[tilespmem:$0x220] =	vst v63  }
0x76: {  	v0 =	vadd.s32 v58, v62;
	[tilespmem:$0x2B0] =	vst v1  }
0x77: {  	[tilespmem:$0x2F0] =	vst v0  }
0x78: {  	[tilespmem:s9], [sflag:$0x1] =	stream.indirect.gather [hbm4b:s8+s10], $0x1, s12, s10, $0xb8;
	[tilespmem:$0x400] =	vst v63  }
0x79: {  	_ =	swait.ge [sflag:s11], $0x40  }
0x7a: {  	[sflag:s11] =	ssyncset.done $0x0  }
0x7b: {  	[sflag:s11] =	ssyncadd.s32 $0xFFFFFFC0  }
0x7c: {  	[tilespmem:s14], [sflag:$0x1] =	stream.indirect.gather [hbm4b:s8+s10], $0x1, s13, s10, $0xb8;
	[tilespmem:$0x400] =	vst v63  }
0x7d: {  	_ =	swait.ge [sflag:s11], $0x40  }
0x7e: {  	[sflag:s11] =	ssyncset.done $0x0  }
0x7f: {  	[sflag:s11] =	ssyncadd.s32 $0xFFFFFFC0  }
0x80: {  	[tilespmem:s16], [sflag:$0x1] =	stream.indirect.gather [hbm4b:s8+s10], $0x1, s15, s10, $0xb8;
	[tilespmem:$0x400] =	vst v63  }
0x81: {  	_ =	swait.ge [sflag:s11], $0x40  }
0x82: {  	[sflag:s11] =	ssyncset.done $0x0  }
0x83: {  	[sflag:s11] =	ssyncadd.s32 $0xFFFFFFC0  }
0x84: {  	[tilespmem:s18], [sflag:$0x1] =	stream.indirect.gather [hbm4b:s8+s10], $0x1, s17, s10, $0xb8;
	[tilespmem:$0x400] =	vst v63  }
0x85: {  	_ =	swait.ge [sflag:s11], $0x40  }
0x86: {  	[sflag:s11] =	ssyncset.done $0x0  }
0x87: {  	[sflag:s11] =	ssyncadd.s32 $0xFFFFFFC0  }
0x88: {  	[hbm4b:s5+s2] =	stream.linear.scatter [tilespmem:s9], [sflag:$0x2], $0x100, $0x38;
	[tilespmem:$0x400] =	vst v63  }
0x89: {  	_ =	swait.ge [sflag:s3], $0x100  }
0x8a: {  	[sflag:s3] =	ssyncset.done $0x0  }
0x8b: {  	[sflag:s3] =	ssyncadd.s32 $0xFFFFFF00  }
0x8c: {  	_ =	sfence.sel $0x180000  }
0x8d: {  	[bflag:$0x0] =	sbarrier.arrive $0xFFFF  }
0x8e: {  	p0 =	sne.s32 s0, $0x0;
	_ =	strace $0x9000004A  }
0x8f: {  	s0 =	sadd.s32 @!p0 $0x100000, s1;
	[bflag:$0x2] =	sbarrier.arrive $0xFFFF  }
0x90: {  	[sflag:s0] =	ssyncadd.tile.s32 @!p0 $0x1;
	_ =	shalt  }
.Lfunc_end2:
_tile_overlayer_lowered:
.L_overlay_start_2:
0x91: {  	(tag) =	ssettag $0x2  }
0x92: {  	s0 =	rddreg [dreg:$0x0];
	s2 =	stileid.u32  }
0x93: {  	s1 =	rddreg [dreg:$0x1];
	p0 =	sne.s32 s2, $0x0  }
0x94: {  	s3 =	rddreg [dreg:$0x2];
	[bflag:$0x3] =	sbarrier.arrive $0xFFFF;
	s2 =	simm.s32 @!p0 $0x1C02  }
0x95: {  	[timem:s3], [sflag:s2] =	dma.local @!p0 [hbm:s0], s1  }
0x96: {  	s0 =	simm.s32 @!p0 $0x2  }
0x97: {  	_ =	swait.ge @!p0 [sflag:s0], s1  }
0x98: {  	s1 =	ssub.s32 @!p0 $0x0, s1;
	[sflag:s0] =	ssyncset.done @!p0 $0x0  }
0x99: {  	[sflag:s0] =	ssyncadd.s32 @!p0 s1  }
0x9a: {  	[bflag:$0x3] =	sbarrier.arrive $0xFFFF  }
0x9b: {  	_ =	shalt  }

</sc_bundles>
